<compile_context>
chip_gen: v7x
topology: tpu7x:2x2x1
jax: 0.10.2.dev20260603
libtpu: 0.0.44.dev20260713+nightly
codegen_flags: <defaults>
</compile_context>

<pallas_src>
import jax
import jax.numpy as jnp
from jax import lax
from jax.experimental import pallas as pl
from jax.experimental.pallas import tpu as pltpu
from jax.experimental.pallas import tpu_sc as plsc

N = 10000
D = 128
H = 128
C = 16
E = 320000

NC = 2
NS = 16

N_PAD = 10112
ZR = N_PAD // NS
K = 128
NCH = 160
EPT = NCH * K
E_PAD = NS * EPT
DH = D // 2
KB = 5

_mesh = plsc.VectorSubcoreMesh(core_axis_name="c", subcore_axis_name="s")


DW = 8


def _make_agg(with_deg):
    out_type = [jax.ShapeDtypeStruct((NC, N_PAD, DH), jnp.float32)]
    scratch = [
        pltpu.VMEM((KB, K), jnp.int32),
        pltpu.VMEM((NCH, K), jnp.int32),
    ] + [pltpu.VMEM((K, DH), jnp.float32)] * KB + [
        pltpu.VMEM_SHARED((N_PAD, DH), jnp.float32),
    ] + [pltpu.SemaphoreType.DMA] * (3 * KB)
    if with_deg:
        out_type.append(jax.ShapeDtypeStruct((NC, N_PAD, DW), jnp.float32))
        scratch.append(pltpu.VMEM((K, DW), jnp.float32))
        scratch.append(pltpu.VMEM_SHARED((N_PAD, DW), jnp.float32))

    def body(h_hbm, srcr, dstr, z2d, zdeg, ones_hbm, *rest):
        if with_deg:
            out_hbm, deg_hbm, sidxr, dall = rest[:4]
            rows = rest[4:4 + KB]
            acc = rest[4 + KB]
            sems = rest[5 + KB:5 + 4 * KB]
            onesb, dacc = rest[5 + 4 * KB:]
        else:
            out_hbm, sidxr, dall = rest[:3]
            rows = rest[3:3 + KB]
            acc = rest[3 + KB]
            sems = rest[4 + KB:4 + 4 * KB]
        isem = sems[:KB]
        gsem = sems[KB:2 * KB]
        ssem = sems[2 * KB:]
        c = lax.axis_index("c")
        s = lax.axis_index("s")

        pltpu.sync_copy(dstr.at[s], dall)
        pltpu.sync_copy(z2d, acc.at[pl.ds(s * ZR, ZR)])
        if with_deg:
            pltpu.sync_copy(ones_hbm, onesb)
            pltpu.sync_copy(zdeg, dacc.at[pl.ds(s * ZR, ZR)])
        plsc.subcore_barrier()

        tbl = h_hbm.at[c]

        def grow(idx_ref):
            return tbl.at[idx_ref]

        gdon = tbl.at[pl.ds(0, K)]
        idon = srcr.at[s, 0]

        def sdrain(b):
            pltpu.make_async_copy(rows[b], acc.at[dall.at[0]], ssem[b]).wait()

        for b in range(KB):
            pltpu.async_copy(srcr.at[s, b], sidxr.at[b], isem[b])
        for b in range(2):
            pltpu.make_async_copy(idon, sidxr.at[b], isem[b]).wait()
            pltpu.async_copy(grow(sidxr.at[b]), rows[b], gsem[b])

        def it(i, carry):
            for b in range(KB):
                j = i * KB + b
                bg = (b + 2) % KB
                bs = (b + KB - 2) % KB
                pltpu.make_async_copy(gdon, rows[b], gsem[b]).wait()

                @pl.when(j + KB < NCH)
                def _():
                    pltpu.async_copy(srcr.at[s, j + KB], sidxr.at[b], isem[b])

                pltpu.async_copy(rows[b], acc.at[dall.at[j]], ssem[b], add=True)
                if with_deg:

                    @pl.when(c == (i + b) % 2)
                    def _():
                        pltpu.sync_copy(onesb, dacc.at[dall.at[j]], add=True)

                @pl.when(j + 2 < NCH)
                def _():
                    @pl.when(j >= 2)
                    def _():
                        sdrain(bs)

                    pltpu.make_async_copy(idon, sidxr.at[bg], isem[bg]).wait()
                    pltpu.async_copy(grow(sidxr.at[bg]), rows[bg], gsem[bg])

            return carry

        lax.fori_loop(0, NCH // KB, it, 0)
        for t in range(NCH - 4, NCH):
            sdrain(t % KB)
        plsc.subcore_barrier()
        pltpu.sync_copy(acc.at[pl.ds(s * ZR, ZR)], out_hbm.at[c, pl.ds(s * ZR, ZR)])
        if with_deg:
            pltpu.sync_copy(dacc.at[pl.ds(s * ZR, ZR)], deg_hbm.at[c, pl.ds(s * ZR, ZR)])

    return pl.kernel(
        body,
        out_type=out_type if with_deg else out_type[0],
        mesh=_mesh,
        scratch_types=tuple(scratch),
        compiler_params=pltpu.CompilerParams(use_tc_tiling_on_sc=False),
    )


_agg_deg = _make_agg(True)
_agg = _make_agg(False)

BR = 10000


def _tc1_body(x_ref, p_ref, dg_ref, w_ref, b_ref, h_ref):
    deg = jnp.maximum(dg_ref[0, :, :1] + dg_ref[1, :, :1], 1.0)
    agg = jnp.concatenate([p_ref[0], p_ref[1]], axis=1) / deg
    t = x_ref[...] + agg
    h_ref[...] = jnp.maximum(
        jnp.dot(t, w_ref[...], preferred_element_type=jnp.float32) + b_ref[...], 0.0
    )


_tc1 = pl.pallas_call(
    _tc1_body,
    grid=(N // BR,),
    in_specs=[
        pl.BlockSpec((BR, D), lambda i: (i, 0)),
        pl.BlockSpec((NC, BR, DH), lambda i: (0, i, 0)),
        pl.BlockSpec((NC, BR, DW), lambda i: (0, i, 0)),
        pl.BlockSpec((D, H), lambda i: (0, 0)),
        pl.BlockSpec((1, H), lambda i: (0, 0)),
    ],
    out_specs=pl.BlockSpec((BR, H), lambda i: (i, 0)),
    out_shape=jax.ShapeDtypeStruct((N, H), jnp.float32),
)


def _tc2_body(h_ref, p_ref, dg_ref, w_ref, b_ref, wc_ref, bc_ref, o_ref, mx_ref):
    i = pl.program_id(0)
    deg = jnp.maximum(dg_ref[0, :, :1] + dg_ref[1, :, :1], 1.0)
    t = h_ref[...] + jnp.concatenate([p_ref[0], p_ref[1]], axis=1) / deg
    h2 = jnp.dot(t, w_ref[...], preferred_element_type=jnp.float32) + b_ref[...]
    bm = jnp.max(h2, axis=0, keepdims=True)

    @pl.when(i == 0)
    def _():
        mx_ref[...] = bm

    @pl.when(i > 0)
    def _():
        mx_ref[...] = jnp.maximum(mx_ref[...], bm)

    @pl.when(i == pl.num_programs(0) - 1)
    def _():
        o_ref[...] = (
            jnp.dot(mx_ref[...], wc_ref[...], preferred_element_type=jnp.float32)
            + bc_ref[...]
        )


_tc2 = pl.pallas_call(
    _tc2_body,
    grid=(N // BR,),
    in_specs=[
        pl.BlockSpec((BR, H), lambda i: (i, 0)),
        pl.BlockSpec((NC, BR, DH), lambda i: (0, i, 0)),
        pl.BlockSpec((NC, BR, DW), lambda i: (0, i, 0)),
        pl.BlockSpec((H, H), lambda i: (0, 0)),
        pl.BlockSpec((1, H), lambda i: (0, 0)),
        pl.BlockSpec((H, C), lambda i: (0, 0)),
        pl.BlockSpec((1, C), lambda i: (0, 0)),
    ],
    out_specs=pl.BlockSpec((1, C), lambda i: (0, 0)),
    out_shape=jax.ShapeDtypeStruct((1, C), jnp.float32),
    scratch_shapes=[pltpu.VMEM((1, H), jnp.float32)],
)


@jax.jit
def kernel(x, edge_index, W1, b1, W2, b2, Wc, bc):
    src = edge_index[0]
    dst = edge_index[1]
    pad = E_PAD - E
    srcp = jnp.concatenate([src, jnp.zeros((pad,), jnp.int32)]).reshape(NS, NCH, K)
    dstp = jnp.concatenate([dst, jnp.full((pad,), N, jnp.int32)]).reshape(NS, NCH, K)
    z2d = jnp.zeros((ZR, DH), jnp.float32)
    zdeg = jnp.zeros((ZR, DW), jnp.float32)
    ones = jnp.ones((K, DW), jnp.float32)

    xt = x.reshape(N, NC, DH).transpose(1, 0, 2)
    p1, degp = _agg_deg(xt, srcp, dstp, z2d, zdeg, ones)
    h1 = _tc1(x, p1, degp, W1, b1.reshape(1, H))
    h1t = h1.reshape(N, NC, DH).transpose(1, 0, 2)
    p2 = _agg(h1t, srcp, dstp, z2d, zdeg, ones)
    return _tc2(h1, p2, degp, W2, b2.reshape(1, H), Wc, bc.reshape(1, C))

# --- scband reference (transcript-rebuilt; emitter-appended) ---
"""Pipeline reference for scband-gin-51170240364966 (READ-ONLY COPY).

The authoritative reference and input builder live on the scoring server;
editing this copy changes nothing except your own understanding.
"""

import jax, jax.numpy as jnp
import numpy as np

N = 10000
E = 320000
D = 128
H = 128
C = 16


def setup_inputs(seed: int = 0) -> dict:
    key = jax.random.key(seed)
    k1, k2, k3, k4, k5 = jax.random.split(key, 5)
    x = jax.random.normal(k1, (N, D), dtype=jnp.float32)
    edge_index = jax.random.randint(k2, (2, E), 0, N, dtype=jnp.int32)
    W1 = jax.random.normal(k3, (D, H), dtype=jnp.float32) * 0.05
    b1 = jnp.zeros((H,), dtype=jnp.float32)
    W2 = jax.random.normal(k4, (H, H), dtype=jnp.float32) * 0.05
    b2 = jnp.zeros((H,), dtype=jnp.float32)
    Wc = jax.random.normal(k5, (H, C), dtype=jnp.float32) * 0.05
    bc = jnp.zeros((C,), dtype=jnp.float32)
    return {"x": x, "edge_index": edge_index, "W1": W1, "b1": b1, "W2": W2, "b2": b2, "Wc": Wc, "bc": bc}


def reference(x, edge_index, W1, b1, W2, b2, Wc, bc):
    # DGL GINConv with aggregator_type='mean', eps=0:
    #   rst = apply_func((1 + eps) * feat + mean_{j in N(i)} feat_j)
    src = edge_index[0]
    dst = edge_index[1]
    deg = jnp.zeros((N,), dtype=x.dtype).at[dst].add(1.0)
    deg = jnp.clip(deg, 1.0, None)

    def gin_conv(h, W, b):
        agg = jax.ops.segment_sum(h[src], dst, num_segments=N) / deg[:, None]
        return ((1.0 + 0.0) * h + agg) @ W + b

    h = gin_conv(x, W1, b1)
    h = jax.nn.relu(h)
    h = gin_conv(h, W2, b2)
    # dgl.max_nodes over a single graph -> max over all nodes, keep batch dim
    hg = jnp.max(h, axis=0, keepdims=True)
    return hg @ Wc + bc

if __name__ == "__main__":
    import jax
    _d = setup_inputs()
    print(jax.jit(kernel)(*tuple(_d.values())))

</pallas_src>

<mosaic_0001>
#map = affine_map<(d0, d1) -> (0, 0, 0)>
#map1 = affine_map<(d0, d1) -> (0, 0)>
module attributes {stable_mosaic.version = 14 : i64} {
  func.func @body(%arg0: i32, %arg1: i32, %arg2: memref<2x10000x64xf32, #tpu.memory_space<hbm>>, %arg3: memref<16x160x128xi32, #tpu.memory_space<hbm>>, %arg4: memref<16x160x128xi32, #tpu.memory_space<hbm>>, %arg5: memref<632x64xf32, #tpu.memory_space<hbm>>, %arg6: memref<632x8xf32, #tpu.memory_space<hbm>>, %arg7: memref<128x8xf32, #tpu.memory_space<hbm>>, %arg8: memref<2x10112x64xf32, #tpu.memory_space<hbm>>, %arg9: memref<2x10112x8xf32, #tpu.memory_space<hbm>>, %arg10: memref<5x128xi32, #tpu.memory_space<vmem>>, %arg11: memref<160x128xi32, #tpu.memory_space<vmem>>, %arg12: memref<128x64xf32, #tpu.memory_space<vmem>>, %arg13: memref<128x64xf32, #tpu.memory_space<vmem>>, %arg14: memref<128x64xf32, #tpu.memory_space<vmem>>, %arg15: memref<128x64xf32, #tpu.memory_space<vmem>>, %arg16: memref<128x64xf32, #tpu.memory_space<vmem>>, %arg17: memref<10112x64xf32, #tpu.memory_space<vmem_shared>>, %arg18: memref<!tpu.dma_semaphore, #tpu.memory_space<semaphore_mem>>, %arg19: memref<!tpu.dma_semaphore, #tpu.memory_space<semaphore_mem>>, %arg20: memref<!tpu.dma_semaphore, #tpu.memory_space<semaphore_mem>>, %arg21: memref<!tpu.dma_semaphore, #tpu.memory_space<semaphore_mem>>, %arg22: memref<!tpu.dma_semaphore, #tpu.memory_space<semaphore_mem>>, %arg23: memref<!tpu.dma_semaphore, #tpu.memory_space<semaphore_mem>>, %arg24: memref<!tpu.dma_semaphore, #tpu.memory_space<semaphore_mem>>, %arg25: memref<!tpu.dma_semaphore, #tpu.memory_space<semaphore_mem>>, %arg26: memref<!tpu.dma_semaphore, #tpu.memory_space<semaphore_mem>>, %arg27: memref<!tpu.dma_semaphore, #tpu.memory_space<semaphore_mem>>, %arg28: memref<!tpu.dma_semaphore, #tpu.memory_space<semaphore_mem>>, %arg29: memref<!tpu.dma_semaphore, #tpu.memory_space<semaphore_mem>>, %arg30: memref<!tpu.dma_semaphore, #tpu.memory_space<semaphore_mem>>, %arg31: memref<!tpu.dma_semaphore, #tpu.memory_space<semaphore_mem>>, %arg32: memref<!tpu.dma_semaphore, #tpu.memory_space<semaphore_mem>>, %arg33: memref<128x8xf32, #tpu.memory_space<vmem>>, %arg34: memref<10112x8xf32, #tpu.memory_space<vmem_shared>>) attributes {dimension_semantics = [#tpu.dimension_semantics<core_parallel>, #tpu.dimension_semantics<subcore_parallel>], iteration_bounds = array<i64: 2, 16>, scalar_prefetch = 0 : i64, scratch_operands = 25 : i64, tpu.core_type = #tpu.core_type<sc_vector_subcore>, window_params = [{transform_indices = #map}, {transform_indices = #map}, {transform_indices = #map}, {transform_indices = #map1}, {transform_indices = #map1}, {transform_indices = #map1}, {transform_indices = #map}, {transform_indices = #map}]} {
    "tpu.region"() ({
      %run_scoped3A = tpu.sem_alloc : memref<!tpu.dma_semaphore, #tpu.memory_space<semaphore_mem>>
      %dma_start3A_164 = arith.constant 0 : i32
      %dma_start3A_165 = arith.constant 0 : i32
      %dma_start3A_166 = tpu.memref_slice %arg4[%arg1, %dma_start3A_164, %dma_start3A_165] : memref<16x160x128xi32, #tpu.memory_space<hbm>> -> memref<1x160x128xi32, #tpu.memory_space<hbm>>
      %dma_start3A_167 = tpu.memref_squeeze %dma_start3A_166 : memref<1x160x128xi32, #tpu.memory_space<hbm>> -> memref<160x128xi32, #tpu.memory_space<hbm>>
      %dma_start3A_168 = arith.constant 0 : i32
      %dma_start3A_169 = arith.constant 0 : i32
      %dma_start3A_170 = tpu.memref_slice %arg4[%arg1, %dma_start3A_168, %dma_start3A_169] : memref<16x160x128xi32, #tpu.memory_space<hbm>> -> memref<1x160x128xi32, #tpu.memory_space<hbm>>
      %dma_start3A_171 = tpu.memref_squeeze %dma_start3A_170 : memref<1x160x128xi32, #tpu.memory_space<hbm>> -> memref<160x128xi32, #tpu.memory_space<hbm>>
      tpu.enqueue_dma source(%dma_start3A_171 : memref<160x128xi32, #tpu.memory_space<hbm>>) target(%arg11 : memref<160x128xi32, #tpu.memory_space<vmem>>) target_semaphore(%run_scoped3A : memref<!tpu.dma_semaphore, #tpu.memory_space<semaphore_mem>>)
      %dma_wait3A_172 = arith.constant 0 : i32
      %dma_wait3A_173 = arith.constant 0 : i32
      %dma_wait3A_174 = tpu.memref_slice %arg4[%arg1, %dma_wait3A_172, %dma_wait3A_173] : memref<16x160x128xi32, #tpu.memory_space<hbm>> -> memref<1x160x128xi32, #tpu.memory_space<hbm>>
      %dma_wait3A_175 = tpu.memref_squeeze %dma_wait3A_174 : memref<1x160x128xi32, #tpu.memory_space<hbm>> -> memref<160x128xi32, #tpu.memory_space<hbm>>
      %dma_wait3A_176 = arith.constant 0 : i32
      %dma_wait3A_177 = arith.constant 0 : i32
      %dma_wait3A_178 = tpu.memref_slice %arg4[%arg1, %dma_wait3A_176, %dma_wait3A_177] : memref<16x160x128xi32, #tpu.memory_space<hbm>> -> memref<1x160x128xi32, #tpu.memory_space<hbm>>
      %dma_wait3A_179 = tpu.memref_squeeze %dma_wait3A_178 : memref<1x160x128xi32, #tpu.memory_space<hbm>> -> memref<160x128xi32, #tpu.memory_space<hbm>>
      tpu.wait_dma2 semaphore(%run_scoped3A : memref<!tpu.dma_semaphore, #tpu.memory_space<semaphore_mem>>) src(%dma_wait3A_179 : memref<160x128xi32, #tpu.memory_space<hbm>>) dst(%arg11 : memref<160x128xi32, #tpu.memory_space<vmem>>)
      tpu.yield
    }) : () -> ()
    %mul3A = arith.constant 632 : i32
    %mul3A_0 = arith.muli %arg1, %mul3A : i32
    "tpu.region"() ({
      %run_scoped3A = tpu.sem_alloc : memref<!tpu.dma_semaphore, #tpu.memory_space<semaphore_mem>>
      %dma_start3A_164 = arith.constant 0 : i32
      %dma_start3A_165 = tpu.memref_slice %arg17[%mul3A_0, %dma_start3A_164] : memref<10112x64xf32, #tpu.memory_space<vmem_shared>> -> memref<632x64xf32, #tpu.memory_space<vmem_shared>>
      tpu.enqueue_dma source(%arg5 : memref<632x64xf32, #tpu.memory_space<hbm>>) target(%dma_start3A_165 : memref<632x64xf32, #tpu.memory_space<vmem_shared>>) target_semaphore(%run_scoped3A : memref<!tpu.dma_semaphore, #tpu.memory_space<semaphore_mem>>)
      %dma_wait3A_166 = arith.constant 0 : i32
      %dma_wait3A_167 = tpu.memref_slice %arg17[%mul3A_0, %dma_wait3A_166] : memref<10112x64xf32, #tpu.memory_space<vmem_shared>> -> memref<632x64xf32, #tpu.memory_space<vmem_shared>>
      tpu.wait_dma2 semaphore(%run_scoped3A : memref<!tpu.dma_semaphore, #tpu.memory_space<semaphore_mem>>) src(%arg5 : memref<632x64xf32, #tpu.memory_space<hbm>>) dst(%dma_wait3A_167 : memref<632x64xf32, #tpu.memory_space<vmem_shared>>)
      tpu.yield
    }) : () -> ()
    "tpu.region"() ({
      %run_scoped3A = tpu.sem_alloc : memref<!tpu.dma_semaphore, #tpu.memory_space<semaphore_mem>>
      tpu.enqueue_dma source(%arg7 : memref<128x8xf32, #tpu.memory_space<hbm>>) target(%arg33 : memref<128x8xf32, #tpu.memory_space<vmem>>) target_semaphore(%run_scoped3A : memref<!tpu.dma_semaphore, #tpu.memory_space<semaphore_mem>>)
      tpu.wait_dma2 semaphore(%run_scoped3A : memref<!tpu.dma_semaphore, #tpu.memory_space<semaphore_mem>>) src(%arg7 : memref<128x8xf32, #tpu.memory_space<hbm>>) dst(%arg33 : memref<128x8xf32, #tpu.memory_space<vmem>>)
      tpu.yield
    }) : () -> ()
    %mul3A_1 = arith.constant 632 : i32
    %mul3A_2 = arith.muli %arg1, %mul3A_1 : i32
    "tpu.region"() ({
      %run_scoped3A = tpu.sem_alloc : memref<!tpu.dma_semaphore, #tpu.memory_space<semaphore_mem>>
      %dma_start3A_164 = arith.constant 0 : i32
      %dma_start3A_165 = tpu.memref_slice %arg34[%mul3A_2, %dma_start3A_164] : memref<10112x8xf32, #tpu.memory_space<vmem_shared>> -> memref<632x8xf32, #tpu.memory_space<vmem_shared>>
      tpu.enqueue_dma source(%arg6 : memref<632x8xf32, #tpu.memory_space<hbm>>) target(%dma_start3A_165 : memref<632x8xf32, #tpu.memory_space<vmem_shared>>) target_semaphore(%run_scoped3A : memref<!tpu.dma_semaphore, #tpu.memory_space<semaphore_mem>>)
      %dma_wait3A_166 = arith.constant 0 : i32
      %dma_wait3A_167 = tpu.memref_slice %arg34[%mul3A_2, %dma_wait3A_166] : memref<10112x8xf32, #tpu.memory_space<vmem_shared>> -> memref<632x8xf32, #tpu.memory_space<vmem_shared>>
      tpu.wait_dma2 semaphore(%run_scoped3A : memref<!tpu.dma_semaphore, #tpu.memory_space<semaphore_mem>>) src(%arg6 : memref<632x8xf32, #tpu.memory_space<hbm>>) dst(%dma_wait3A_167 : memref<632x8xf32, #tpu.memory_space<vmem_shared>>)
      tpu.yield
    }) : () -> ()
    %barrier3A = arith.constant 0 : index
    tpu.barrier barrier_id(%barrier3A)
    %dma_start3A = arith.constant 0 : i32
    %dma_start3A_3 = arith.constant 0 : i32
    %dma_start3A_4 = arith.constant 0 : i32
    %dma_start3A_5 = tpu.memref_slice %arg10[%dma_start3A_3, %dma_start3A_4] : memref<5x128xi32, #tpu.memory_space<vmem>> -> memref<1x128xi32, #tpu.memory_space<vmem>>
    %dma_start3A_6 = tpu.memref_squeeze %dma_start3A_5 : memref<1x128xi32, #tpu.memory_space<vmem>> -> memref<128xi32, #tpu.memory_space<vmem>>
    %dma_start3A_7 = arith.constant 0 : i32
    %dma_start3A_8 = tpu.memref_slice %arg3[%arg1, %dma_start3A, %dma_start3A_7] : memref<16x160x128xi32, #tpu.memory_space<hbm>> -> memref<1x1x128xi32, #tpu.memory_space<hbm>>
    %dma_start3A_9 = tpu.memref_squeeze %dma_start3A_8 : memref<1x1x128xi32, #tpu.memory_space<hbm>> -> memref<128xi32, #tpu.memory_space<hbm>>
    %dma_start3A_10 = arith.constant 0 : i32
    %dma_start3A_11 = tpu.memref_slice %arg10[%dma_start3A_3, %dma_start3A_10] : memref<5x128xi32, #tpu.memory_space<vmem>> -> memref<1x128xi32, #tpu.memory_space<vmem>>
    %dma_start3A_12 = tpu.memref_squeeze %dma_start3A_11 : memref<1x128xi32, #tpu.memory_space<vmem>> -> memref<128xi32, #tpu.memory_space<vmem>>
    %dma_start3A_13 = arith.constant 0 : i32
    %dma_start3A_14 = tpu.memref_slice %arg3[%arg1, %dma_start3A, %dma_start3A_13] : memref<16x160x128xi32, #tpu.memory_space<hbm>> -> memref<1x1x128xi32, #tpu.memory_space<hbm>>
    %dma_start3A_15 = tpu.memref_squeeze %dma_start3A_14 : memref<1x1x128xi32, #tpu.memory_space<hbm>> -> memref<128xi32, #tpu.memory_space<hbm>>
    tpu.enqueue_dma source(%dma_start3A_15 : memref<128xi32, #tpu.memory_space<hbm>>) target(%dma_start3A_12 : memref<128xi32, #tpu.memory_space<vmem>>) target_semaphore(%arg18 : memref<!tpu.dma_semaphore, #tpu.memory_space<semaphore_mem>>)
    %dma_start3A_16 = arith.constant 1 : i32
    %dma_start3A_17 = arith.constant 1 : i32
    %dma_start3A_18 = arith.constant 0 : i32
    %dma_start3A_19 = tpu.memref_slice %arg10[%dma_start3A_17, %dma_start3A_18] : memref<5x128xi32, #tpu.memory_space<vmem>> -> memref<1x128xi32, #tpu.memory_space<vmem>>
    %dma_start3A_20 = tpu.memref_squeeze %dma_start3A_19 : memref<1x128xi32, #tpu.memory_space<vmem>> -> memref<128xi32, #tpu.memory_space<vmem>>
    %dma_start3A_21 = arith.constant 0 : i32
    %dma_start3A_22 = tpu.memref_slice %arg3[%arg1, %dma_start3A_16, %dma_start3A_21] : memref<16x160x128xi32, #tpu.memory_space<hbm>> -> memref<1x1x128xi32, #tpu.memory_space<hbm>>
    %dma_start3A_23 = tpu.memref_squeeze %dma_start3A_22 : memref<1x1x128xi32, #tpu.memory_space<hbm>> -> memref<128xi32, #tpu.memory_space<hbm>>
    %dma_start3A_24 = arith.constant 0 : i32
    %dma_start3A_25 = tpu.memref_slice %arg10[%dma_start3A_17, %dma_start3A_24] : memref<5x128xi32, #tpu.memory_space<vmem>> -> memref<1x128xi32, #tpu.memory_space<vmem>>
    %dma_start3A_26 = tpu.memref_squeeze %dma_start3A_25 : memref<1x128xi32, #tpu.memory_space<vmem>> -> memref<128xi32, #tpu.memory_space<vmem>>
    %dma_start3A_27 = arith.constant 0 : i32
    %dma_start3A_28 = tpu.memref_slice %arg3[%arg1, %dma_start3A_16, %dma_start3A_27] : memref<16x160x128xi32, #tpu.memory_space<hbm>> -> memref<1x1x128xi32, #tpu.memory_space<hbm>>
    %dma_start3A_29 = tpu.memref_squeeze %dma_start3A_28 : memref<1x1x128xi32, #tpu.memory_space<hbm>> -> memref<128xi32, #tpu.memory_space<hbm>>
    tpu.enqueue_dma source(%dma_start3A_29 : memref<128xi32, #tpu.memory_space<hbm>>) target(%dma_start3A_26 : memref<128xi32, #tpu.memory_space<vmem>>) target_semaphore(%arg19 : memref<!tpu.dma_semaphore, #tpu.memory_space<semaphore_mem>>)
    %dma_start3A_30 = arith.constant 2 : i32
    %dma_start3A_31 = arith.constant 2 : i32
    %dma_start3A_32 = arith.constant 0 : i32
    %dma_start3A_33 = tpu.memref_slice %arg10[%dma_start3A_31, %dma_start3A_32] : memref<5x128xi32, #tpu.memory_space<vmem>> -> memref<1x128xi32, #tpu.memory_space<vmem>>
    %dma_start3A_34 = tpu.memref_squeeze %dma_start3A_33 : memref<1x128xi32, #tpu.memory_space<vmem>> -> memref<128xi32, #tpu.memory_space<vmem>>
    %dma_start3A_35 = arith.constant 0 : i32
    %dma_start3A_36 = tpu.memref_slice %arg3[%arg1, %dma_start3A_30, %dma_start3A_35] : memref<16x160x128xi32, #tpu.memory_space<hbm>> -> memref<1x1x128xi32, #tpu.memory_space<hbm>>
    %dma_start3A_37 = tpu.memref_squeeze %dma_start3A_36 : memref<1x1x128xi32, #tpu.memory_space<hbm>> -> memref<128xi32, #tpu.memory_space<hbm>>
    %dma_start3A_38 = arith.constant 0 : i32
    %dma_start3A_39 = tpu.memref_slice %arg10[%dma_start3A_31, %dma_start3A_38] : memref<5x128xi32, #tpu.memory_space<vmem>> -> memref<1x128xi32, #tpu.memory_space<vmem>>
    %dma_start3A_40 = tpu.memref_squeeze %dma_start3A_39 : memref<1x128xi32, #tpu.memory_space<vmem>> -> memref<128xi32, #tpu.memory_space<vmem>>
    %dma_start3A_41 = arith.constant 0 : i32
    %dma_start3A_42 = tpu.memref_slice %arg3[%arg1, %dma_start3A_30, %dma_start3A_41] : memref<16x160x128xi32, #tpu.memory_space<hbm>> -> memref<1x1x128xi32, #tpu.memory_space<hbm>>
    %dma_start3A_43 = tpu.memref_squeeze %dma_start3A_42 : memref<1x1x128xi32, #tpu.memory_space<hbm>> -> memref<128xi32, #tpu.memory_space<hbm>>
    tpu.enqueue_dma source(%dma_start3A_43 : memref<128xi32, #tpu.memory_space<hbm>>) target(%dma_start3A_40 : memref<128xi32, #tpu.memory_space<vmem>>) target_semaphore(%arg20 : memref<!tpu.dma_semaphore, #tpu.memory_space<semaphore_mem>>)
    %dma_start3A_44 = arith.constant 3 : i32
    %dma_start3A_45 = arith.constant 3 : i32
    %dma_start3A_46 = arith.constant 0 : i32
    %dma_start3A_47 = tpu.memref_slice %arg10[%dma_start3A_45, %dma_start3A_46] : memref<5x128xi32, #tpu.memory_space<vmem>> -> memref<1x128xi32, #tpu.memory_space<vmem>>
    %dma_start3A_48 = tpu.memref_squeeze %dma_start3A_47 : memref<1x128xi32, #tpu.memory_space<vmem>> -> memref<128xi32, #tpu.memory_space<vmem>>
    %dma_start3A_49 = arith.constant 0 : i32
    %dma_start3A_50 = tpu.memref_slice %arg3[%arg1, %dma_start3A_44, %dma_start3A_49] : memref<16x160x128xi32, #tpu.memory_space<hbm>> -> memref<1x1x128xi32, #tpu.memory_space<hbm>>
    %dma_start3A_51 = tpu.memref_squeeze %dma_start3A_50 : memref<1x1x128xi32, #tpu.memory_space<hbm>> -> memref<128xi32, #tpu.memory_space<hbm>>
    %dma_start3A_52 = arith.constant 0 : i32
    %dma_start3A_53 = tpu.memref_slice %arg10[%dma_start3A_45, %dma_start3A_52] : memref<5x128xi32, #tpu.memory_space<vmem>> -> memref<1x128xi32, #tpu.memory_space<vmem>>
    %dma_start3A_54 = tpu.memref_squeeze %dma_start3A_53 : memref<1x128xi32, #tpu.memory_space<vmem>> -> memref<128xi32, #tpu.memory_space<vmem>>
    %dma_start3A_55 = arith.constant 0 : i32
    %dma_start3A_56 = tpu.memref_slice %arg3[%arg1, %dma_start3A_44, %dma_start3A_55] : memref<16x160x128xi32, #tpu.memory_space<hbm>> -> memref<1x1x128xi32, #tpu.memory_space<hbm>>
    %dma_start3A_57 = tpu.memref_squeeze %dma_start3A_56 : memref<1x1x128xi32, #tpu.memory_space<hbm>> -> memref<128xi32, #tpu.memory_space<hbm>>
    tpu.enqueue_dma source(%dma_start3A_57 : memref<128xi32, #tpu.memory_space<hbm>>) target(%dma_start3A_54 : memref<128xi32, #tpu.memory_space<vmem>>) target_semaphore(%arg21 : memref<!tpu.dma_semaphore, #tpu.memory_space<semaphore_mem>>)
    %dma_start3A_58 = arith.constant 4 : i32
    %dma_start3A_59 = arith.constant 4 : i32
    %dma_start3A_60 = arith.constant 0 : i32
    %dma_start3A_61 = tpu.memref_slice %arg10[%dma_start3A_59, %dma_start3A_60] : memref<5x128xi32, #tpu.memory_space<vmem>> -> memref<1x128xi32, #tpu.memory_space<vmem>>
    %dma_start3A_62 = tpu.memref_squeeze %dma_start3A_61 : memref<1x128xi32, #tpu.memory_space<vmem>> -> memref<128xi32, #tpu.memory_space<vmem>>
    %dma_start3A_63 = arith.constant 0 : i32
    %dma_start3A_64 = tpu.memref_slice %arg3[%arg1, %dma_start3A_58, %dma_start3A_63] : memref<16x160x128xi32, #tpu.memory_space<hbm>> -> memref<1x1x128xi32, #tpu.memory_space<hbm>>
    %dma_start3A_65 = tpu.memref_squeeze %dma_start3A_64 : memref<1x1x128xi32, #tpu.memory_space<hbm>> -> memref<128xi32, #tpu.memory_space<hbm>>
    %dma_start3A_66 = arith.constant 0 : i32
    %dma_start3A_67 = tpu.memref_slice %arg10[%dma_start3A_59, %dma_start3A_66] : memref<5x128xi32, #tpu.memory_space<vmem>> -> memref<1x128xi32, #tpu.memory_space<vmem>>
    %dma_start3A_68 = tpu.memref_squeeze %dma_start3A_67 : memref<1x128xi32, #tpu.memory_space<vmem>> -> memref<128xi32, #tpu.memory_space<vmem>>
    %dma_start3A_69 = arith.constant 0 : i32
    %dma_start3A_70 = tpu.memref_slice %arg3[%arg1, %dma_start3A_58, %dma_start3A_69] : memref<16x160x128xi32, #tpu.memory_space<hbm>> -> memref<1x1x128xi32, #tpu.memory_space<hbm>>
    %dma_start3A_71 = tpu.memref_squeeze %dma_start3A_70 : memref<1x1x128xi32, #tpu.memory_space<hbm>> -> memref<128xi32, #tpu.memory_space<hbm>>
    tpu.enqueue_dma source(%dma_start3A_71 : memref<128xi32, #tpu.memory_space<hbm>>) target(%dma_start3A_68 : memref<128xi32, #tpu.memory_space<vmem>>) target_semaphore(%arg22 : memref<!tpu.dma_semaphore, #tpu.memory_space<semaphore_mem>>)
    %dma_wait3A = arith.constant 0 : i32
    %dma_wait3A_72 = arith.constant 0 : i32
    %dma_wait3A_73 = arith.constant 0 : i32
    %dma_wait3A_74 = tpu.memref_slice %arg10[%dma_wait3A_72, %dma_wait3A_73] : memref<5x128xi32, #tpu.memory_space<vmem>> -> memref<1x128xi32, #tpu.memory_space<vmem>>
    %dma_wait3A_75 = tpu.memref_squeeze %dma_wait3A_74 : memref<1x128xi32, #tpu.memory_space<vmem>> -> memref<128xi32, #tpu.memory_space<vmem>>
    %dma_wait3A_76 = arith.constant 0 : i32
    %dma_wait3A_77 = tpu.memref_slice %arg3[%arg1, %dma_wait3A, %dma_wait3A_76] : memref<16x160x128xi32, #tpu.memory_space<hbm>> -> memref<1x1x128xi32, #tpu.memory_space<hbm>>
    %dma_wait3A_78 = tpu.memref_squeeze %dma_wait3A_77 : memref<1x1x128xi32, #tpu.memory_space<hbm>> -> memref<128xi32, #tpu.memory_space<hbm>>
    %dma_wait3A_79 = arith.constant 0 : i32
    %dma_wait3A_80 = tpu.memref_slice %arg10[%dma_wait3A_72, %dma_wait3A_79] : memref<5x128xi32, #tpu.memory_space<vmem>> -> memref<1x128xi32, #tpu.memory_space<vmem>>
    %dma_wait3A_81 = tpu.memref_squeeze %dma_wait3A_80 : memref<1x128xi32, #tpu.memory_space<vmem>> -> memref<128xi32, #tpu.memory_space<vmem>>
    %dma_wait3A_82 = arith.constant 0 : i32
    %dma_wait3A_83 = tpu.memref_slice %arg3[%arg1, %dma_wait3A, %dma_wait3A_82] : memref<16x160x128xi32, #tpu.memory_space<hbm>> -> memref<1x1x128xi32, #tpu.memory_space<hbm>>
    %dma_wait3A_84 = tpu.memref_squeeze %dma_wait3A_83 : memref<1x1x128xi32, #tpu.memory_space<hbm>> -> memref<128xi32, #tpu.memory_space<hbm>>
    tpu.wait_dma2 semaphore(%arg18 : memref<!tpu.dma_semaphore, #tpu.memory_space<semaphore_mem>>) src(%dma_wait3A_84 : memref<128xi32, #tpu.memory_space<hbm>>) dst(%dma_wait3A_81 : memref<128xi32, #tpu.memory_space<vmem>>)
    %dma_start3A_85 = arith.constant 0 : i32
    %dma_start3A_86 = arith.constant 0 : i32
    %dma_start3A_87 = tpu.memref_slice %arg10[%dma_start3A_85, %dma_start3A_86] : memref<5x128xi32, #tpu.memory_space<vmem>> -> memref<1x128xi32, #tpu.memory_space<vmem>>
    %dma_start3A_88 = tpu.memref_squeeze %dma_start3A_87 : memref<1x128xi32, #tpu.memory_space<vmem>> -> memref<128xi32, #tpu.memory_space<vmem>>
    %dma_start3A_89 = arith.constant 0 : i32
    %dma_start3A_90 = arith.constant 0 : i32
    %dma_start3A_91 = tpu.memref_slice %arg2[%arg0, %dma_start3A_89, %dma_start3A_90] : memref<2x10000x64xf32, #tpu.memory_space<hbm>> -> memref<1x10000x64xf32, #tpu.memory_space<hbm>>
    %dma_start3A_92 = tpu.memref_squeeze %dma_start3A_91 : memref<1x10000x64xf32, #tpu.memory_space<hbm>> -> memref<10000x64xf32, #tpu.memory_space<hbm>>
    %dma_start3A_93 = arith.constant 0 : i32
    %dma_start3A_94 = arith.constant 0 : i32
    %dma_start3A_95 = tpu.memref_slice %dma_start3A_92[%dma_start3A_93, %dma_start3A_94] : memref<10000x64xf32, #tpu.memory_space<hbm>> -> memref<10000x64xf32, #tpu.memory_space<hbm>>
    tpu.enqueue_indirect_dma source(%dma_start3A_95 : memref<10000x64xf32, #tpu.memory_space<hbm>>) target(%arg12 : memref<128x64xf32, #tpu.memory_space<vmem>>) offsets(%dma_start3A_88 : memref<128xi32, #tpu.memory_space<vmem>>) semaphore(%arg23 : memref<!tpu.dma_semaphore, #tpu.memory_space<semaphore_mem>>)
    %dma_wait3A_96 = arith.constant 0 : i32
    %dma_wait3A_97 = arith.constant 1 : i32
    %dma_wait3A_98 = arith.constant 0 : i32
    %dma_wait3A_99 = tpu.memref_slice %arg10[%dma_wait3A_97, %dma_wait3A_98] : memref<5x128xi32, #tpu.memory_space<vmem>> -> memref<1x128xi32, #tpu.memory_space<vmem>>
    %dma_wait3A_100 = tpu.memref_squeeze %dma_wait3A_99 : memref<1x128xi32, #tpu.memory_space<vmem>> -> memref<128xi32, #tpu.memory_space<vmem>>
    %dma_wait3A_101 = arith.constant 0 : i32
    %dma_wait3A_102 = tpu.memref_slice %arg3[%arg1, %dma_wait3A_96, %dma_wait3A_101] : memref<16x160x128xi32, #tpu.memory_space<hbm>> -> memref<1x1x128xi32, #tpu.memory_space<hbm>>
    %dma_wait3A_103 = tpu.memref_squeeze %dma_wait3A_102 : memref<1x1x128xi32, #tpu.memory_space<hbm>> -> memref<128xi32, #tpu.memory_space<hbm>>
    %dma_wait3A_104 = arith.constant 0 : i32
    %dma_wait3A_105 = tpu.memref_slice %arg10[%dma_wait3A_97, %dma_wait3A_104] : memref<5x128xi32, #tpu.memory_space<vmem>> -> memref<1x128xi32, #tpu.memory_space<vmem>>
    %dma_wait3A_106 = tpu.memref_squeeze %dma_wait3A_105 : memref<1x128xi32, #tpu.memory_space<vmem>> -> memref<128xi32, #tpu.memory_space<vmem>>
    %dma_wait3A_107 = arith.constant 0 : i32
    %dma_wait3A_108 = tpu.memref_slice %arg3[%arg1, %dma_wait3A_96, %dma_wait3A_107] : memref<16x160x128xi32, #tpu.memory_space<hbm>> -> memref<1x1x128xi32, #tpu.memory_space<hbm>>
    %dma_wait3A_109 = tpu.memref_squeeze %dma_wait3A_108 : memref<1x1x128xi32, #tpu.memory_space<hbm>> -> memref<128xi32, #tpu.memory_space<hbm>>
    tpu.wait_dma2 semaphore(%arg19 : memref<!tpu.dma_semaphore, #tpu.memory_space<semaphore_mem>>) src(%dma_wait3A_109 : memref<128xi32, #tpu.memory_space<hbm>>) dst(%dma_wait3A_106 : memref<128xi32, #tpu.memory_space<vmem>>)
    %dma_start3A_110 = arith.constant 1 : i32
    %dma_start3A_111 = arith.constant 0 : i32
    %dma_start3A_112 = tpu.memref_slice %arg10[%dma_start3A_110, %dma_start3A_111] : memref<5x128xi32, #tpu.memory_space<vmem>> -> memref<1x128xi32, #tpu.memory_space<vmem>>
    %dma_start3A_113 = tpu.memref_squeeze %dma_start3A_112 : memref<1x128xi32, #tpu.memory_space<vmem>> -> memref<128xi32, #tpu.memory_space<vmem>>
    %dma_start3A_114 = arith.constant 0 : i32
    %dma_start3A_115 = arith.constant 0 : i32
    %dma_start3A_116 = tpu.memref_slice %arg2[%arg0, %dma_start3A_114, %dma_start3A_115] : memref<2x10000x64xf32, #tpu.memory_space<hbm>> -> memref<1x10000x64xf32, #tpu.memory_space<hbm>>
    %dma_start3A_117 = tpu.memref_squeeze %dma_start3A_116 : memref<1x10000x64xf32, #tpu.memory_space<hbm>> -> memref<10000x64xf32, #tpu.memory_space<hbm>>
    %dma_start3A_118 = arith.constant 0 : i32
    %dma_start3A_119 = arith.constant 0 : i32
    %dma_start3A_120 = tpu.memref_slice %dma_start3A_117[%dma_start3A_118, %dma_start3A_119] : memref<10000x64xf32, #tpu.memory_space<hbm>> -> memref<10000x64xf32, #tpu.memory_space<hbm>>
    tpu.enqueue_indirect_dma source(%dma_start3A_120 : memref<10000x64xf32, #tpu.memory_space<hbm>>) target(%arg13 : memref<128x64xf32, #tpu.memory_space<vmem>>) offsets(%dma_start3A_113 : memref<128xi32, #tpu.memory_space<vmem>>) semaphore(%arg24 : memref<!tpu.dma_semaphore, #tpu.memory_space<semaphore_mem>>)
    %scan3A = arith.constant 0 : i32
    %scan3A_121 = arith.constant 0 : i32
    %scan3A_122 = arith.constant 0 : i32
    %scan3A_123 = arith.constant 32 : i32
    %scan3A_124 = arith.addi %scan3A_122, %scan3A_123 : i32
    %scan3A_125 = arith.constant 1 : i32
    scf.for %scan3A_164 = %scan3A_122 to %scan3A_124 step %scan3A_125  : i32 {
      %mul3A_165 = arith.constant 5 : i32
      %mul3A_166 = arith.muli %scan3A_164, %mul3A_165 : i32
      %add3A = arith.constant 0 : i32
      %add3A_167 = arith.addi %mul3A_166, %add3A : i32
      %dma_wait3A_168 = arith.constant 0 : i32
      %dma_wait3A_169 = arith.constant 0 : i32
      %dma_wait3A_170 = tpu.memref_slice %arg2[%arg0, %dma_wait3A_168, %dma_wait3A_169] : memref<2x10000x64xf32, #tpu.memory_space<hbm>> -> memref<1x10000x64xf32, #tpu.memory_space<hbm>>
      %dma_wait3A_171 = tpu.memref_squeeze %dma_wait3A_170 : memref<1x10000x64xf32, #tpu.memory_space<hbm>> -> memref<10000x64xf32, #tpu.memory_space<hbm>>
      %dma_wait3A_172 = arith.constant 0 : i32
      %dma_wait3A_173 = arith.constant 0 : i32
      %dma_wait3A_174 = tpu.memref_slice %dma_wait3A_171[%dma_wait3A_172, %dma_wait3A_173] : memref<10000x64xf32, #tpu.memory_space<hbm>> -> memref<128x64xf32, #tpu.memory_space<hbm>>
      %dma_wait3A_175 = arith.constant 0 : i32
      %dma_wait3A_176 = arith.constant 0 : i32
      %dma_wait3A_177 = tpu.memref_slice %arg2[%arg0, %dma_wait3A_175, %dma_wait3A_176] : memref<2x10000x64xf32, #tpu.memory_space<hbm>> -> memref<1x10000x64xf32, #tpu.memory_space<hbm>>
      %dma_wait3A_178 = tpu.memref_squeeze %dma_wait3A_177 : memref<1x10000x64xf32, #tpu.memory_space<hbm>> -> memref<10000x64xf32, #tpu.memory_space<hbm>>
      %dma_wait3A_179 = arith.constant 0 : i32
      %dma_wait3A_180 = arith.constant 0 : i32
      %dma_wait3A_181 = tpu.memref_slice %dma_wait3A_178[%dma_wait3A_179, %dma_wait3A_180] : memref<10000x64xf32, #tpu.memory_space<hbm>> -> memref<128x64xf32, #tpu.memory_space<hbm>>
      tpu.wait_dma2 semaphore(%arg23 : memref<!tpu.dma_semaphore, #tpu.memory_space<semaphore_mem>>) src(%dma_wait3A_181 : memref<128x64xf32, #tpu.memory_space<hbm>>) dst(%arg12 : memref<128x64xf32, #tpu.memory_space<vmem>>)
      %add3A_182 = arith.constant 5 : i32
      %add3A_183 = arith.addi %add3A_167, %add3A_182 : i32
      %lt3A = arith.constant 160 : i32
      %lt3A_184 = arith.cmpi slt, %add3A_183, %lt3A : i32
      %convert_element_type3A = arith.extui %lt3A_184 : i1 to i32
      %cond3A = arith.constant 0 : i32
      %cond3A_185 = arith.cmpi ne, %convert_element_type3A, %cond3A : i32
      scf.if %cond3A_185 {
        %add3A_455 = arith.constant 5 : i32
        %add3A_456 = arith.addi %add3A_167, %add3A_455 : i32
        %dma_start3A_457 = arith.constant 0 : i32
        %dma_start3A_458 = arith.constant 0 : i32
        %dma_start3A_459 = tpu.memref_slice %arg10[%dma_start3A_457, %dma_start3A_458] : memref<5x128xi32, #tpu.memory_space<vmem>> -> memref<1x128xi32, #tpu.memory_space<vmem>>
        %dma_start3A_460 = tpu.memref_squeeze %dma_start3A_459 : memref<1x128xi32, #tpu.memory_space<vmem>> -> memref<128xi32, #tpu.memory_space<vmem>>
        %dma_start3A_461 = arith.constant 0 : i32
        %dma_start3A_462 = tpu.memref_slice %arg3[%arg1, %add3A_456, %dma_start3A_461] : memref<16x160x128xi32, #tpu.memory_space<hbm>> -> memref<1x1x128xi32, #tpu.memory_space<hbm>>
        %dma_start3A_463 = tpu.memref_squeeze %dma_start3A_462 : memref<1x1x128xi32, #tpu.memory_space<hbm>> -> memref<128xi32, #tpu.memory_space<hbm>>
        %dma_start3A_464 = arith.constant 0 : i32
        %dma_start3A_465 = tpu.memref_slice %arg10[%dma_start3A_457, %dma_start3A_464] : memref<5x128xi32, #tpu.memory_space<vmem>> -> memref<1x128xi32, #tpu.memory_space<vmem>>
        %dma_start3A_466 = tpu.memref_squeeze %dma_start3A_465 : memref<1x128xi32, #tpu.memory_space<vmem>> -> memref<128xi32, #tpu.memory_space<vmem>>
        %dma_start3A_467 = arith.constant 0 : i32
        %dma_start3A_468 = tpu.memref_slice %arg3[%arg1, %add3A_456, %dma_start3A_467] : memref<16x160x128xi32, #tpu.memory_space<hbm>> -> memref<1x1x128xi32, #tpu.memory_space<hbm>>
        %dma_start3A_469 = tpu.memref_squeeze %dma_start3A_468 : memref<1x1x128xi32, #tpu.memory_space<hbm>> -> memref<128xi32, #tpu.memory_space<hbm>>
        tpu.enqueue_dma source(%dma_start3A_469 : memref<128xi32, #tpu.memory_space<hbm>>) target(%dma_start3A_466 : memref<128xi32, #tpu.memory_space<vmem>>) target_semaphore(%arg18 : memref<!tpu.dma_semaphore, #tpu.memory_space<semaphore_mem>>)
      } else {
      }
      %dma_start3A_186 = arith.constant 0 : i32
      %dma_start3A_187 = tpu.memref_slice %arg11[%add3A_167, %dma_start3A_186] : memref<160x128xi32, #tpu.memory_space<vmem>> -> memref<1x128xi32, #tpu.memory_space<vmem>>
      %dma_start3A_188 = tpu.memref_squeeze %dma_start3A_187 : memref<1x128xi32, #tpu.memory_space<vmem>> -> memref<128xi32, #tpu.memory_space<vmem>>
      %dma_start3A_189 = arith.constant 0 : i32
      %dma_start3A_190 = arith.constant 0 : i32
      %dma_start3A_191 = tpu.memref_slice %arg17[%dma_start3A_189, %dma_start3A_190] : memref<10112x64xf32, #tpu.memory_space<vmem_shared>> -> memref<10112x64xf32, #tpu.memory_space<vmem_shared>>
      tpu.enqueue_indirect_dma source(%arg12 : memref<128x64xf32, #tpu.memory_space<vmem>>) target(%dma_start3A_191 : memref<10112x64xf32, #tpu.memory_space<vmem_shared>>) offsets(%dma_start3A_188 : memref<128xi32, #tpu.memory_space<vmem>>) semaphore(%arg28 : memref<!tpu.dma_semaphore, #tpu.memory_space<semaphore_mem>>) {add = true}
      %add3A_192 = arith.constant 0 : i32
      %add3A_193 = arith.addi %scan3A_164, %add3A_192 : i32
      %jit3A = arith.constant 2 : i32
      %eq3A = arith.constant 0 : i32
      %eq3A_194 = arith.cmpi eq, %jit3A, %eq3A : i32
      %jit3A_195 = arith.constant 1 : i32
      %select_n3A = arith.select %eq3A_194, %jit3A_195, %jit3A : i32
      %rem3A = arith.remsi %add3A_193, %select_n3A : i32
      %ne3A = arith.constant 0 : i32
      %ne3A_196 = arith.cmpi ne, %rem3A, %ne3A : i32
      %lt3A_197 = arith.constant 0 : i32
      %lt3A_198 = arith.cmpi slt, %rem3A, %lt3A_197 : i32
      %lt3A_199 = arith.constant 0 : i32
      %lt3A_200 = arith.cmpi slt, %select_n3A, %lt3A_199 : i32
      %ne3A_201 = arith.xori %lt3A_198, %lt3A_200 : i1
      %and3A = arith.andi %ne3A_201, %ne3A_196 : i1
      %add3A_202 = arith.addi %rem3A, %select_n3A : i32
      %select_n3A_203 = arith.select %and3A, %add3A_202, %rem3A : i32
      %eq3A_204 = arith.cmpi eq, %arg0, %select_n3A_203 : i32
      %convert_element_type3A_205 = arith.extui %eq3A_204 : i1 to i32
      %cond3A_206 = arith.constant 0 : i32
      %cond3A_207 = arith.cmpi ne, %convert_element_type3A_205, %cond3A_206 : i32
      scf.if %cond3A_207 {
        "tpu.region"() ({
          %run_scoped3A = tpu.sem_alloc : memref<!tpu.dma_semaphore, #tpu.memory_space<semaphore_mem>>
          %dma_start3A_455 = arith.constant 0 : i32
          %dma_start3A_456 = tpu.memref_slice %arg11[%add3A_167, %dma_start3A_455] : memref<160x128xi32, #tpu.memory_space<vmem>> -> memref<1x128xi32, #tpu.memory_space<vmem>>
          %dma_start3A_457 = tpu.memref_squeeze %dma_start3A_456 : memref<1x128xi32, #tpu.memory_space<vmem>> -> memref<128xi32, #tpu.memory_space<vmem>>
          %dma_start3A_458 = arith.constant 0 : i32
          %dma_start3A_459 = arith.constant 0 : i32
          %dma_start3A_460 = tpu.memref_slice %arg34[%dma_start3A_458, %dma_start3A_459] : memref<10112x8xf32, #tpu.memory_space<vmem_shared>> -> memref<10112x8xf32, #tpu.memory_space<vmem_shared>>
          tpu.enqueue_indirect_dma source(%arg33 : memref<128x8xf32, #tpu.memory_space<vmem>>) target(%dma_start3A_460 : memref<10112x8xf32, #tpu.memory_space<vmem_shared>>) offsets(%dma_start3A_457 : memref<128xi32, #tpu.memory_space<vmem>>) semaphore(%run_scoped3A : memref<!tpu.dma_semaphore, #tpu.memory_space<semaphore_mem>>) {add = true}
          %dma_wait3A_461 = arith.constant 0 : i32
          %dma_wait3A_462 = tpu.memref_slice %arg11[%add3A_167, %dma_wait3A_461] : memref<160x128xi32, #tpu.memory_space<vmem>> -> memref<1x128xi32, #tpu.memory_space<vmem>>
          %dma_wait3A_463 = tpu.memref_squeeze %dma_wait3A_462 : memref<1x128xi32, #tpu.memory_space<vmem>> -> memref<128xi32, #tpu.memory_space<vmem>>
          %dma_wait3A_464 = arith.constant 0 : i32
          %dma_wait3A_465 = arith.constant 0 : i32
          %dma_wait3A_466 = tpu.memref_slice %arg34[%dma_wait3A_464, %dma_wait3A_465] : memref<10112x8xf32, #tpu.memory_space<vmem_shared>> -> memref<10112x8xf32, #tpu.memory_space<vmem_shared>>
          tpu.wait_indirect_dma semaphore(%run_scoped3A : memref<!tpu.dma_semaphore, #tpu.memory_space<semaphore_mem>>) src(%arg33 : memref<128x8xf32, #tpu.memory_space<vmem>>) dst(%dma_wait3A_466 : memref<10112x8xf32, #tpu.memory_space<vmem_shared>>)
          tpu.yield
        }) : () -> ()
      } else {
      }
      %add3A_208 = arith.constant 2 : i32
      %add3A_209 = arith.addi %add3A_167, %add3A_208 : i32
      %lt3A_210 = arith.constant 160 : i32
      %lt3A_211 = arith.cmpi slt, %add3A_209, %lt3A_210 : i32
      %convert_element_type3A_212 = arith.extui %lt3A_211 : i1 to i32
      %cond3A_213 = arith.constant 0 : i32
      %cond3A_214 = arith.cmpi ne, %convert_element_type3A_212, %cond3A_213 : i32
      scf.if %cond3A_214 {
        %ge3A = arith.constant 2 : i32
        %ge3A_455 = arith.cmpi sge, %add3A_167, %ge3A : i32
        %convert_element_type3A_456 = arith.extui %ge3A_455 : i1 to i32
        %cond3A_457 = arith.constant 0 : i32
        %cond3A_458 = arith.cmpi ne, %convert_element_type3A_456, %cond3A_457 : i32
        scf.if %cond3A_458 {
          %dma_wait3A_483 = arith.constant 0 : i32
          %dma_wait3A_484 = arith.constant 0 : i32
          %dma_wait3A_485 = tpu.memref_slice %arg11[%dma_wait3A_483, %dma_wait3A_484] : memref<160x128xi32, #tpu.memory_space<vmem>> -> memref<1x128xi32, #tpu.memory_space<vmem>>
          %dma_wait3A_486 = tpu.memref_squeeze %dma_wait3A_485 : memref<1x128xi32, #tpu.memory_space<vmem>> -> memref<128xi32, #tpu.memory_space<vmem>>
          %dma_wait3A_487 = arith.constant 0 : i32
          %dma_wait3A_488 = arith.constant 0 : i32
          %dma_wait3A_489 = tpu.memref_slice %arg17[%dma_wait3A_487, %dma_wait3A_488] : memref<10112x64xf32, #tpu.memory_space<vmem_shared>> -> memref<10112x64xf32, #tpu.memory_space<vmem_shared>>
          tpu.wait_indirect_dma semaphore(%arg31 : memref<!tpu.dma_semaphore, #tpu.memory_space<semaphore_mem>>) src(%arg15 : memref<128x64xf32, #tpu.memory_space<vmem>>) dst(%dma_wait3A_489 : memref<10112x64xf32, #tpu.memory_space<vmem_shared>>)
        } else {
        }
        %dma_wait3A_459 = arith.constant 2 : i32
        %dma_wait3A_460 = arith.constant 0 : i32
        %dma_wait3A_461 = tpu.memref_slice %arg10[%dma_wait3A_459, %dma_wait3A_460] : memref<5x128xi32, #tpu.memory_space<vmem>> -> memref<1x128xi32, #tpu.memory_space<vmem>>
        %dma_wait3A_462 = tpu.memref_squeeze %dma_wait3A_461 : memref<1x128xi32, #tpu.memory_space<vmem>> -> memref<128xi32, #tpu.memory_space<vmem>>
        %dma_wait3A_463 = arith.constant 0 : i32
        %dma_wait3A_464 = tpu.memref_slice %arg3[%arg1, %scan3A_121, %dma_wait3A_463] : memref<16x160x128xi32, #tpu.memory_space<hbm>> -> memref<1x1x128xi32, #tpu.memory_space<hbm>>
        %dma_wait3A_465 = tpu.memref_squeeze %dma_wait3A_464 : memref<1x1x128xi32, #tpu.memory_space<hbm>> -> memref<128xi32, #tpu.memory_space<hbm>>
        %dma_wait3A_466 = arith.constant 0 : i32
        %dma_wait3A_467 = tpu.memref_slice %arg10[%dma_wait3A_459, %dma_wait3A_466] : memref<5x128xi32, #tpu.memory_space<vmem>> -> memref<1x128xi32, #tpu.memory_space<vmem>>
        %dma_wait3A_468 = tpu.memref_squeeze %dma_wait3A_467 : memref<1x128xi32, #tpu.memory_space<vmem>> -> memref<128xi32, #tpu.memory_space<vmem>>
        %dma_wait3A_469 = arith.constant 0 : i32
        %dma_wait3A_470 = tpu.memref_slice %arg3[%arg1, %scan3A_121, %dma_wait3A_469] : memref<16x160x128xi32, #tpu.memory_space<hbm>> -> memref<1x1x128xi32, #tpu.memory_space<hbm>>
        %dma_wait3A_471 = tpu.memref_squeeze %dma_wait3A_470 : memref<1x1x128xi32, #tpu.memory_space<hbm>> -> memref<128xi32, #tpu.memory_space<hbm>>
        tpu.wait_dma2 semaphore(%arg20 : memref<!tpu.dma_semaphore, #tpu.memory_space<semaphore_mem>>) src(%dma_wait3A_471 : memref<128xi32, #tpu.memory_space<hbm>>) dst(%dma_wait3A_468 : memref<128xi32, #tpu.memory_space<vmem>>)
        %dma_start3A_472 = arith.constant 2 : i32
        %dma_start3A_473 = arith.constant 0 : i32
        %dma_start3A_474 = tpu.memref_slice %arg10[%dma_start3A_472, %dma_start3A_473] : memref<5x128xi32, #tpu.memory_space<vmem>> -> memref<1x128xi32, #tpu.memory_space<vmem>>
        %dma_start3A_475 = tpu.memref_squeeze %dma_start3A_474 : memref<1x128xi32, #tpu.memory_space<vmem>> -> memref<128xi32, #tpu.memory_space<vmem>>
        %dma_start3A_476 = arith.constant 0 : i32
        %dma_start3A_477 = arith.constant 0 : i32
        %dma_start3A_478 = tpu.memref_slice %arg2[%arg0, %dma_start3A_476, %dma_start3A_477] : memref<2x10000x64xf32, #tpu.memory_space<hbm>> -> memref<1x10000x64xf32, #tpu.memory_space<hbm>>
        %dma_start3A_479 = tpu.memref_squeeze %dma_start3A_478 : memref<1x10000x64xf32, #tpu.memory_space<hbm>> -> memref<10000x64xf32, #tpu.memory_space<hbm>>
        %dma_start3A_480 = arith.constant 0 : i32
        %dma_start3A_481 = arith.constant 0 : i32
        %dma_start3A_482 = tpu.memref_slice %dma_start3A_479[%dma_start3A_480, %dma_start3A_481] : memref<10000x64xf32, #tpu.memory_space<hbm>> -> memref<10000x64xf32, #tpu.memory_space<hbm>>
        tpu.enqueue_indirect_dma source(%dma_start3A_482 : memref<10000x64xf32, #tpu.memory_space<hbm>>) target(%arg14 : memref<128x64xf32, #tpu.memory_space<vmem>>) offsets(%dma_start3A_475 : memref<128xi32, #tpu.memory_space<vmem>>) semaphore(%arg25 : memref<!tpu.dma_semaphore, #tpu.memory_space<semaphore_mem>>)
      } else {
      }
      %mul3A_215 = arith.constant 5 : i32
      %mul3A_216 = arith.muli %scan3A_164, %mul3A_215 : i32
      %add3A_217 = arith.constant 1 : i32
      %add3A_218 = arith.addi %mul3A_216, %add3A_217 : i32
      %dma_wait3A_219 = arith.constant 0 : i32
      %dma_wait3A_220 = arith.constant 0 : i32
      %dma_wait3A_221 = tpu.memref_slice %arg2[%arg0, %dma_wait3A_219, %dma_wait3A_220] : memref<2x10000x64xf32, #tpu.memory_space<hbm>> -> memref<1x10000x64xf32, #tpu.memory_space<hbm>>
      %dma_wait3A_222 = tpu.memref_squeeze %dma_wait3A_221 : memref<1x10000x64xf32, #tpu.memory_space<hbm>> -> memref<10000x64xf32, #tpu.memory_space<hbm>>
      %dma_wait3A_223 = arith.constant 0 : i32
      %dma_wait3A_224 = arith.constant 0 : i32
      %dma_wait3A_225 = tpu.memref_slice %dma_wait3A_222[%dma_wait3A_223, %dma_wait3A_224] : memref<10000x64xf32, #tpu.memory_space<hbm>> -> memref<128x64xf32, #tpu.memory_space<hbm>>
      %dma_wait3A_226 = arith.constant 0 : i32
      %dma_wait3A_227 = arith.constant 0 : i32
      %dma_wait3A_228 = tpu.memref_slice %arg2[%arg0, %dma_wait3A_226, %dma_wait3A_227] : memref<2x10000x64xf32, #tpu.memory_space<hbm>> -> memref<1x10000x64xf32, #tpu.memory_space<hbm>>
      %dma_wait3A_229 = tpu.memref_squeeze %dma_wait3A_228 : memref<1x10000x64xf32, #tpu.memory_space<hbm>> -> memref<10000x64xf32, #tpu.memory_space<hbm>>
      %dma_wait3A_230 = arith.constant 0 : i32
      %dma_wait3A_231 = arith.constant 0 : i32
      %dma_wait3A_232 = tpu.memref_slice %dma_wait3A_229[%dma_wait3A_230, %dma_wait3A_231] : memref<10000x64xf32, #tpu.memory_space<hbm>> -> memref<128x64xf32, #tpu.memory_space<hbm>>
      tpu.wait_dma2 semaphore(%arg24 : memref<!tpu.dma_semaphore, #tpu.memory_space<semaphore_mem>>) src(%dma_wait3A_232 : memref<128x64xf32, #tpu.memory_space<hbm>>) dst(%arg13 : memref<128x64xf32, #tpu.memory_space<vmem>>)
      %add3A_233 = arith.constant 5 : i32
      %add3A_234 = arith.addi %add3A_218, %add3A_233 : i32
      %lt3A_235 = arith.constant 160 : i32
      %lt3A_236 = arith.cmpi slt, %add3A_234, %lt3A_235 : i32
      %convert_element_type3A_237 = arith.extui %lt3A_236 : i1 to i32
      %cond3A_238 = arith.constant 0 : i32
      %cond3A_239 = arith.cmpi ne, %convert_element_type3A_237, %cond3A_238 : i32
      scf.if %cond3A_239 {
        %add3A_455 = arith.constant 5 : i32
        %add3A_456 = arith.addi %add3A_218, %add3A_455 : i32
        %dma_start3A_457 = arith.constant 1 : i32
        %dma_start3A_458 = arith.constant 0 : i32
        %dma_start3A_459 = tpu.memref_slice %arg10[%dma_start3A_457, %dma_start3A_458] : memref<5x128xi32, #tpu.memory_space<vmem>> -> memref<1x128xi32, #tpu.memory_space<vmem>>
        %dma_start3A_460 = tpu.memref_squeeze %dma_start3A_459 : memref<1x128xi32, #tpu.memory_space<vmem>> -> memref<128xi32, #tpu.memory_space<vmem>>
        %dma_start3A_461 = arith.constant 0 : i32
        %dma_start3A_462 = tpu.memref_slice %arg3[%arg1, %add3A_456, %dma_start3A_461] : memref<16x160x128xi32, #tpu.memory_space<hbm>> -> memref<1x1x128xi32, #tpu.memory_space<hbm>>
        %dma_start3A_463 = tpu.memref_squeeze %dma_start3A_462 : memref<1x1x128xi32, #tpu.memory_space<hbm>> -> memref<128xi32, #tpu.memory_space<hbm>>
        %dma_start3A_464 = arith.constant 0 : i32
        %dma_start3A_465 = tpu.memref_slice %arg10[%dma_start3A_457, %dma_start3A_464] : memref<5x128xi32, #tpu.memory_space<vmem>> -> memref<1x128xi32, #tpu.memory_space<vmem>>
        %dma_start3A_466 = tpu.memref_squeeze %dma_start3A_465 : memref<1x128xi32, #tpu.memory_space<vmem>> -> memref<128xi32, #tpu.memory_space<vmem>>
        %dma_start3A_467 = arith.constant 0 : i32
        %dma_start3A_468 = tpu.memref_slice %arg3[%arg1, %add3A_456, %dma_start3A_467] : memref<16x160x128xi32, #tpu.memory_space<hbm>> -> memref<1x1x128xi32, #tpu.memory_space<hbm>>
        %dma_start3A_469 = tpu.memref_squeeze %dma_start3A_468 : memref<1x1x128xi32, #tpu.memory_space<hbm>> -> memref<128xi32, #tpu.memory_space<hbm>>
        tpu.enqueue_dma source(%dma_start3A_469 : memref<128xi32, #tpu.memory_space<hbm>>) target(%dma_start3A_466 : memref<128xi32, #tpu.memory_space<vmem>>) target_semaphore(%arg19 : memref<!tpu.dma_semaphore, #tpu.memory_space<semaphore_mem>>)
      } else {
      }
      %dma_start3A_240 = arith.constant 0 : i32
      %dma_start3A_241 = tpu.memref_slice %arg11[%add3A_218, %dma_start3A_240] : memref<160x128xi32, #tpu.memory_space<vmem>> -> memref<1x128xi32, #tpu.memory_space<vmem>>
      %dma_start3A_242 = tpu.memref_squeeze %dma_start3A_241 : memref<1x128xi32, #tpu.memory_space<vmem>> -> memref<128xi32, #tpu.memory_space<vmem>>
      %dma_start3A_243 = arith.constant 0 : i32
      %dma_start3A_244 = arith.constant 0 : i32
      %dma_start3A_245 = tpu.memref_slice %arg17[%dma_start3A_243, %dma_start3A_244] : memref<10112x64xf32, #tpu.memory_space<vmem_shared>> -> memref<10112x64xf32, #tpu.memory_space<vmem_shared>>
      tpu.enqueue_indirect_dma source(%arg13 : memref<128x64xf32, #tpu.memory_space<vmem>>) target(%dma_start3A_245 : memref<10112x64xf32, #tpu.memory_space<vmem_shared>>) offsets(%dma_start3A_242 : memref<128xi32, #tpu.memory_space<vmem>>) semaphore(%arg29 : memref<!tpu.dma_semaphore, #tpu.memory_space<semaphore_mem>>) {add = true}
      %add3A_246 = arith.constant 1 : i32
      %add3A_247 = arith.addi %scan3A_164, %add3A_246 : i32
      %jit3A_248 = arith.constant 2 : i32
      %eq3A_249 = arith.constant 0 : i32
      %eq3A_250 = arith.cmpi eq, %jit3A_248, %eq3A_249 : i32
      %jit3A_251 = arith.constant 1 : i32
      %select_n3A_252 = arith.select %eq3A_250, %jit3A_251, %jit3A_248 : i32
      %rem3A_253 = arith.remsi %add3A_247, %select_n3A_252 : i32
      %ne3A_254 = arith.constant 0 : i32
      %ne3A_255 = arith.cmpi ne, %rem3A_253, %ne3A_254 : i32
      %lt3A_256 = arith.constant 0 : i32
      %lt3A_257 = arith.cmpi slt, %rem3A_253, %lt3A_256 : i32
      %lt3A_258 = arith.constant 0 : i32
      %lt3A_259 = arith.cmpi slt, %select_n3A_252, %lt3A_258 : i32
      %ne3A_260 = arith.xori %lt3A_257, %lt3A_259 : i1
      %and3A_261 = arith.andi %ne3A_260, %ne3A_255 : i1
      %add3A_262 = arith.addi %rem3A_253, %select_n3A_252 : i32
      %select_n3A_263 = arith.select %and3A_261, %add3A_262, %rem3A_253 : i32
      %eq3A_264 = arith.cmpi eq, %arg0, %select_n3A_263 : i32
      %convert_element_type3A_265 = arith.extui %eq3A_264 : i1 to i32
      %cond3A_266 = arith.constant 0 : i32
      %cond3A_267 = arith.cmpi ne, %convert_element_type3A_265, %cond3A_266 : i32
      scf.if %cond3A_267 {
        "tpu.region"() ({
          %run_scoped3A = tpu.sem_alloc : memref<!tpu.dma_semaphore, #tpu.memory_space<semaphore_mem>>
          %dma_start3A_455 = arith.constant 0 : i32
          %dma_start3A_456 = tpu.memref_slice %arg11[%add3A_218, %dma_start3A_455] : memref<160x128xi32, #tpu.memory_space<vmem>> -> memref<1x128xi32, #tpu.memory_space<vmem>>
          %dma_start3A_457 = tpu.memref_squeeze %dma_start3A_456 : memref<1x128xi32, #tpu.memory_space<vmem>> -> memref<128xi32, #tpu.memory_space<vmem>>
          %dma_start3A_458 = arith.constant 0 : i32
          %dma_start3A_459 = arith.constant 0 : i32
          %dma_start3A_460 = tpu.memref_slice %arg34[%dma_start3A_458, %dma_start3A_459] : memref<10112x8xf32, #tpu.memory_space<vmem_shared>> -> memref<10112x8xf32, #tpu.memory_space<vmem_shared>>
          tpu.enqueue_indirect_dma source(%arg33 : memref<128x8xf32, #tpu.memory_space<vmem>>) target(%dma_start3A_460 : memref<10112x8xf32, #tpu.memory_space<vmem_shared>>) offsets(%dma_start3A_457 : memref<128xi32, #tpu.memory_space<vmem>>) semaphore(%run_scoped3A : memref<!tpu.dma_semaphore, #tpu.memory_space<semaphore_mem>>) {add = true}
          %dma_wait3A_461 = arith.constant 0 : i32
          %dma_wait3A_462 = tpu.memref_slice %arg11[%add3A_218, %dma_wait3A_461] : memref<160x128xi32, #tpu.memory_space<vmem>> -> memref<1x128xi32, #tpu.memory_space<vmem>>
          %dma_wait3A_463 = tpu.memref_squeeze %dma_wait3A_462 : memref<1x128xi32, #tpu.memory_space<vmem>> -> memref<128xi32, #tpu.memory_space<vmem>>
          %dma_wait3A_464 = arith.constant 0 : i32
          %dma_wait3A_465 = arith.constant 0 : i32
          %dma_wait3A_466 = tpu.memref_slice %arg34[%dma_wait3A_464, %dma_wait3A_465] : memref<10112x8xf32, #tpu.memory_space<vmem_shared>> -> memref<10112x8xf32, #tpu.memory_space<vmem_shared>>
          tpu.wait_indirect_dma semaphore(%run_scoped3A : memref<!tpu.dma_semaphore, #tpu.memory_space<semaphore_mem>>) src(%arg33 : memref<128x8xf32, #tpu.memory_space<vmem>>) dst(%dma_wait3A_466 : memref<10112x8xf32, #tpu.memory_space<vmem_shared>>)
          tpu.yield
        }) : () -> ()
      } else {
      }
      %add3A_268 = arith.constant 2 : i32
      %add3A_269 = arith.addi %add3A_218, %add3A_268 : i32
      %lt3A_270 = arith.constant 160 : i32
      %lt3A_271 = arith.cmpi slt, %add3A_269, %lt3A_270 : i32
      %convert_element_type3A_272 = arith.extui %lt3A_271 : i1 to i32
      %cond3A_273 = arith.constant 0 : i32
      %cond3A_274 = arith.cmpi ne, %convert_element_type3A_272, %cond3A_273 : i32
      scf.if %cond3A_274 {
        %ge3A = arith.constant 2 : i32
        %ge3A_455 = arith.cmpi sge, %add3A_218, %ge3A : i32
        %convert_element_type3A_456 = arith.extui %ge3A_455 : i1 to i32
        %cond3A_457 = arith.constant 0 : i32
        %cond3A_458 = arith.cmpi ne, %convert_element_type3A_456, %cond3A_457 : i32
        scf.if %cond3A_458 {
          %dma_wait3A_483 = arith.constant 0 : i32
          %dma_wait3A_484 = arith.constant 0 : i32
          %dma_wait3A_485 = tpu.memref_slice %arg11[%dma_wait3A_483, %dma_wait3A_484] : memref<160x128xi32, #tpu.memory_space<vmem>> -> memref<1x128xi32, #tpu.memory_space<vmem>>
          %dma_wait3A_486 = tpu.memref_squeeze %dma_wait3A_485 : memref<1x128xi32, #tpu.memory_space<vmem>> -> memref<128xi32, #tpu.memory_space<vmem>>
          %dma_wait3A_487 = arith.constant 0 : i32
          %dma_wait3A_488 = arith.constant 0 : i32
          %dma_wait3A_489 = tpu.memref_slice %arg17[%dma_wait3A_487, %dma_wait3A_488] : memref<10112x64xf32, #tpu.memory_space<vmem_shared>> -> memref<10112x64xf32, #tpu.memory_space<vmem_shared>>
          tpu.wait_indirect_dma semaphore(%arg32 : memref<!tpu.dma_semaphore, #tpu.memory_space<semaphore_mem>>) src(%arg16 : memref<128x64xf32, #tpu.memory_space<vmem>>) dst(%dma_wait3A_489 : memref<10112x64xf32, #tpu.memory_space<vmem_shared>>)
        } else {
        }
        %dma_wait3A_459 = arith.constant 3 : i32
        %dma_wait3A_460 = arith.constant 0 : i32
        %dma_wait3A_461 = tpu.memref_slice %arg10[%dma_wait3A_459, %dma_wait3A_460] : memref<5x128xi32, #tpu.memory_space<vmem>> -> memref<1x128xi32, #tpu.memory_space<vmem>>
        %dma_wait3A_462 = tpu.memref_squeeze %dma_wait3A_461 : memref<1x128xi32, #tpu.memory_space<vmem>> -> memref<128xi32, #tpu.memory_space<vmem>>
        %dma_wait3A_463 = arith.constant 0 : i32
        %dma_wait3A_464 = tpu.memref_slice %arg3[%arg1, %scan3A_121, %dma_wait3A_463] : memref<16x160x128xi32, #tpu.memory_space<hbm>> -> memref<1x1x128xi32, #tpu.memory_space<hbm>>
        %dma_wait3A_465 = tpu.memref_squeeze %dma_wait3A_464 : memref<1x1x128xi32, #tpu.memory_space<hbm>> -> memref<128xi32, #tpu.memory_space<hbm>>
        %dma_wait3A_466 = arith.constant 0 : i32
        %dma_wait3A_467 = tpu.memref_slice %arg10[%dma_wait3A_459, %dma_wait3A_466] : memref<5x128xi32, #tpu.memory_space<vmem>> -> memref<1x128xi32, #tpu.memory_space<vmem>>
        %dma_wait3A_468 = tpu.memref_squeeze %dma_wait3A_467 : memref<1x128xi32, #tpu.memory_space<vmem>> -> memref<128xi32, #tpu.memory_space<vmem>>
        %dma_wait3A_469 = arith.constant 0 : i32
        %dma_wait3A_470 = tpu.memref_slice %arg3[%arg1, %scan3A_121, %dma_wait3A_469] : memref<16x160x128xi32, #tpu.memory_space<hbm>> -> memref<1x1x128xi32, #tpu.memory_space<hbm>>
        %dma_wait3A_471 = tpu.memref_squeeze %dma_wait3A_470 : memref<1x1x128xi32, #tpu.memory_space<hbm>> -> memref<128xi32, #tpu.memory_space<hbm>>
        tpu.wait_dma2 semaphore(%arg21 : memref<!tpu.dma_semaphore, #tpu.memory_space<semaphore_mem>>) src(%dma_wait3A_471 : memref<128xi32, #tpu.memory_space<hbm>>) dst(%dma_wait3A_468 : memref<128xi32, #tpu.memory_space<vmem>>)
        %dma_start3A_472 = arith.constant 3 : i32
        %dma_start3A_473 = arith.constant 0 : i32
        %dma_start3A_474 = tpu.memref_slice %arg10[%dma_start3A_472, %dma_start3A_473] : memref<5x128xi32, #tpu.memory_space<vmem>> -> memref<1x128xi32, #tpu.memory_space<vmem>>
        %dma_start3A_475 = tpu.memref_squeeze %dma_start3A_474 : memref<1x128xi32, #tpu.memory_space<vmem>> -> memref<128xi32, #tpu.memory_space<vmem>>
        %dma_start3A_476 = arith.constant 0 : i32
        %dma_start3A_477 = arith.constant 0 : i32
        %dma_start3A_478 = tpu.memref_slice %arg2[%arg0, %dma_start3A_476, %dma_start3A_477] : memref<2x10000x64xf32, #tpu.memory_space<hbm>> -> memref<1x10000x64xf32, #tpu.memory_space<hbm>>
        %dma_start3A_479 = tpu.memref_squeeze %dma_start3A_478 : memref<1x10000x64xf32, #tpu.memory_space<hbm>> -> memref<10000x64xf32, #tpu.memory_space<hbm>>
        %dma_start3A_480 = arith.constant 0 : i32
        %dma_start3A_481 = arith.constant 0 : i32
        %dma_start3A_482 = tpu.memref_slice %dma_start3A_479[%dma_start3A_480, %dma_start3A_481] : memref<10000x64xf32, #tpu.memory_space<hbm>> -> memref<10000x64xf32, #tpu.memory_space<hbm>>
        tpu.enqueue_indirect_dma source(%dma_start3A_482 : memref<10000x64xf32, #tpu.memory_space<hbm>>) target(%arg15 : memref<128x64xf32, #tpu.memory_space<vmem>>) offsets(%dma_start3A_475 : memref<128xi32, #tpu.memory_space<vmem>>) semaphore(%arg26 : memref<!tpu.dma_semaphore, #tpu.memory_space<semaphore_mem>>)
      } else {
      }
      %mul3A_275 = arith.constant 5 : i32
      %mul3A_276 = arith.muli %scan3A_164, %mul3A_275 : i32
      %add3A_277 = arith.constant 2 : i32
      %add3A_278 = arith.addi %mul3A_276, %add3A_277 : i32
      %dma_wait3A_279 = arith.constant 0 : i32
      %dma_wait3A_280 = arith.constant 0 : i32
      %dma_wait3A_281 = tpu.memref_slice %arg2[%arg0, %dma_wait3A_279, %dma_wait3A_280] : memref<2x10000x64xf32, #tpu.memory_space<hbm>> -> memref<1x10000x64xf32, #tpu.memory_space<hbm>>
      %dma_wait3A_282 = tpu.memref_squeeze %dma_wait3A_281 : memref<1x10000x64xf32, #tpu.memory_space<hbm>> -> memref<10000x64xf32, #tpu.memory_space<hbm>>
      %dma_wait3A_283 = arith.constant 0 : i32
      %dma_wait3A_284 = arith.constant 0 : i32
      %dma_wait3A_285 = tpu.memref_slice %dma_wait3A_282[%dma_wait3A_283, %dma_wait3A_284] : memref<10000x64xf32, #tpu.memory_space<hbm>> -> memref<128x64xf32, #tpu.memory_space<hbm>>
      %dma_wait3A_286 = arith.constant 0 : i32
      %dma_wait3A_287 = arith.constant 0 : i32
      %dma_wait3A_288 = tpu.memref_slice %arg2[%arg0, %dma_wait3A_286, %dma_wait3A_287] : memref<2x10000x64xf32, #tpu.memory_space<hbm>> -> memref<1x10000x64xf32, #tpu.memory_space<hbm>>
      %dma_wait3A_289 = tpu.memref_squeeze %dma_wait3A_288 : memref<1x10000x64xf32, #tpu.memory_space<hbm>> -> memref<10000x64xf32, #tpu.memory_space<hbm>>
      %dma_wait3A_290 = arith.constant 0 : i32
      %dma_wait3A_291 = arith.constant 0 : i32
      %dma_wait3A_292 = tpu.memref_slice %dma_wait3A_289[%dma_wait3A_290, %dma_wait3A_291] : memref<10000x64xf32, #tpu.memory_space<hbm>> -> memref<128x64xf32, #tpu.memory_space<hbm>>
      tpu.wait_dma2 semaphore(%arg25 : memref<!tpu.dma_semaphore, #tpu.memory_space<semaphore_mem>>) src(%dma_wait3A_292 : memref<128x64xf32, #tpu.memory_space<hbm>>) dst(%arg14 : memref<128x64xf32, #tpu.memory_space<vmem>>)
      %add3A_293 = arith.constant 5 : i32
      %add3A_294 = arith.addi %add3A_278, %add3A_293 : i32
      %lt3A_295 = arith.constant 160 : i32
      %lt3A_296 = arith.cmpi slt, %add3A_294, %lt3A_295 : i32
      %convert_element_type3A_297 = arith.extui %lt3A_296 : i1 to i32
      %cond3A_298 = arith.constant 0 : i32
      %cond3A_299 = arith.cmpi ne, %convert_element_type3A_297, %cond3A_298 : i32
      scf.if %cond3A_299 {
        %add3A_455 = arith.constant 5 : i32
        %add3A_456 = arith.addi %add3A_278, %add3A_455 : i32
        %dma_start3A_457 = arith.constant 2 : i32
        %dma_start3A_458 = arith.constant 0 : i32
        %dma_start3A_459 = tpu.memref_slice %arg10[%dma_start3A_457, %dma_start3A_458] : memref<5x128xi32, #tpu.memory_space<vmem>> -> memref<1x128xi32, #tpu.memory_space<vmem>>
        %dma_start3A_460 = tpu.memref_squeeze %dma_start3A_459 : memref<1x128xi32, #tpu.memory_space<vmem>> -> memref<128xi32, #tpu.memory_space<vmem>>
        %dma_start3A_461 = arith.constant 0 : i32
        %dma_start3A_462 = tpu.memref_slice %arg3[%arg1, %add3A_456, %dma_start3A_461] : memref<16x160x128xi32, #tpu.memory_space<hbm>> -> memref<1x1x128xi32, #tpu.memory_space<hbm>>
        %dma_start3A_463 = tpu.memref_squeeze %dma_start3A_462 : memref<1x1x128xi32, #tpu.memory_space<hbm>> -> memref<128xi32, #tpu.memory_space<hbm>>
        %dma_start3A_464 = arith.constant 0 : i32
        %dma_start3A_465 = tpu.memref_slice %arg10[%dma_start3A_457, %dma_start3A_464] : memref<5x128xi32, #tpu.memory_space<vmem>> -> memref<1x128xi32, #tpu.memory_space<vmem>>
        %dma_start3A_466 = tpu.memref_squeeze %dma_start3A_465 : memref<1x128xi32, #tpu.memory_space<vmem>> -> memref<128xi32, #tpu.memory_space<vmem>>
        %dma_start3A_467 = arith.constant 0 : i32
        %dma_start3A_468 = tpu.memref_slice %arg3[%arg1, %add3A_456, %dma_start3A_467] : memref<16x160x128xi32, #tpu.memory_space<hbm>> -> memref<1x1x128xi32, #tpu.memory_space<hbm>>
        %dma_start3A_469 = tpu.memref_squeeze %dma_start3A_468 : memref<1x1x128xi32, #tpu.memory_space<hbm>> -> memref<128xi32, #tpu.memory_space<hbm>>
        tpu.enqueue_dma source(%dma_start3A_469 : memref<128xi32, #tpu.memory_space<hbm>>) target(%dma_start3A_466 : memref<128xi32, #tpu.memory_space<vmem>>) target_semaphore(%arg20 : memref<!tpu.dma_semaphore, #tpu.memory_space<semaphore_mem>>)
      } else {
      }
      %dma_start3A_300 = arith.constant 0 : i32
      %dma_start3A_301 = tpu.memref_slice %arg11[%add3A_278, %dma_start3A_300] : memref<160x128xi32, #tpu.memory_space<vmem>> -> memref<1x128xi32, #tpu.memory_space<vmem>>
      %dma_start3A_302 = tpu.memref_squeeze %dma_start3A_301 : memref<1x128xi32, #tpu.memory_space<vmem>> -> memref<128xi32, #tpu.memory_space<vmem>>
      %dma_start3A_303 = arith.constant 0 : i32
      %dma_start3A_304 = arith.constant 0 : i32
      %dma_start3A_305 = tpu.memref_slice %arg17[%dma_start3A_303, %dma_start3A_304] : memref<10112x64xf32, #tpu.memory_space<vmem_shared>> -> memref<10112x64xf32, #tpu.memory_space<vmem_shared>>
      tpu.enqueue_indirect_dma source(%arg14 : memref<128x64xf32, #tpu.memory_space<vmem>>) target(%dma_start3A_305 : memref<10112x64xf32, #tpu.memory_space<vmem_shared>>) offsets(%dma_start3A_302 : memref<128xi32, #tpu.memory_space<vmem>>) semaphore(%arg30 : memref<!tpu.dma_semaphore, #tpu.memory_space<semaphore_mem>>) {add = true}
      %add3A_306 = arith.constant 2 : i32
      %add3A_307 = arith.addi %scan3A_164, %add3A_306 : i32
      %jit3A_308 = arith.constant 2 : i32
      %eq3A_309 = arith.constant 0 : i32
      %eq3A_310 = arith.cmpi eq, %jit3A_308, %eq3A_309 : i32
      %jit3A_311 = arith.constant 1 : i32
      %select_n3A_312 = arith.select %eq3A_310, %jit3A_311, %jit3A_308 : i32
      %rem3A_313 = arith.remsi %add3A_307, %select_n3A_312 : i32
      %ne3A_314 = arith.constant 0 : i32
      %ne3A_315 = arith.cmpi ne, %rem3A_313, %ne3A_314 : i32
      %lt3A_316 = arith.constant 0 : i32
      %lt3A_317 = arith.cmpi slt, %rem3A_313, %lt3A_316 : i32
      %lt3A_318 = arith.constant 0 : i32
      %lt3A_319 = arith.cmpi slt, %select_n3A_312, %lt3A_318 : i32
      %ne3A_320 = arith.xori %lt3A_317, %lt3A_319 : i1
      %and3A_321 = arith.andi %ne3A_320, %ne3A_315 : i1
      %add3A_322 = arith.addi %rem3A_313, %select_n3A_312 : i32
      %select_n3A_323 = arith.select %and3A_321, %add3A_322, %rem3A_313 : i32
      %eq3A_324 = arith.cmpi eq, %arg0, %select_n3A_323 : i32
      %convert_element_type3A_325 = arith.extui %eq3A_324 : i1 to i32
      %cond3A_326 = arith.constant 0 : i32
      %cond3A_327 = arith.cmpi ne, %convert_element_type3A_325, %cond3A_326 : i32
      scf.if %cond3A_327 {
        "tpu.region"() ({
          %run_scoped3A = tpu.sem_alloc : memref<!tpu.dma_semaphore, #tpu.memory_space<semaphore_mem>>
          %dma_start3A_455 = arith.constant 0 : i32
          %dma_start3A_456 = tpu.memref_slice %arg11[%add3A_278, %dma_start3A_455] : memref<160x128xi32, #tpu.memory_space<vmem>> -> memref<1x128xi32, #tpu.memory_space<vmem>>
          %dma_start3A_457 = tpu.memref_squeeze %dma_start3A_456 : memref<1x128xi32, #tpu.memory_space<vmem>> -> memref<128xi32, #tpu.memory_space<vmem>>
          %dma_start3A_458 = arith.constant 0 : i32
          %dma_start3A_459 = arith.constant 0 : i32
          %dma_start3A_460 = tpu.memref_slice %arg34[%dma_start3A_458, %dma_start3A_459] : memref<10112x8xf32, #tpu.memory_space<vmem_shared>> -> memref<10112x8xf32, #tpu.memory_space<vmem_shared>>
          tpu.enqueue_indirect_dma source(%arg33 : memref<128x8xf32, #tpu.memory_space<vmem>>) target(%dma_start3A_460 : memref<10112x8xf32, #tpu.memory_space<vmem_shared>>) offsets(%dma_start3A_457 : memref<128xi32, #tpu.memory_space<vmem>>) semaphore(%run_scoped3A : memref<!tpu.dma_semaphore, #tpu.memory_space<semaphore_mem>>) {add = true}
          %dma_wait3A_461 = arith.constant 0 : i32
          %dma_wait3A_462 = tpu.memref_slice %arg11[%add3A_278, %dma_wait3A_461] : memref<160x128xi32, #tpu.memory_space<vmem>> -> memref<1x128xi32, #tpu.memory_space<vmem>>
          %dma_wait3A_463 = tpu.memref_squeeze %dma_wait3A_462 : memref<1x128xi32, #tpu.memory_space<vmem>> -> memref<128xi32, #tpu.memory_space<vmem>>
          %dma_wait3A_464 = arith.constant 0 : i32
          %dma_wait3A_465 = arith.constant 0 : i32
          %dma_wait3A_466 = tpu.memref_slice %arg34[%dma_wait3A_464, %dma_wait3A_465] : memref<10112x8xf32, #tpu.memory_space<vmem_shared>> -> memref<10112x8xf32, #tpu.memory_space<vmem_shared>>
          tpu.wait_indirect_dma semaphore(%run_scoped3A : memref<!tpu.dma_semaphore, #tpu.memory_space<semaphore_mem>>) src(%arg33 : memref<128x8xf32, #tpu.memory_space<vmem>>) dst(%dma_wait3A_466 : memref<10112x8xf32, #tpu.memory_space<vmem_shared>>)
          tpu.yield
        }) : () -> ()
      } else {
      }
      %add3A_328 = arith.constant 2 : i32
      %add3A_329 = arith.addi %add3A_278, %add3A_328 : i32
      %lt3A_330 = arith.constant 160 : i32
      %lt3A_331 = arith.cmpi slt, %add3A_329, %lt3A_330 : i32
      %convert_element_type3A_332 = arith.extui %lt3A_331 : i1 to i32
      %cond3A_333 = arith.constant 0 : i32
      %cond3A_334 = arith.cmpi ne, %convert_element_type3A_332, %cond3A_333 : i32
      scf.if %cond3A_334 {
        %ge3A = arith.constant 2 : i32
        %ge3A_455 = arith.cmpi sge, %add3A_278, %ge3A : i32
        %convert_element_type3A_456 = arith.extui %ge3A_455 : i1 to i32
        %cond3A_457 = arith.constant 0 : i32
        %cond3A_458 = arith.cmpi ne, %convert_element_type3A_456, %cond3A_457 : i32
        scf.if %cond3A_458 {
          %dma_wait3A_483 = arith.constant 0 : i32
          %dma_wait3A_484 = arith.constant 0 : i32
          %dma_wait3A_485 = tpu.memref_slice %arg11[%dma_wait3A_483, %dma_wait3A_484] : memref<160x128xi32, #tpu.memory_space<vmem>> -> memref<1x128xi32, #tpu.memory_space<vmem>>
          %dma_wait3A_486 = tpu.memref_squeeze %dma_wait3A_485 : memref<1x128xi32, #tpu.memory_space<vmem>> -> memref<128xi32, #tpu.memory_space<vmem>>
          %dma_wait3A_487 = arith.constant 0 : i32
          %dma_wait3A_488 = arith.constant 0 : i32
          %dma_wait3A_489 = tpu.memref_slice %arg17[%dma_wait3A_487, %dma_wait3A_488] : memref<10112x64xf32, #tpu.memory_space<vmem_shared>> -> memref<10112x64xf32, #tpu.memory_space<vmem_shared>>
          tpu.wait_indirect_dma semaphore(%arg28 : memref<!tpu.dma_semaphore, #tpu.memory_space<semaphore_mem>>) src(%arg12 : memref<128x64xf32, #tpu.memory_space<vmem>>) dst(%dma_wait3A_489 : memref<10112x64xf32, #tpu.memory_space<vmem_shared>>)
        } else {
        }
        %dma_wait3A_459 = arith.constant 4 : i32
        %dma_wait3A_460 = arith.constant 0 : i32
        %dma_wait3A_461 = tpu.memref_slice %arg10[%dma_wait3A_459, %dma_wait3A_460] : memref<5x128xi32, #tpu.memory_space<vmem>> -> memref<1x128xi32, #tpu.memory_space<vmem>>
        %dma_wait3A_462 = tpu.memref_squeeze %dma_wait3A_461 : memref<1x128xi32, #tpu.memory_space<vmem>> -> memref<128xi32, #tpu.memory_space<vmem>>
        %dma_wait3A_463 = arith.constant 0 : i32
        %dma_wait3A_464 = tpu.memref_slice %arg3[%arg1, %scan3A_121, %dma_wait3A_463] : memref<16x160x128xi32, #tpu.memory_space<hbm>> -> memref<1x1x128xi32, #tpu.memory_space<hbm>>
        %dma_wait3A_465 = tpu.memref_squeeze %dma_wait3A_464 : memref<1x1x128xi32, #tpu.memory_space<hbm>> -> memref<128xi32, #tpu.memory_space<hbm>>
        %dma_wait3A_466 = arith.constant 0 : i32
        %dma_wait3A_467 = tpu.memref_slice %arg10[%dma_wait3A_459, %dma_wait3A_466] : memref<5x128xi32, #tpu.memory_space<vmem>> -> memref<1x128xi32, #tpu.memory_space<vmem>>
        %dma_wait3A_468 = tpu.memref_squeeze %dma_wait3A_467 : memref<1x128xi32, #tpu.memory_space<vmem>> -> memref<128xi32, #tpu.memory_space<vmem>>
        %dma_wait3A_469 = arith.constant 0 : i32
        %dma_wait3A_470 = tpu.memref_slice %arg3[%arg1, %scan3A_121, %dma_wait3A_469] : memref<16x160x128xi32, #tpu.memory_space<hbm>> -> memref<1x1x128xi32, #tpu.memory_space<hbm>>
        %dma_wait3A_471 = tpu.memref_squeeze %dma_wait3A_470 : memref<1x1x128xi32, #tpu.memory_space<hbm>> -> memref<128xi32, #tpu.memory_space<hbm>>
        tpu.wait_dma2 semaphore(%arg22 : memref<!tpu.dma_semaphore, #tpu.memory_space<semaphore_mem>>) src(%dma_wait3A_471 : memref<128xi32, #tpu.memory_space<hbm>>) dst(%dma_wait3A_468 : memref<128xi32, #tpu.memory_space<vmem>>)
        %dma_start3A_472 = arith.constant 4 : i32
        %dma_start3A_473 = arith.constant 0 : i32
        %dma_start3A_474 = tpu.memref_slice %arg10[%dma_start3A_472, %dma_start3A_473] : memref<5x128xi32, #tpu.memory_space<vmem>> -> memref<1x128xi32, #tpu.memory_space<vmem>>
        %dma_start3A_475 = tpu.memref_squeeze %dma_start3A_474 : memref<1x128xi32, #tpu.memory_space<vmem>> -> memref<128xi32, #tpu.memory_space<vmem>>
        %dma_start3A_476 = arith.constant 0 : i32
        %dma_start3A_477 = arith.constant 0 : i32
        %dma_start3A_478 = tpu.memref_slice %arg2[%arg0, %dma_start3A_476, %dma_start3A_477] : memref<2x10000x64xf32, #tpu.memory_space<hbm>> -> memref<1x10000x64xf32, #tpu.memory_space<hbm>>
        %dma_start3A_479 = tpu.memref_squeeze %dma_start3A_478 : memref<1x10000x64xf32, #tpu.memory_space<hbm>> -> memref<10000x64xf32, #tpu.memory_space<hbm>>
        %dma_start3A_480 = arith.constant 0 : i32
        %dma_start3A_481 = arith.constant 0 : i32
        %dma_start3A_482 = tpu.memref_slice %dma_start3A_479[%dma_start3A_480, %dma_start3A_481] : memref<10000x64xf32, #tpu.memory_space<hbm>> -> memref<10000x64xf32, #tpu.memory_space<hbm>>
        tpu.enqueue_indirect_dma source(%dma_start3A_482 : memref<10000x64xf32, #tpu.memory_space<hbm>>) target(%arg16 : memref<128x64xf32, #tpu.memory_space<vmem>>) offsets(%dma_start3A_475 : memref<128xi32, #tpu.memory_space<vmem>>) semaphore(%arg27 : memref<!tpu.dma_semaphore, #tpu.memory_space<semaphore_mem>>)
      } else {
      }
      %mul3A_335 = arith.constant 5 : i32
      %mul3A_336 = arith.muli %scan3A_164, %mul3A_335 : i32
      %add3A_337 = arith.constant 3 : i32
      %add3A_338 = arith.addi %mul3A_336, %add3A_337 : i32
      %dma_wait3A_339 = arith.constant 0 : i32
      %dma_wait3A_340 = arith.constant 0 : i32
      %dma_wait3A_341 = tpu.memref_slice %arg2[%arg0, %dma_wait3A_339, %dma_wait3A_340] : memref<2x10000x64xf32, #tpu.memory_space<hbm>> -> memref<1x10000x64xf32, #tpu.memory_space<hbm>>
      %dma_wait3A_342 = tpu.memref_squeeze %dma_wait3A_341 : memref<1x10000x64xf32, #tpu.memory_space<hbm>> -> memref<10000x64xf32, #tpu.memory_space<hbm>>
      %dma_wait3A_343 = arith.constant 0 : i32
      %dma_wait3A_344 = arith.constant 0 : i32
      %dma_wait3A_345 = tpu.memref_slice %dma_wait3A_342[%dma_wait3A_343, %dma_wait3A_344] : memref<10000x64xf32, #tpu.memory_space<hbm>> -> memref<128x64xf32, #tpu.memory_space<hbm>>
      %dma_wait3A_346 = arith.constant 0 : i32
      %dma_wait3A_347 = arith.constant 0 : i32
      %dma_wait3A_348 = tpu.memref_slice %arg2[%arg0, %dma_wait3A_346, %dma_wait3A_347] : memref<2x10000x64xf32, #tpu.memory_space<hbm>> -> memref<1x10000x64xf32, #tpu.memory_space<hbm>>
      %dma_wait3A_349 = tpu.memref_squeeze %dma_wait3A_348 : memref<1x10000x64xf32, #tpu.memory_space<hbm>> -> memref<10000x64xf32, #tpu.memory_space<hbm>>
      %dma_wait3A_350 = arith.constant 0 : i32
      %dma_wait3A_351 = arith.constant 0 : i32
      %dma_wait3A_352 = tpu.memref_slice %dma_wait3A_349[%dma_wait3A_350, %dma_wait3A_351] : memref<10000x64xf32, #tpu.memory_space<hbm>> -> memref<128x64xf32, #tpu.memory_space<hbm>>
      tpu.wait_dma2 semaphore(%arg26 : memref<!tpu.dma_semaphore, #tpu.memory_space<semaphore_mem>>) src(%dma_wait3A_352 : memref<128x64xf32, #tpu.memory_space<hbm>>) dst(%arg15 : memref<128x64xf32, #tpu.memory_space<vmem>>)
      %add3A_353 = arith.constant 5 : i32
      %add3A_354 = arith.addi %add3A_338, %add3A_353 : i32
      %lt3A_355 = arith.constant 160 : i32
      %lt3A_356 = arith.cmpi slt, %add3A_354, %lt3A_355 : i32
      %convert_element_type3A_357 = arith.extui %lt3A_356 : i1 to i32
      %cond3A_358 = arith.constant 0 : i32
      %cond3A_359 = arith.cmpi ne, %convert_element_type3A_357, %cond3A_358 : i32
      scf.if %cond3A_359 {
        %add3A_455 = arith.constant 5 : i32
        %add3A_456 = arith.addi %add3A_338, %add3A_455 : i32
        %dma_start3A_457 = arith.constant 3 : i32
        %dma_start3A_458 = arith.constant 0 : i32
        %dma_start3A_459 = tpu.memref_slice %arg10[%dma_start3A_457, %dma_start3A_458] : memref<5x128xi32, #tpu.memory_space<vmem>> -> memref<1x128xi32, #tpu.memory_space<vmem>>
        %dma_start3A_460 = tpu.memref_squeeze %dma_start3A_459 : memref<1x128xi32, #tpu.memory_space<vmem>> -> memref<128xi32, #tpu.memory_space<vmem>>
        %dma_start3A_461 = arith.constant 0 : i32
        %dma_start3A_462 = tpu.memref_slice %arg3[%arg1, %add3A_456, %dma_start3A_461] : memref<16x160x128xi32, #tpu.memory_space<hbm>> -> memref<1x1x128xi32, #tpu.memory_space<hbm>>
        %dma_start3A_463 = tpu.memref_squeeze %dma_start3A_462 : memref<1x1x128xi32, #tpu.memory_space<hbm>> -> memref<128xi32, #tpu.memory_space<hbm>>
        %dma_start3A_464 = arith.constant 0 : i32
        %dma_start3A_465 = tpu.memref_slice %arg10[%dma_start3A_457, %dma_start3A_464] : memref<5x128xi32, #tpu.memory_space<vmem>> -> memref<1x128xi32, #tpu.memory_space<vmem>>
        %dma_start3A_466 = tpu.memref_squeeze %dma_start3A_465 : memref<1x128xi32, #tpu.memory_space<vmem>> -> memref<128xi32, #tpu.memory_space<vmem>>
        %dma_start3A_467 = arith.constant 0 : i32
        %dma_start3A_468 = tpu.memref_slice %arg3[%arg1, %add3A_456, %dma_start3A_467] : memref<16x160x128xi32, #tpu.memory_space<hbm>> -> memref<1x1x128xi32, #tpu.memory_space<hbm>>
        %dma_start3A_469 = tpu.memref_squeeze %dma_start3A_468 : memref<1x1x128xi32, #tpu.memory_space<hbm>> -> memref<128xi32, #tpu.memory_space<hbm>>
        tpu.enqueue_dma source(%dma_start3A_469 : memref<128xi32, #tpu.memory_space<hbm>>) target(%dma_start3A_466 : memref<128xi32, #tpu.memory_space<vmem>>) target_semaphore(%arg21 : memref<!tpu.dma_semaphore, #tpu.memory_space<semaphore_mem>>)
      } else {
      }
      %dma_start3A_360 = arith.constant 0 : i32
      %dma_start3A_361 = tpu.memref_slice %arg11[%add3A_338, %dma_start3A_360] : memref<160x128xi32, #tpu.memory_space<vmem>> -> memref<1x128xi32, #tpu.memory_space<vmem>>
      %dma_start3A_362 = tpu.memref_squeeze %dma_start3A_361 : memref<1x128xi32, #tpu.memory_space<vmem>> -> memref<128xi32, #tpu.memory_space<vmem>>
      %dma_start3A_363 = arith.constant 0 : i32
      %dma_start3A_364 = arith.constant 0 : i32
      %dma_start3A_365 = tpu.memref_slice %arg17[%dma_start3A_363, %dma_start3A_364] : memref<10112x64xf32, #tpu.memory_space<vmem_shared>> -> memref<10112x64xf32, #tpu.memory_space<vmem_shared>>
      tpu.enqueue_indirect_dma source(%arg15 : memref<128x64xf32, #tpu.memory_space<vmem>>) target(%dma_start3A_365 : memref<10112x64xf32, #tpu.memory_space<vmem_shared>>) offsets(%dma_start3A_362 : memref<128xi32, #tpu.memory_space<vmem>>) semaphore(%arg31 : memref<!tpu.dma_semaphore, #tpu.memory_space<semaphore_mem>>) {add = true}
      %add3A_366 = arith.constant 3 : i32
      %add3A_367 = arith.addi %scan3A_164, %add3A_366 : i32
      %jit3A_368 = arith.constant 2 : i32
      %eq3A_369 = arith.constant 0 : i32
      %eq3A_370 = arith.cmpi eq, %jit3A_368, %eq3A_369 : i32
      %jit3A_371 = arith.constant 1 : i32
      %select_n3A_372 = arith.select %eq3A_370, %jit3A_371, %jit3A_368 : i32
      %rem3A_373 = arith.remsi %add3A_367, %select_n3A_372 : i32
      %ne3A_374 = arith.constant 0 : i32
      %ne3A_375 = arith.cmpi ne, %rem3A_373, %ne3A_374 : i32
      %lt3A_376 = arith.constant 0 : i32
      %lt3A_377 = arith.cmpi slt, %rem3A_373, %lt3A_376 : i32
      %lt3A_378 = arith.constant 0 : i32
      %lt3A_379 = arith.cmpi slt, %select_n3A_372, %lt3A_378 : i32
      %ne3A_380 = arith.xori %lt3A_377, %lt3A_379 : i1
      %and3A_381 = arith.andi %ne3A_380, %ne3A_375 : i1
      %add3A_382 = arith.addi %rem3A_373, %select_n3A_372 : i32
      %select_n3A_383 = arith.select %and3A_381, %add3A_382, %rem3A_373 : i32
      %eq3A_384 = arith.cmpi eq, %arg0, %select_n3A_383 : i32
      %convert_element_type3A_385 = arith.extui %eq3A_384 : i1 to i32
      %cond3A_386 = arith.constant 0 : i32
      %cond3A_387 = arith.cmpi ne, %convert_element_type3A_385, %cond3A_386 : i32
      scf.if %cond3A_387 {
        "tpu.region"() ({
          %run_scoped3A = tpu.sem_alloc : memref<!tpu.dma_semaphore, #tpu.memory_space<semaphore_mem>>
          %dma_start3A_455 = arith.constant 0 : i32
          %dma_start3A_456 = tpu.memref_slice %arg11[%add3A_338, %dma_start3A_455] : memref<160x128xi32, #tpu.memory_space<vmem>> -> memref<1x128xi32, #tpu.memory_space<vmem>>
          %dma_start3A_457 = tpu.memref_squeeze %dma_start3A_456 : memref<1x128xi32, #tpu.memory_space<vmem>> -> memref<128xi32, #tpu.memory_space<vmem>>
          %dma_start3A_458 = arith.constant 0 : i32
          %dma_start3A_459 = arith.constant 0 : i32
          %dma_start3A_460 = tpu.memref_slice %arg34[%dma_start3A_458, %dma_start3A_459] : memref<10112x8xf32, #tpu.memory_space<vmem_shared>> -> memref<10112x8xf32, #tpu.memory_space<vmem_shared>>
          tpu.enqueue_indirect_dma source(%arg33 : memref<128x8xf32, #tpu.memory_space<vmem>>) target(%dma_start3A_460 : memref<10112x8xf32, #tpu.memory_space<vmem_shared>>) offsets(%dma_start3A_457 : memref<128xi32, #tpu.memory_space<vmem>>) semaphore(%run_scoped3A : memref<!tpu.dma_semaphore, #tpu.memory_space<semaphore_mem>>) {add = true}
          %dma_wait3A_461 = arith.constant 0 : i32
          %dma_wait3A_462 = tpu.memref_slice %arg11[%add3A_338, %dma_wait3A_461] : memref<160x128xi32, #tpu.memory_space<vmem>> -> memref<1x128xi32, #tpu.memory_space<vmem>>
          %dma_wait3A_463 = tpu.memref_squeeze %dma_wait3A_462 : memref<1x128xi32, #tpu.memory_space<vmem>> -> memref<128xi32, #tpu.memory_space<vmem>>
          %dma_wait3A_464 = arith.constant 0 : i32
          %dma_wait3A_465 = arith.constant 0 : i32
          %dma_wait3A_466 = tpu.memref_slice %arg34[%dma_wait3A_464, %dma_wait3A_465] : memref<10112x8xf32, #tpu.memory_space<vmem_shared>> -> memref<10112x8xf32, #tpu.memory_space<vmem_shared>>
          tpu.wait_indirect_dma semaphore(%run_scoped3A : memref<!tpu.dma_semaphore, #tpu.memory_space<semaphore_mem>>) src(%arg33 : memref<128x8xf32, #tpu.memory_space<vmem>>) dst(%dma_wait3A_466 : memref<10112x8xf32, #tpu.memory_space<vmem_shared>>)
          tpu.yield
        }) : () -> ()
      } else {
      }
      %add3A_388 = arith.constant 2 : i32
      %add3A_389 = arith.addi %add3A_338, %add3A_388 : i32
      %lt3A_390 = arith.constant 160 : i32
      %lt3A_391 = arith.cmpi slt, %add3A_389, %lt3A_390 : i32
      %convert_element_type3A_392 = arith.extui %lt3A_391 : i1 to i32
      %cond3A_393 = arith.constant 0 : i32
      %cond3A_394 = arith.cmpi ne, %convert_element_type3A_392, %cond3A_393 : i32
      scf.if %cond3A_394 {
        %ge3A = arith.constant 2 : i32
        %ge3A_455 = arith.cmpi sge, %add3A_338, %ge3A : i32
        %convert_element_type3A_456 = arith.extui %ge3A_455 : i1 to i32
        %cond3A_457 = arith.constant 0 : i32
        %cond3A_458 = arith.cmpi ne, %convert_element_type3A_456, %cond3A_457 : i32
        scf.if %cond3A_458 {
          %dma_wait3A_483 = arith.constant 0 : i32
          %dma_wait3A_484 = arith.constant 0 : i32
          %dma_wait3A_485 = tpu.memref_slice %arg11[%dma_wait3A_483, %dma_wait3A_484] : memref<160x128xi32, #tpu.memory_space<vmem>> -> memref<1x128xi32, #tpu.memory_space<vmem>>
          %dma_wait3A_486 = tpu.memref_squeeze %dma_wait3A_485 : memref<1x128xi32, #tpu.memory_space<vmem>> -> memref<128xi32, #tpu.memory_space<vmem>>
          %dma_wait3A_487 = arith.constant 0 : i32
          %dma_wait3A_488 = arith.constant 0 : i32
          %dma_wait3A_489 = tpu.memref_slice %arg17[%dma_wait3A_487, %dma_wait3A_488] : memref<10112x64xf32, #tpu.memory_space<vmem_shared>> -> memref<10112x64xf32, #tpu.memory_space<vmem_shared>>
          tpu.wait_indirect_dma semaphore(%arg29 : memref<!tpu.dma_semaphore, #tpu.memory_space<semaphore_mem>>) src(%arg13 : memref<128x64xf32, #tpu.memory_space<vmem>>) dst(%dma_wait3A_489 : memref<10112x64xf32, #tpu.memory_space<vmem_shared>>)
        } else {
        }
        %dma_wait3A_459 = arith.constant 0 : i32
        %dma_wait3A_460 = arith.constant 0 : i32
        %dma_wait3A_461 = tpu.memref_slice %arg10[%dma_wait3A_459, %dma_wait3A_460] : memref<5x128xi32, #tpu.memory_space<vmem>> -> memref<1x128xi32, #tpu.memory_space<vmem>>
        %dma_wait3A_462 = tpu.memref_squeeze %dma_wait3A_461 : memref<1x128xi32, #tpu.memory_space<vmem>> -> memref<128xi32, #tpu.memory_space<vmem>>
        %dma_wait3A_463 = arith.constant 0 : i32
        %dma_wait3A_464 = tpu.memref_slice %arg3[%arg1, %scan3A_121, %dma_wait3A_463] : memref<16x160x128xi32, #tpu.memory_space<hbm>> -> memref<1x1x128xi32, #tpu.memory_space<hbm>>
        %dma_wait3A_465 = tpu.memref_squeeze %dma_wait3A_464 : memref<1x1x128xi32, #tpu.memory_space<hbm>> -> memref<128xi32, #tpu.memory_space<hbm>>
        %dma_wait3A_466 = arith.constant 0 : i32
        %dma_wait3A_467 = tpu.memref_slice %arg10[%dma_wait3A_459, %dma_wait3A_466] : memref<5x128xi32, #tpu.memory_space<vmem>> -> memref<1x128xi32, #tpu.memory_space<vmem>>
        %dma_wait3A_468 = tpu.memref_squeeze %dma_wait3A_467 : memref<1x128xi32, #tpu.memory_space<vmem>> -> memref<128xi32, #tpu.memory_space<vmem>>
        %dma_wait3A_469 = arith.constant 0 : i32
        %dma_wait3A_470 = tpu.memref_slice %arg3[%arg1, %scan3A_121, %dma_wait3A_469] : memref<16x160x128xi32, #tpu.memory_space<hbm>> -> memref<1x1x128xi32, #tpu.memory_space<hbm>>
        %dma_wait3A_471 = tpu.memref_squeeze %dma_wait3A_470 : memref<1x1x128xi32, #tpu.memory_space<hbm>> -> memref<128xi32, #tpu.memory_space<hbm>>
        tpu.wait_dma2 semaphore(%arg18 : memref<!tpu.dma_semaphore, #tpu.memory_space<semaphore_mem>>) src(%dma_wait3A_471 : memref<128xi32, #tpu.memory_space<hbm>>) dst(%dma_wait3A_468 : memref<128xi32, #tpu.memory_space<vmem>>)
        %dma_start3A_472 = arith.constant 0 : i32
        %dma_start3A_473 = arith.constant 0 : i32
        %dma_start3A_474 = tpu.memref_slice %arg10[%dma_start3A_472, %dma_start3A_473] : memref<5x128xi32, #tpu.memory_space<vmem>> -> memref<1x128xi32, #tpu.memory_space<vmem>>
        %dma_start3A_475 = tpu.memref_squeeze %dma_start3A_474 : memref<1x128xi32, #tpu.memory_space<vmem>> -> memref<128xi32, #tpu.memory_space<vmem>>
        %dma_start3A_476 = arith.constant 0 : i32
        %dma_start3A_477 = arith.constant 0 : i32
        %dma_start3A_478 = tpu.memref_slice %arg2[%arg0, %dma_start3A_476, %dma_start3A_477] : memref<2x10000x64xf32, #tpu.memory_space<hbm>> -> memref<1x10000x64xf32, #tpu.memory_space<hbm>>
        %dma_start3A_479 = tpu.memref_squeeze %dma_start3A_478 : memref<1x10000x64xf32, #tpu.memory_space<hbm>> -> memref<10000x64xf32, #tpu.memory_space<hbm>>
        %dma_start3A_480 = arith.constant 0 : i32
        %dma_start3A_481 = arith.constant 0 : i32
        %dma_start3A_482 = tpu.memref_slice %dma_start3A_479[%dma_start3A_480, %dma_start3A_481] : memref<10000x64xf32, #tpu.memory_space<hbm>> -> memref<10000x64xf32, #tpu.memory_space<hbm>>
        tpu.enqueue_indirect_dma source(%dma_start3A_482 : memref<10000x64xf32, #tpu.memory_space<hbm>>) target(%arg12 : memref<128x64xf32, #tpu.memory_space<vmem>>) offsets(%dma_start3A_475 : memref<128xi32, #tpu.memory_space<vmem>>) semaphore(%arg23 : memref<!tpu.dma_semaphore, #tpu.memory_space<semaphore_mem>>)
      } else {
      }
      %mul3A_395 = arith.constant 5 : i32
      %mul3A_396 = arith.muli %scan3A_164, %mul3A_395 : i32
      %add3A_397 = arith.constant 4 : i32
      %add3A_398 = arith.addi %mul3A_396, %add3A_397 : i32
      %dma_wait3A_399 = arith.constant 0 : i32
      %dma_wait3A_400 = arith.constant 0 : i32
      %dma_wait3A_401 = tpu.memref_slice %arg2[%arg0, %dma_wait3A_399, %dma_wait3A_400] : memref<2x10000x64xf32, #tpu.memory_space<hbm>> -> memref<1x10000x64xf32, #tpu.memory_space<hbm>>
      %dma_wait3A_402 = tpu.memref_squeeze %dma_wait3A_401 : memref<1x10000x64xf32, #tpu.memory_space<hbm>> -> memref<10000x64xf32, #tpu.memory_space<hbm>>
      %dma_wait3A_403 = arith.constant 0 : i32
      %dma_wait3A_404 = arith.constant 0 : i32
      %dma_wait3A_405 = tpu.memref_slice %dma_wait3A_402[%dma_wait3A_403, %dma_wait3A_404] : memref<10000x64xf32, #tpu.memory_space<hbm>> -> memref<128x64xf32, #tpu.memory_space<hbm>>
      %dma_wait3A_406 = arith.constant 0 : i32
      %dma_wait3A_407 = arith.constant 0 : i32
      %dma_wait3A_408 = tpu.memref_slice %arg2[%arg0, %dma_wait3A_406, %dma_wait3A_407] : memref<2x10000x64xf32, #tpu.memory_space<hbm>> -> memref<1x10000x64xf32, #tpu.memory_space<hbm>>
      %dma_wait3A_409 = tpu.memref_squeeze %dma_wait3A_408 : memref<1x10000x64xf32, #tpu.memory_space<hbm>> -> memref<10000x64xf32, #tpu.memory_space<hbm>>
      %dma_wait3A_410 = arith.constant 0 : i32
      %dma_wait3A_411 = arith.constant 0 : i32
      %dma_wait3A_412 = tpu.memref_slice %dma_wait3A_409[%dma_wait3A_410, %dma_wait3A_411] : memref<10000x64xf32, #tpu.memory_space<hbm>> -> memref<128x64xf32, #tpu.memory_space<hbm>>
      tpu.wait_dma2 semaphore(%arg27 : memref<!tpu.dma_semaphore, #tpu.memory_space<semaphore_mem>>) src(%dma_wait3A_412 : memref<128x64xf32, #tpu.memory_space<hbm>>) dst(%arg16 : memref<128x64xf32, #tpu.memory_space<vmem>>)
      %add3A_413 = arith.constant 5 : i32
      %add3A_414 = arith.addi %add3A_398, %add3A_413 : i32
      %lt3A_415 = arith.constant 160 : i32
      %lt3A_416 = arith.cmpi slt, %add3A_414, %lt3A_415 : i32
      %convert_element_type3A_417 = arith.extui %lt3A_416 : i1 to i32
      %cond3A_418 = arith.constant 0 : i32
      %cond3A_419 = arith.cmpi ne, %convert_element_type3A_417, %cond3A_418 : i32
      scf.if %cond3A_419 {
        %add3A_455 = arith.constant 5 : i32
        %add3A_456 = arith.addi %add3A_398, %add3A_455 : i32
        %dma_start3A_457 = arith.constant 4 : i32
        %dma_start3A_458 = arith.constant 0 : i32
        %dma_start3A_459 = tpu.memref_slice %arg10[%dma_start3A_457, %dma_start3A_458] : memref<5x128xi32, #tpu.memory_space<vmem>> -> memref<1x128xi32, #tpu.memory_space<vmem>>
        %dma_start3A_460 = tpu.memref_squeeze %dma_start3A_459 : memref<1x128xi32, #tpu.memory_space<vmem>> -> memref<128xi32, #tpu.memory_space<vmem>>
        %dma_start3A_461 = arith.constant 0 : i32
        %dma_start3A_462 = tpu.memref_slice %arg3[%arg1, %add3A_456, %dma_start3A_461] : memref<16x160x128xi32, #tpu.memory_space<hbm>> -> memref<1x1x128xi32, #tpu.memory_space<hbm>>
        %dma_start3A_463 = tpu.memref_squeeze %dma_start3A_462 : memref<1x1x128xi32, #tpu.memory_space<hbm>> -> memref<128xi32, #tpu.memory_space<hbm>>
        %dma_start3A_464 = arith.constant 0 : i32
        %dma_start3A_465 = tpu.memref_slice %arg10[%dma_start3A_457, %dma_start3A_464] : memref<5x128xi32, #tpu.memory_space<vmem>> -> memref<1x128xi32, #tpu.memory_space<vmem>>
        %dma_start3A_466 = tpu.memref_squeeze %dma_start3A_465 : memref<1x128xi32, #tpu.memory_space<vmem>> -> memref<128xi32, #tpu.memory_space<vmem>>
        %dma_start3A_467 = arith.constant 0 : i32
        %dma_start3A_468 = tpu.memref_slice %arg3[%arg1, %add3A_456, %dma_start3A_467] : memref<16x160x128xi32, #tpu.memory_space<hbm>> -> memref<1x1x128xi32, #tpu.memory_space<hbm>>
        %dma_start3A_469 = tpu.memref_squeeze %dma_start3A_468 : memref<1x1x128xi32, #tpu.memory_space<hbm>> -> memref<128xi32, #tpu.memory_space<hbm>>
        tpu.enqueue_dma source(%dma_start3A_469 : memref<128xi32, #tpu.memory_space<hbm>>) target(%dma_start3A_466 : memref<128xi32, #tpu.memory_space<vmem>>) target_semaphore(%arg22 : memref<!tpu.dma_semaphore, #tpu.memory_space<semaphore_mem>>)
      } else {
      }
      %dma_start3A_420 = arith.constant 0 : i32
      %dma_start3A_421 = tpu.memref_slice %arg11[%add3A_398, %dma_start3A_420] : memref<160x128xi32, #tpu.memory_space<vmem>> -> memref<1x128xi32, #tpu.memory_space<vmem>>
      %dma_start3A_422 = tpu.memref_squeeze %dma_start3A_421 : memref<1x128xi32, #tpu.memory_space<vmem>> -> memref<128xi32, #tpu.memory_space<vmem>>
      %dma_start3A_423 = arith.constant 0 : i32
      %dma_start3A_424 = arith.constant 0 : i32
      %dma_start3A_425 = tpu.memref_slice %arg17[%dma_start3A_423, %dma_start3A_424] : memref<10112x64xf32, #tpu.memory_space<vmem_shared>> -> memref<10112x64xf32, #tpu.memory_space<vmem_shared>>
      tpu.enqueue_indirect_dma source(%arg16 : memref<128x64xf32, #tpu.memory_space<vmem>>) target(%dma_start3A_425 : memref<10112x64xf32, #tpu.memory_space<vmem_shared>>) offsets(%dma_start3A_422 : memref<128xi32, #tpu.memory_space<vmem>>) semaphore(%arg32 : memref<!tpu.dma_semaphore, #tpu.memory_space<semaphore_mem>>) {add = true}
      %add3A_426 = arith.constant 4 : i32
      %add3A_427 = arith.addi %scan3A_164, %add3A_426 : i32
      %jit3A_428 = arith.constant 2 : i32
      %eq3A_429 = arith.constant 0 : i32
      %eq3A_430 = arith.cmpi eq, %jit3A_428, %eq3A_429 : i32
      %jit3A_431 = arith.constant 1 : i32
      %select_n3A_432 = arith.select %eq3A_430, %jit3A_431, %jit3A_428 : i32
      %rem3A_433 = arith.remsi %add3A_427, %select_n3A_432 : i32
      %ne3A_434 = arith.constant 0 : i32
      %ne3A_435 = arith.cmpi ne, %rem3A_433, %ne3A_434 : i32
      %lt3A_436 = arith.constant 0 : i32
      %lt3A_437 = arith.cmpi slt, %rem3A_433, %lt3A_436 : i32
      %lt3A_438 = arith.constant 0 : i32
      %lt3A_439 = arith.cmpi slt, %select_n3A_432, %lt3A_438 : i32
      %ne3A_440 = arith.xori %lt3A_437, %lt3A_439 : i1
      %and3A_441 = arith.andi %ne3A_440, %ne3A_435 : i1
      %add3A_442 = arith.addi %rem3A_433, %select_n3A_432 : i32
      %select_n3A_443 = arith.select %and3A_441, %add3A_442, %rem3A_433 : i32
      %eq3A_444 = arith.cmpi eq, %arg0, %select_n3A_443 : i32
      %convert_element_type3A_445 = arith.extui %eq3A_444 : i1 to i32
      %cond3A_446 = arith.constant 0 : i32
      %cond3A_447 = arith.cmpi ne, %convert_element_type3A_445, %cond3A_446 : i32
      scf.if %cond3A_447 {
        "tpu.region"() ({
          %run_scoped3A = tpu.sem_alloc : memref<!tpu.dma_semaphore, #tpu.memory_space<semaphore_mem>>
          %dma_start3A_455 = arith.constant 0 : i32
          %dma_start3A_456 = tpu.memref_slice %arg11[%add3A_398, %dma_start3A_455] : memref<160x128xi32, #tpu.memory_space<vmem>> -> memref<1x128xi32, #tpu.memory_space<vmem>>
          %dma_start3A_457 = tpu.memref_squeeze %dma_start3A_456 : memref<1x128xi32, #tpu.memory_space<vmem>> -> memref<128xi32, #tpu.memory_space<vmem>>
          %dma_start3A_458 = arith.constant 0 : i32
          %dma_start3A_459 = arith.constant 0 : i32
          %dma_start3A_460 = tpu.memref_slice %arg34[%dma_start3A_458, %dma_start3A_459] : memref<10112x8xf32, #tpu.memory_space<vmem_shared>> -> memref<10112x8xf32, #tpu.memory_space<vmem_shared>>
          tpu.enqueue_indirect_dma source(%arg33 : memref<128x8xf32, #tpu.memory_space<vmem>>) target(%dma_start3A_460 : memref<10112x8xf32, #tpu.memory_space<vmem_shared>>) offsets(%dma_start3A_457 : memref<128xi32, #tpu.memory_space<vmem>>) semaphore(%run_scoped3A : memref<!tpu.dma_semaphore, #tpu.memory_space<semaphore_mem>>) {add = true}
          %dma_wait3A_461 = arith.constant 0 : i32
          %dma_wait3A_462 = tpu.memref_slice %arg11[%add3A_398, %dma_wait3A_461] : memref<160x128xi32, #tpu.memory_space<vmem>> -> memref<1x128xi32, #tpu.memory_space<vmem>>
          %dma_wait3A_463 = tpu.memref_squeeze %dma_wait3A_462 : memref<1x128xi32, #tpu.memory_space<vmem>> -> memref<128xi32, #tpu.memory_space<vmem>>
          %dma_wait3A_464 = arith.constant 0 : i32
          %dma_wait3A_465 = arith.constant 0 : i32
          %dma_wait3A_466 = tpu.memref_slice %arg34[%dma_wait3A_464, %dma_wait3A_465] : memref<10112x8xf32, #tpu.memory_space<vmem_shared>> -> memref<10112x8xf32, #tpu.memory_space<vmem_shared>>
          tpu.wait_indirect_dma semaphore(%run_scoped3A : memref<!tpu.dma_semaphore, #tpu.memory_space<semaphore_mem>>) src(%arg33 : memref<128x8xf32, #tpu.memory_space<vmem>>) dst(%dma_wait3A_466 : memref<10112x8xf32, #tpu.memory_space<vmem_shared>>)
          tpu.yield
        }) : () -> ()
      } else {
      }
      %add3A_448 = arith.constant 2 : i32
      %add3A_449 = arith.addi %add3A_398, %add3A_448 : i32
      %lt3A_450 = arith.constant 160 : i32
      %lt3A_451 = arith.cmpi slt, %add3A_449, %lt3A_450 : i32
      %convert_element_type3A_452 = arith.extui %lt3A_451 : i1 to i32
      %cond3A_453 = arith.constant 0 : i32
      %cond3A_454 = arith.cmpi ne, %convert_element_type3A_452, %cond3A_453 : i32
      scf.if %cond3A_454 {
        %ge3A = arith.constant 2 : i32
        %ge3A_455 = arith.cmpi sge, %add3A_398, %ge3A : i32
        %convert_element_type3A_456 = arith.extui %ge3A_455 : i1 to i32
        %cond3A_457 = arith.constant 0 : i32
        %cond3A_458 = arith.cmpi ne, %convert_element_type3A_456, %cond3A_457 : i32
        scf.if %cond3A_458 {
          %dma_wait3A_483 = arith.constant 0 : i32
          %dma_wait3A_484 = arith.constant 0 : i32
          %dma_wait3A_485 = tpu.memref_slice %arg11[%dma_wait3A_483, %dma_wait3A_484] : memref<160x128xi32, #tpu.memory_space<vmem>> -> memref<1x128xi32, #tpu.memory_space<vmem>>
          %dma_wait3A_486 = tpu.memref_squeeze %dma_wait3A_485 : memref<1x128xi32, #tpu.memory_space<vmem>> -> memref<128xi32, #tpu.memory_space<vmem>>
          %dma_wait3A_487 = arith.constant 0 : i32
          %dma_wait3A_488 = arith.constant 0 : i32
          %dma_wait3A_489 = tpu.memref_slice %arg17[%dma_wait3A_487, %dma_wait3A_488] : memref<10112x64xf32, #tpu.memory_space<vmem_shared>> -> memref<10112x64xf32, #tpu.memory_space<vmem_shared>>
          tpu.wait_indirect_dma semaphore(%arg30 : memref<!tpu.dma_semaphore, #tpu.memory_space<semaphore_mem>>) src(%arg14 : memref<128x64xf32, #tpu.memory_space<vmem>>) dst(%dma_wait3A_489 : memref<10112x64xf32, #tpu.memory_space<vmem_shared>>)
        } else {
        }
        %dma_wait3A_459 = arith.constant 1 : i32
        %dma_wait3A_460 = arith.constant 0 : i32
        %dma_wait3A_461 = tpu.memref_slice %arg10[%dma_wait3A_459, %dma_wait3A_460] : memref<5x128xi32, #tpu.memory_space<vmem>> -> memref<1x128xi32, #tpu.memory_space<vmem>>
        %dma_wait3A_462 = tpu.memref_squeeze %dma_wait3A_461 : memref<1x128xi32, #tpu.memory_space<vmem>> -> memref<128xi32, #tpu.memory_space<vmem>>
        %dma_wait3A_463 = arith.constant 0 : i32
        %dma_wait3A_464 = tpu.memref_slice %arg3[%arg1, %scan3A_121, %dma_wait3A_463] : memref<16x160x128xi32, #tpu.memory_space<hbm>> -> memref<1x1x128xi32, #tpu.memory_space<hbm>>
        %dma_wait3A_465 = tpu.memref_squeeze %dma_wait3A_464 : memref<1x1x128xi32, #tpu.memory_space<hbm>> -> memref<128xi32, #tpu.memory_space<hbm>>
        %dma_wait3A_466 = arith.constant 0 : i32
        %dma_wait3A_467 = tpu.memref_slice %arg10[%dma_wait3A_459, %dma_wait3A_466] : memref<5x128xi32, #tpu.memory_space<vmem>> -> memref<1x128xi32, #tpu.memory_space<vmem>>
        %dma_wait3A_468 = tpu.memref_squeeze %dma_wait3A_467 : memref<1x128xi32, #tpu.memory_space<vmem>> -> memref<128xi32, #tpu.memory_space<vmem>>
        %dma_wait3A_469 = arith.constant 0 : i32
        %dma_wait3A_470 = tpu.memref_slice %arg3[%arg1, %scan3A_121, %dma_wait3A_469] : memref<16x160x128xi32, #tpu.memory_space<hbm>> -> memref<1x1x128xi32, #tpu.memory_space<hbm>>
        %dma_wait3A_471 = tpu.memref_squeeze %dma_wait3A_470 : memref<1x1x128xi32, #tpu.memory_space<hbm>> -> memref<128xi32, #tpu.memory_space<hbm>>
        tpu.wait_dma2 semaphore(%arg19 : memref<!tpu.dma_semaphore, #tpu.memory_space<semaphore_mem>>) src(%dma_wait3A_471 : memref<128xi32, #tpu.memory_space<hbm>>) dst(%dma_wait3A_468 : memref<128xi32, #tpu.memory_space<vmem>>)
        %dma_start3A_472 = arith.constant 1 : i32
        %dma_start3A_473 = arith.constant 0 : i32
        %dma_start3A_474 = tpu.memref_slice %arg10[%dma_start3A_472, %dma_start3A_473] : memref<5x128xi32, #tpu.memory_space<vmem>> -> memref<1x128xi32, #tpu.memory_space<vmem>>
        %dma_start3A_475 = tpu.memref_squeeze %dma_start3A_474 : memref<1x128xi32, #tpu.memory_space<vmem>> -> memref<128xi32, #tpu.memory_space<vmem>>
        %dma_start3A_476 = arith.constant 0 : i32
        %dma_start3A_477 = arith.constant 0 : i32
        %dma_start3A_478 = tpu.memref_slice %arg2[%arg0, %dma_start3A_476, %dma_start3A_477] : memref<2x10000x64xf32, #tpu.memory_space<hbm>> -> memref<1x10000x64xf32, #tpu.memory_space<hbm>>
        %dma_start3A_479 = tpu.memref_squeeze %dma_start3A_478 : memref<1x10000x64xf32, #tpu.memory_space<hbm>> -> memref<10000x64xf32, #tpu.memory_space<hbm>>
        %dma_start3A_480 = arith.constant 0 : i32
        %dma_start3A_481 = arith.constant 0 : i32
        %dma_start3A_482 = tpu.memref_slice %dma_start3A_479[%dma_start3A_480, %dma_start3A_481] : memref<10000x64xf32, #tpu.memory_space<hbm>> -> memref<10000x64xf32, #tpu.memory_space<hbm>>
        tpu.enqueue_indirect_dma source(%dma_start3A_482 : memref<10000x64xf32, #tpu.memory_space<hbm>>) target(%arg13 : memref<128x64xf32, #tpu.memory_space<vmem>>) offsets(%dma_start3A_475 : memref<128xi32, #tpu.memory_space<vmem>>) semaphore(%arg24 : memref<!tpu.dma_semaphore, #tpu.memory_space<semaphore_mem>>)
      } else {
      }
    }
    %scan3A_126 = arith.constant 32 : i32
    %dma_wait3A_127 = arith.constant 0 : i32
    %dma_wait3A_128 = arith.constant 0 : i32
    %dma_wait3A_129 = tpu.memref_slice %arg11[%dma_wait3A_127, %dma_wait3A_128] : memref<160x128xi32, #tpu.memory_space<vmem>> -> memref<1x128xi32, #tpu.memory_space<vmem>>
    %dma_wait3A_130 = tpu.memref_squeeze %dma_wait3A_129 : memref<1x128xi32, #tpu.memory_space<vmem>> -> memref<128xi32, #tpu.memory_space<vmem>>
    %dma_wait3A_131 = arith.constant 0 : i32
    %dma_wait3A_132 = arith.constant 0 : i32
    %dma_wait3A_133 = tpu.memref_slice %arg17[%dma_wait3A_131, %dma_wait3A_132] : memref<10112x64xf32, #tpu.memory_space<vmem_shared>> -> memref<10112x64xf32, #tpu.memory_space<vmem_shared>>
    tpu.wait_indirect_dma semaphore(%arg29 : memref<!tpu.dma_semaphore, #tpu.memory_space<semaphore_mem>>) src(%arg13 : memref<128x64xf32, #tpu.memory_space<vmem>>) dst(%dma_wait3A_133 : memref<10112x64xf32, #tpu.memory_space<vmem_shared>>)
    %dma_wait3A_134 = arith.constant 0 : i32
    %dma_wait3A_135 = arith.constant 0 : i32
    %dma_wait3A_136 = tpu.memref_slice %arg11[%dma_wait3A_134, %dma_wait3A_135] : memref<160x128xi32, #tpu.memory_space<vmem>> -> memref<1x128xi32, #tpu.memory_space<vmem>>
    %dma_wait3A_137 = tpu.memref_squeeze %dma_wait3A_136 : memref<1x128xi32, #tpu.memory_space<vmem>> -> memref<128xi32, #tpu.memory_space<vmem>>
    %dma_wait3A_138 = arith.constant 0 : i32
    %dma_wait3A_139 = arith.constant 0 : i32
    %dma_wait3A_140 = tpu.memref_slice %arg17[%dma_wait3A_138, %dma_wait3A_139] : memref<10112x64xf32, #tpu.memory_space<vmem_shared>> -> memref<10112x64xf32, #tpu.memory_space<vmem_shared>>
    tpu.wait_indirect_dma semaphore(%arg30 : memref<!tpu.dma_semaphore, #tpu.memory_space<semaphore_mem>>) src(%arg14 : memref<128x64xf32, #tpu.memory_space<vmem>>) dst(%dma_wait3A_140 : memref<10112x64xf32, #tpu.memory_space<vmem_shared>>)
    %dma_wait3A_141 = arith.constant 0 : i32
    %dma_wait3A_142 = arith.constant 0 : i32
    %dma_wait3A_143 = tpu.memref_slice %arg11[%dma_wait3A_141, %dma_wait3A_142] : memref<160x128xi32, #tpu.memory_space<vmem>> -> memref<1x128xi32, #tpu.memory_space<vmem>>
    %dma_wait3A_144 = tpu.memref_squeeze %dma_wait3A_143 : memref<1x128xi32, #tpu.memory_space<vmem>> -> memref<128xi32, #tpu.memory_space<vmem>>
    %dma_wait3A_145 = arith.constant 0 : i32
    %dma_wait3A_146 = arith.constant 0 : i32
    %dma_wait3A_147 = tpu.memref_slice %arg17[%dma_wait3A_145, %dma_wait3A_146] : memref<10112x64xf32, #tpu.memory_space<vmem_shared>> -> memref<10112x64xf32, #tpu.memory_space<vmem_shared>>
    tpu.wait_indirect_dma semaphore(%arg31 : memref<!tpu.dma_semaphore, #tpu.memory_space<semaphore_mem>>) src(%arg15 : memref<128x64xf32, #tpu.memory_space<vmem>>) dst(%dma_wait3A_147 : memref<10112x64xf32, #tpu.memory_space<vmem_shared>>)
    %dma_wait3A_148 = arith.constant 0 : i32
    %dma_wait3A_149 = arith.constant 0 : i32
    %dma_wait3A_150 = tpu.memref_slice %arg11[%dma_wait3A_148, %dma_wait3A_149] : memref<160x128xi32, #tpu.memory_space<vmem>> -> memref<1x128xi32, #tpu.memory_space<vmem>>
    %dma_wait3A_151 = tpu.memref_squeeze %dma_wait3A_150 : memref<1x128xi32, #tpu.memory_space<vmem>> -> memref<128xi32, #tpu.memory_space<vmem>>
    %dma_wait3A_152 = arith.constant 0 : i32
    %dma_wait3A_153 = arith.constant 0 : i32
    %dma_wait3A_154 = tpu.memref_slice %arg17[%dma_wait3A_152, %dma_wait3A_153] : memref<10112x64xf32, #tpu.memory_space<vmem_shared>> -> memref<10112x64xf32, #tpu.memory_space<vmem_shared>>
    tpu.wait_indirect_dma semaphore(%arg32 : memref<!tpu.dma_semaphore, #tpu.memory_space<semaphore_mem>>) src(%arg16 : memref<128x64xf32, #tpu.memory_space<vmem>>) dst(%dma_wait3A_154 : memref<10112x64xf32, #tpu.memory_space<vmem_shared>>)
    %barrier3A_155 = arith.constant 0 : index
    tpu.barrier barrier_id(%barrier3A_155)
    %mul3A_156 = arith.constant 632 : i32
    %mul3A_157 = arith.muli %arg1, %mul3A_156 : i32
    %mul3A_158 = arith.constant 632 : i32
    %mul3A_159 = arith.muli %arg1, %mul3A_158 : i32
    "tpu.region"() ({
      %run_scoped3A = tpu.sem_alloc : memref<!tpu.dma_semaphore, #tpu.memory_space<semaphore_mem>>
      %dma_start3A_164 = arith.constant 0 : i32
      %dma_start3A_165 = tpu.memref_slice %arg8[%arg0, %mul3A_159, %dma_start3A_164] : memref<2x10112x64xf32, #tpu.memory_space<hbm>> -> memref<1x632x64xf32, #tpu.memory_space<hbm>>
      %dma_start3A_166 = tpu.memref_squeeze %dma_start3A_165 : memref<1x632x64xf32, #tpu.memory_space<hbm>> -> memref<632x64xf32, #tpu.memory_space<hbm>>
      %dma_start3A_167 = arith.constant 0 : i32
      %dma_start3A_168 = tpu.memref_slice %arg17[%mul3A_157, %dma_start3A_167] : memref<10112x64xf32, #tpu.memory_space<vmem_shared>> -> memref<632x64xf32, #tpu.memory_space<vmem_shared>>
      tpu.enqueue_dma source(%dma_start3A_168 : memref<632x64xf32, #tpu.memory_space<vmem_shared>>) target(%dma_start3A_166 : memref<632x64xf32, #tpu.memory_space<hbm>>) target_semaphore(%run_scoped3A : memref<!tpu.dma_semaphore, #tpu.memory_space<semaphore_mem>>)
      %dma_wait3A_169 = arith.constant 0 : i32
      %dma_wait3A_170 = tpu.memref_slice %arg8[%arg0, %mul3A_159, %dma_wait3A_169] : memref<2x10112x64xf32, #tpu.memory_space<hbm>> -> memref<1x632x64xf32, #tpu.memory_space<hbm>>
      %dma_wait3A_171 = tpu.memref_squeeze %dma_wait3A_170 : memref<1x632x64xf32, #tpu.memory_space<hbm>> -> memref<632x64xf32, #tpu.memory_space<hbm>>
      %dma_wait3A_172 = arith.constant 0 : i32
      %dma_wait3A_173 = tpu.memref_slice %arg17[%mul3A_157, %dma_wait3A_172] : memref<10112x64xf32, #tpu.memory_space<vmem_shared>> -> memref<632x64xf32, #tpu.memory_space<vmem_shared>>
      tpu.wait_dma2 semaphore(%run_scoped3A : memref<!tpu.dma_semaphore, #tpu.memory_space<semaphore_mem>>) src(%dma_wait3A_173 : memref<632x64xf32, #tpu.memory_space<vmem_shared>>) dst(%dma_wait3A_171 : memref<632x64xf32, #tpu.memory_space<hbm>>)
      tpu.yield
    }) : () -> ()
    %mul3A_160 = arith.constant 632 : i32
    %mul3A_161 = arith.muli %arg1, %mul3A_160 : i32
    %mul3A_162 = arith.constant 632 : i32
    %mul3A_163 = arith.muli %arg1, %mul3A_162 : i32
    "tpu.region"() ({
      %run_scoped3A = tpu.sem_alloc : memref<!tpu.dma_semaphore, #tpu.memory_space<semaphore_mem>>
      %dma_start3A_164 = arith.constant 0 : i32
      %dma_start3A_165 = tpu.memref_slice %arg9[%arg0, %mul3A_163, %dma_start3A_164] : memref<2x10112x8xf32, #tpu.memory_space<hbm>> -> memref<1x632x8xf32, #tpu.memory_space<hbm>>
      %dma_start3A_166 = tpu.memref_squeeze %dma_start3A_165 : memref<1x632x8xf32, #tpu.memory_space<hbm>> -> memref<632x8xf32, #tpu.memory_space<hbm>>
      %dma_start3A_167 = arith.constant 0 : i32
      %dma_start3A_168 = tpu.memref_slice %arg34[%mul3A_161, %dma_start3A_167] : memref<10112x8xf32, #tpu.memory_space<vmem_shared>> -> memref<632x8xf32, #tpu.memory_space<vmem_shared>>
      tpu.enqueue_dma source(%dma_start3A_168 : memref<632x8xf32, #tpu.memory_space<vmem_shared>>) target(%dma_start3A_166 : memref<632x8xf32, #tpu.memory_space<hbm>>) target_semaphore(%run_scoped3A : memref<!tpu.dma_semaphore, #tpu.memory_space<semaphore_mem>>)
      %dma_wait3A_169 = arith.constant 0 : i32
      %dma_wait3A_170 = tpu.memref_slice %arg9[%arg0, %mul3A_163, %dma_wait3A_169] : memref<2x10112x8xf32, #tpu.memory_space<hbm>> -> memref<1x632x8xf32, #tpu.memory_space<hbm>>
      %dma_wait3A_171 = tpu.memref_squeeze %dma_wait3A_170 : memref<1x632x8xf32, #tpu.memory_space<hbm>> -> memref<632x8xf32, #tpu.memory_space<hbm>>
      %dma_wait3A_172 = arith.constant 0 : i32
      %dma_wait3A_173 = tpu.memref_slice %arg34[%mul3A_161, %dma_wait3A_172] : memref<10112x8xf32, #tpu.memory_space<vmem_shared>> -> memref<632x8xf32, #tpu.memory_space<vmem_shared>>
      tpu.wait_dma2 semaphore(%run_scoped3A : memref<!tpu.dma_semaphore, #tpu.memory_space<semaphore_mem>>) src(%dma_wait3A_173 : memref<632x8xf32, #tpu.memory_space<vmem_shared>>) dst(%dma_wait3A_171 : memref<632x8xf32, #tpu.memory_space<hbm>>)
      tpu.yield
    }) : () -> ()
    return
  }
}

#map = affine_map<(d0, d1) -> (0, 0, 0)>
#map1 = affine_map<(d0, d1) -> (0, 0)>
module attributes {stable_mosaic.version = 14 : i64} {
  func.func @body(%arg0: i32, %arg1: i32, %arg2: memref<2x10000x64xf32, #tpu.memory_space<hbm>>, %arg3: memref<16x160x128xi32, #tpu.memory_space<hbm>>, %arg4: memref<16x160x128xi32, #tpu.memory_space<hbm>>, %arg5: memref<632x64xf32, #tpu.memory_space<hbm>>, %arg6: memref<632x8xf32, #tpu.memory_space<hbm>>, %arg7: memref<128x8xf32, #tpu.memory_space<hbm>>, %arg8: memref<2x10112x64xf32, #tpu.memory_space<hbm>>, %arg9: memref<5x128xi32, #tpu.memory_space<vmem>>, %arg10: memref<160x128xi32, #tpu.memory_space<vmem>>, %arg11: memref<128x64xf32, #tpu.memory_space<vmem>>, %arg12: memref<128x64xf32, #tpu.memory_space<vmem>>, %arg13: memref<128x64xf32, #tpu.memory_space<vmem>>, %arg14: memref<128x64xf32, #tpu.memory_space<vmem>>, %arg15: memref<128x64xf32, #tpu.memory_space<vmem>>, %arg16: memref<10112x64xf32, #tpu.memory_space<vmem_shared>>, %arg17: memref<!tpu.dma_semaphore, #tpu.memory_space<semaphore_mem>>, %arg18: memref<!tpu.dma_semaphore, #tpu.memory_space<semaphore_mem>>, %arg19: memref<!tpu.dma_semaphore, #tpu.memory_space<semaphore_mem>>, %arg20: memref<!tpu.dma_semaphore, #tpu.memory_space<semaphore_mem>>, %arg21: memref<!tpu.dma_semaphore, #tpu.memory_space<semaphore_mem>>, %arg22: memref<!tpu.dma_semaphore, #tpu.memory_space<semaphore_mem>>, %arg23: memref<!tpu.dma_semaphore, #tpu.memory_space<semaphore_mem>>, %arg24: memref<!tpu.dma_semaphore, #tpu.memory_space<semaphore_mem>>, %arg25: memref<!tpu.dma_semaphore, #tpu.memory_space<semaphore_mem>>, %arg26: memref<!tpu.dma_semaphore, #tpu.memory_space<semaphore_mem>>, %arg27: memref<!tpu.dma_semaphore, #tpu.memory_space<semaphore_mem>>, %arg28: memref<!tpu.dma_semaphore, #tpu.memory_space<semaphore_mem>>, %arg29: memref<!tpu.dma_semaphore, #tpu.memory_space<semaphore_mem>>, %arg30: memref<!tpu.dma_semaphore, #tpu.memory_space<semaphore_mem>>, %arg31: memref<!tpu.dma_semaphore, #tpu.memory_space<semaphore_mem>>) attributes {dimension_semantics = [#tpu.dimension_semantics<core_parallel>, #tpu.dimension_semantics<subcore_parallel>], iteration_bounds = array<i64: 2, 16>, scalar_prefetch = 0 : i64, scratch_operands = 23 : i64, tpu.core_type = #tpu.core_type<sc_vector_subcore>, window_params = [{transform_indices = #map}, {transform_indices = #map}, {transform_indices = #map}, {transform_indices = #map1}, {transform_indices = #map1}, {transform_indices = #map1}, {transform_indices = #map}]} {
    "tpu.region"() ({
      %run_scoped3A = tpu.sem_alloc : memref<!tpu.dma_semaphore, #tpu.memory_space<semaphore_mem>>
      %dma_start3A_158 = arith.constant 0 : i32
      %dma_start3A_159 = arith.constant 0 : i32
      %dma_start3A_160 = tpu.memref_slice %arg4[%arg1, %dma_start3A_158, %dma_start3A_159] : memref<16x160x128xi32, #tpu.memory_space<hbm>> -> memref<1x160x128xi32, #tpu.memory_space<hbm>>
      %dma_start3A_161 = tpu.memref_squeeze %dma_start3A_160 : memref<1x160x128xi32, #tpu.memory_space<hbm>> -> memref<160x128xi32, #tpu.memory_space<hbm>>
      %dma_start3A_162 = arith.constant 0 : i32
      %dma_start3A_163 = arith.constant 0 : i32
      %dma_start3A_164 = tpu.memref_slice %arg4[%arg1, %dma_start3A_162, %dma_start3A_163] : memref<16x160x128xi32, #tpu.memory_space<hbm>> -> memref<1x160x128xi32, #tpu.memory_space<hbm>>
      %dma_start3A_165 = tpu.memref_squeeze %dma_start3A_164 : memref<1x160x128xi32, #tpu.memory_space<hbm>> -> memref<160x128xi32, #tpu.memory_space<hbm>>
      tpu.enqueue_dma source(%dma_start3A_165 : memref<160x128xi32, #tpu.memory_space<hbm>>) target(%arg10 : memref<160x128xi32, #tpu.memory_space<vmem>>) target_semaphore(%run_scoped3A : memref<!tpu.dma_semaphore, #tpu.memory_space<semaphore_mem>>)
      %dma_wait3A_166 = arith.constant 0 : i32
      %dma_wait3A_167 = arith.constant 0 : i32
      %dma_wait3A_168 = tpu.memref_slice %arg4[%arg1, %dma_wait3A_166, %dma_wait3A_167] : memref<16x160x128xi32, #tpu.memory_space<hbm>> -> memref<1x160x128xi32, #tpu.memory_space<hbm>>
      %dma_wait3A_169 = tpu.memref_squeeze %dma_wait3A_168 : memref<1x160x128xi32, #tpu.memory_space<hbm>> -> memref<160x128xi32, #tpu.memory_space<hbm>>
      %dma_wait3A_170 = arith.constant 0 : i32
      %dma_wait3A_171 = arith.constant 0 : i32
      %dma_wait3A_172 = tpu.memref_slice %arg4[%arg1, %dma_wait3A_170, %dma_wait3A_171] : memref<16x160x128xi32, #tpu.memory_space<hbm>> -> memref<1x160x128xi32, #tpu.memory_space<hbm>>
      %dma_wait3A_173 = tpu.memref_squeeze %dma_wait3A_172 : memref<1x160x128xi32, #tpu.memory_space<hbm>> -> memref<160x128xi32, #tpu.memory_space<hbm>>
      tpu.wait_dma2 semaphore(%run_scoped3A : memref<!tpu.dma_semaphore, #tpu.memory_space<semaphore_mem>>) src(%dma_wait3A_173 : memref<160x128xi32, #tpu.memory_space<hbm>>) dst(%arg10 : memref<160x128xi32, #tpu.memory_space<vmem>>)
      tpu.yield
    }) : () -> ()
    %mul3A = arith.constant 632 : i32
    %mul3A_0 = arith.muli %arg1, %mul3A : i32
    "tpu.region"() ({
      %run_scoped3A = tpu.sem_alloc : memref<!tpu.dma_semaphore, #tpu.memory_space<semaphore_mem>>
      %dma_start3A_158 = arith.constant 0 : i32
      %dma_start3A_159 = tpu.memref_slice %arg16[%mul3A_0, %dma_start3A_158] : memref<10112x64xf32, #tpu.memory_space<vmem_shared>> -> memref<632x64xf32, #tpu.memory_space<vmem_shared>>
      tpu.enqueue_dma source(%arg5 : memref<632x64xf32, #tpu.memory_space<hbm>>) target(%dma_start3A_159 : memref<632x64xf32, #tpu.memory_space<vmem_shared>>) target_semaphore(%run_scoped3A : memref<!tpu.dma_semaphore, #tpu.memory_space<semaphore_mem>>)
      %dma_wait3A_160 = arith.constant 0 : i32
      %dma_wait3A_161 = tpu.memref_slice %arg16[%mul3A_0, %dma_wait3A_160] : memref<10112x64xf32, #tpu.memory_space<vmem_shared>> -> memref<632x64xf32, #tpu.memory_space<vmem_shared>>
      tpu.wait_dma2 semaphore(%run_scoped3A : memref<!tpu.dma_semaphore, #tpu.memory_space<semaphore_mem>>) src(%arg5 : memref<632x64xf32, #tpu.memory_space<hbm>>) dst(%dma_wait3A_161 : memref<632x64xf32, #tpu.memory_space<vmem_shared>>)
      tpu.yield
    }) : () -> ()
    %barrier3A = arith.constant 0 : index
    tpu.barrier barrier_id(%barrier3A)
    %dma_start3A = arith.constant 0 : i32
    %dma_start3A_1 = arith.constant 0 : i32
    %dma_start3A_2 = arith.constant 0 : i32
    %dma_start3A_3 = tpu.memref_slice %arg9[%dma_start3A_1, %dma_start3A_2] : memref<5x128xi32, #tpu.memory_space<vmem>> -> memref<1x128xi32, #tpu.memory_space<vmem>>
    %dma_start3A_4 = tpu.memref_squeeze %dma_start3A_3 : memref<1x128xi32, #tpu.memory_space<vmem>> -> memref<128xi32, #tpu.memory_space<vmem>>
    %dma_start3A_5 = arith.constant 0 : i32
    %dma_start3A_6 = tpu.memref_slice %arg3[%arg1, %dma_start3A, %dma_start3A_5] : memref<16x160x128xi32, #tpu.memory_space<hbm>> -> memref<1x1x128xi32, #tpu.memory_space<hbm>>
    %dma_start3A_7 = tpu.memref_squeeze %dma_start3A_6 : memref<1x1x128xi32, #tpu.memory_space<hbm>> -> memref<128xi32, #tpu.memory_space<hbm>>
    %dma_start3A_8 = arith.constant 0 : i32
    %dma_start3A_9 = tpu.memref_slice %arg9[%dma_start3A_1, %dma_start3A_8] : memref<5x128xi32, #tpu.memory_space<vmem>> -> memref<1x128xi32, #tpu.memory_space<vmem>>
    %dma_start3A_10 = tpu.memref_squeeze %dma_start3A_9 : memref<1x128xi32, #tpu.memory_space<vmem>> -> memref<128xi32, #tpu.memory_space<vmem>>
    %dma_start3A_11 = arith.constant 0 : i32
    %dma_start3A_12 = tpu.memref_slice %arg3[%arg1, %dma_start3A, %dma_start3A_11] : memref<16x160x128xi32, #tpu.memory_space<hbm>> -> memref<1x1x128xi32, #tpu.memory_space<hbm>>
    %dma_start3A_13 = tpu.memref_squeeze %dma_start3A_12 : memref<1x1x128xi32, #tpu.memory_space<hbm>> -> memref<128xi32, #tpu.memory_space<hbm>>
    tpu.enqueue_dma source(%dma_start3A_13 : memref<128xi32, #tpu.memory_space<hbm>>) target(%dma_start3A_10 : memref<128xi32, #tpu.memory_space<vmem>>) target_semaphore(%arg17 : memref<!tpu.dma_semaphore, #tpu.memory_space<semaphore_mem>>)
    %dma_start3A_14 = arith.constant 1 : i32
    %dma_start3A_15 = arith.constant 1 : i32
    %dma_start3A_16 = arith.constant 0 : i32
    %dma_start3A_17 = tpu.memref_slice %arg9[%dma_start3A_15, %dma_start3A_16] : memref<5x128xi32, #tpu.memory_space<vmem>> -> memref<1x128xi32, #tpu.memory_space<vmem>>
    %dma_start3A_18 = tpu.memref_squeeze %dma_start3A_17 : memref<1x128xi32, #tpu.memory_space<vmem>> -> memref<128xi32, #tpu.memory_space<vmem>>
    %dma_start3A_19 = arith.constant 0 : i32
    %dma_start3A_20 = tpu.memref_slice %arg3[%arg1, %dma_start3A_14, %dma_start3A_19] : memref<16x160x128xi32, #tpu.memory_space<hbm>> -> memref<1x1x128xi32, #tpu.memory_space<hbm>>
    %dma_start3A_21 = tpu.memref_squeeze %dma_start3A_20 : memref<1x1x128xi32, #tpu.memory_space<hbm>> -> memref<128xi32, #tpu.memory_space<hbm>>
    %dma_start3A_22 = arith.constant 0 : i32
    %dma_start3A_23 = tpu.memref_slice %arg9[%dma_start3A_15, %dma_start3A_22] : memref<5x128xi32, #tpu.memory_space<vmem>> -> memref<1x128xi32, #tpu.memory_space<vmem>>
    %dma_start3A_24 = tpu.memref_squeeze %dma_start3A_23 : memref<1x128xi32, #tpu.memory_space<vmem>> -> memref<128xi32, #tpu.memory_space<vmem>>
    %dma_start3A_25 = arith.constant 0 : i32
    %dma_start3A_26 = tpu.memref_slice %arg3[%arg1, %dma_start3A_14, %dma_start3A_25] : memref<16x160x128xi32, #tpu.memory_space<hbm>> -> memref<1x1x128xi32, #tpu.memory_space<hbm>>
    %dma_start3A_27 = tpu.memref_squeeze %dma_start3A_26 : memref<1x1x128xi32, #tpu.memory_space<hbm>> -> memref<128xi32, #tpu.memory_space<hbm>>
    tpu.enqueue_dma source(%dma_start3A_27 : memref<128xi32, #tpu.memory_space<hbm>>) target(%dma_start3A_24 : memref<128xi32, #tpu.memory_space<vmem>>) target_semaphore(%arg18 : memref<!tpu.dma_semaphore, #tpu.memory_space<semaphore_mem>>)
    %dma_start3A_28 = arith.constant 2 : i32
    %dma_start3A_29 = arith.constant 2 : i32
    %dma_start3A_30 = arith.constant 0 : i32
    %dma_start3A_31 = tpu.memref_slice %arg9[%dma_start3A_29, %dma_start3A_30] : memref<5x128xi32, #tpu.memory_space<vmem>> -> memref<1x128xi32, #tpu.memory_space<vmem>>
    %dma_start3A_32 = tpu.memref_squeeze %dma_start3A_31 : memref<1x128xi32, #tpu.memory_space<vmem>> -> memref<128xi32, #tpu.memory_space<vmem>>
    %dma_start3A_33 = arith.constant 0 : i32
    %dma_start3A_34 = tpu.memref_slice %arg3[%arg1, %dma_start3A_28, %dma_start3A_33] : memref<16x160x128xi32, #tpu.memory_space<hbm>> -> memref<1x1x128xi32, #tpu.memory_space<hbm>>
    %dma_start3A_35 = tpu.memref_squeeze %dma_start3A_34 : memref<1x1x128xi32, #tpu.memory_space<hbm>> -> memref<128xi32, #tpu.memory_space<hbm>>
    %dma_start3A_36 = arith.constant 0 : i32
    %dma_start3A_37 = tpu.memref_slice %arg9[%dma_start3A_29, %dma_start3A_36] : memref<5x128xi32, #tpu.memory_space<vmem>> -> memref<1x128xi32, #tpu.memory_space<vmem>>
    %dma_start3A_38 = tpu.memref_squeeze %dma_start3A_37 : memref<1x128xi32, #tpu.memory_space<vmem>> -> memref<128xi32, #tpu.memory_space<vmem>>
    %dma_start3A_39 = arith.constant 0 : i32
    %dma_start3A_40 = tpu.memref_slice %arg3[%arg1, %dma_start3A_28, %dma_start3A_39] : memref<16x160x128xi32, #tpu.memory_space<hbm>> -> memref<1x1x128xi32, #tpu.memory_space<hbm>>
    %dma_start3A_41 = tpu.memref_squeeze %dma_start3A_40 : memref<1x1x128xi32, #tpu.memory_space<hbm>> -> memref<128xi32, #tpu.memory_space<hbm>>
    tpu.enqueue_dma source(%dma_start3A_41 : memref<128xi32, #tpu.memory_space<hbm>>) target(%dma_start3A_38 : memref<128xi32, #tpu.memory_space<vmem>>) target_semaphore(%arg19 : memref<!tpu.dma_semaphore, #tpu.memory_space<semaphore_mem>>)
    %dma_start3A_42 = arith.constant 3 : i32
    %dma_start3A_43 = arith.constant 3 : i32
    %dma_start3A_44 = arith.constant 0 : i32
    %dma_start3A_45 = tpu.memref_slice %arg9[%dma_start3A_43, %dma_start3A_44] : memref<5x128xi32, #tpu.memory_space<vmem>> -> memref<1x128xi32, #tpu.memory_space<vmem>>
    %dma_start3A_46 = tpu.memref_squeeze %dma_start3A_45 : memref<1x128xi32, #tpu.memory_space<vmem>> -> memref<128xi32, #tpu.memory_space<vmem>>
    %dma_start3A_47 = arith.constant 0 : i32
    %dma_start3A_48 = tpu.memref_slice %arg3[%arg1, %dma_start3A_42, %dma_start3A_47] : memref<16x160x128xi32, #tpu.memory_space<hbm>> -> memref<1x1x128xi32, #tpu.memory_space<hbm>>
    %dma_start3A_49 = tpu.memref_squeeze %dma_start3A_48 : memref<1x1x128xi32, #tpu.memory_space<hbm>> -> memref<128xi32, #tpu.memory_space<hbm>>
    %dma_start3A_50 = arith.constant 0 : i32
    %dma_start3A_51 = tpu.memref_slice %arg9[%dma_start3A_43, %dma_start3A_50] : memref<5x128xi32, #tpu.memory_space<vmem>> -> memref<1x128xi32, #tpu.memory_space<vmem>>
    %dma_start3A_52 = tpu.memref_squeeze %dma_start3A_51 : memref<1x128xi32, #tpu.memory_space<vmem>> -> memref<128xi32, #tpu.memory_space<vmem>>
    %dma_start3A_53 = arith.constant 0 : i32
    %dma_start3A_54 = tpu.memref_slice %arg3[%arg1, %dma_start3A_42, %dma_start3A_53] : memref<16x160x128xi32, #tpu.memory_space<hbm>> -> memref<1x1x128xi32, #tpu.memory_space<hbm>>
    %dma_start3A_55 = tpu.memref_squeeze %dma_start3A_54 : memref<1x1x128xi32, #tpu.memory_space<hbm>> -> memref<128xi32, #tpu.memory_space<hbm>>
    tpu.enqueue_dma source(%dma_start3A_55 : memref<128xi32, #tpu.memory_space<hbm>>) target(%dma_start3A_52 : memref<128xi32, #tpu.memory_space<vmem>>) target_semaphore(%arg20 : memref<!tpu.dma_semaphore, #tpu.memory_space<semaphore_mem>>)
    %dma_start3A_56 = arith.constant 4 : i32
    %dma_start3A_57 = arith.constant 4 : i32
    %dma_start3A_58 = arith.constant 0 : i32
    %dma_start3A_59 = tpu.memref_slice %arg9[%dma_start3A_57, %dma_start3A_58] : memref<5x128xi32, #tpu.memory_space<vmem>> -> memref<1x128xi32, #tpu.memory_space<vmem>>
    %dma_start3A_60 = tpu.memref_squeeze %dma_start3A_59 : memref<1x128xi32, #tpu.memory_space<vmem>> -> memref<128xi32, #tpu.memory_space<vmem>>
    %dma_start3A_61 = arith.constant 0 : i32
    %dma_start3A_62 = tpu.memref_slice %arg3[%arg1, %dma_start3A_56, %dma_start3A_61] : memref<16x160x128xi32, #tpu.memory_space<hbm>> -> memref<1x1x128xi32, #tpu.memory_space<hbm>>
    %dma_start3A_63 = tpu.memref_squeeze %dma_start3A_62 : memref<1x1x128xi32, #tpu.memory_space<hbm>> -> memref<128xi32, #tpu.memory_space<hbm>>
    %dma_start3A_64 = arith.constant 0 : i32
    %dma_start3A_65 = tpu.memref_slice %arg9[%dma_start3A_57, %dma_start3A_64] : memref<5x128xi32, #tpu.memory_space<vmem>> -> memref<1x128xi32, #tpu.memory_space<vmem>>
    %dma_start3A_66 = tpu.memref_squeeze %dma_start3A_65 : memref<1x128xi32, #tpu.memory_space<vmem>> -> memref<128xi32, #tpu.memory_space<vmem>>
    %dma_start3A_67 = arith.constant 0 : i32
    %dma_start3A_68 = tpu.memref_slice %arg3[%arg1, %dma_start3A_56, %dma_start3A_67] : memref<16x160x128xi32, #tpu.memory_space<hbm>> -> memref<1x1x128xi32, #tpu.memory_space<hbm>>
    %dma_start3A_69 = tpu.memref_squeeze %dma_start3A_68 : memref<1x1x128xi32, #tpu.memory_space<hbm>> -> memref<128xi32, #tpu.memory_space<hbm>>
    tpu.enqueue_dma source(%dma_start3A_69 : memref<128xi32, #tpu.memory_space<hbm>>) target(%dma_start3A_66 : memref<128xi32, #tpu.memory_space<vmem>>) target_semaphore(%arg21 : memref<!tpu.dma_semaphore, #tpu.memory_space<semaphore_mem>>)
    %dma_wait3A = arith.constant 0 : i32
    %dma_wait3A_70 = arith.constant 0 : i32
    %dma_wait3A_71 = arith.constant 0 : i32
    %dma_wait3A_72 = tpu.memref_slice %arg9[%dma_wait3A_70, %dma_wait3A_71] : memref<5x128xi32, #tpu.memory_space<vmem>> -> memref<1x128xi32, #tpu.memory_space<vmem>>
    %dma_wait3A_73 = tpu.memref_squeeze %dma_wait3A_72 : memref<1x128xi32, #tpu.memory_space<vmem>> -> memref<128xi32, #tpu.memory_space<vmem>>
    %dma_wait3A_74 = arith.constant 0 : i32
    %dma_wait3A_75 = tpu.memref_slice %arg3[%arg1, %dma_wait3A, %dma_wait3A_74] : memref<16x160x128xi32, #tpu.memory_space<hbm>> -> memref<1x1x128xi32, #tpu.memory_space<hbm>>
    %dma_wait3A_76 = tpu.memref_squeeze %dma_wait3A_75 : memref<1x1x128xi32, #tpu.memory_space<hbm>> -> memref<128xi32, #tpu.memory_space<hbm>>
    %dma_wait3A_77 = arith.constant 0 : i32
    %dma_wait3A_78 = tpu.memref_slice %arg9[%dma_wait3A_70, %dma_wait3A_77] : memref<5x128xi32, #tpu.memory_space<vmem>> -> memref<1x128xi32, #tpu.memory_space<vmem>>
    %dma_wait3A_79 = tpu.memref_squeeze %dma_wait3A_78 : memref<1x128xi32, #tpu.memory_space<vmem>> -> memref<128xi32, #tpu.memory_space<vmem>>
    %dma_wait3A_80 = arith.constant 0 : i32
    %dma_wait3A_81 = tpu.memref_slice %arg3[%arg1, %dma_wait3A, %dma_wait3A_80] : memref<16x160x128xi32, #tpu.memory_space<hbm>> -> memref<1x1x128xi32, #tpu.memory_space<hbm>>
    %dma_wait3A_82 = tpu.memref_squeeze %dma_wait3A_81 : memref<1x1x128xi32, #tpu.memory_space<hbm>> -> memref<128xi32, #tpu.memory_space<hbm>>
    tpu.wait_dma2 semaphore(%arg17 : memref<!tpu.dma_semaphore, #tpu.memory_space<semaphore_mem>>) src(%dma_wait3A_82 : memref<128xi32, #tpu.memory_space<hbm>>) dst(%dma_wait3A_79 : memref<128xi32, #tpu.memory_space<vmem>>)
    %dma_start3A_83 = arith.constant 0 : i32
    %dma_start3A_84 = arith.constant 0 : i32
    %dma_start3A_85 = tpu.memref_slice %arg9[%dma_start3A_83, %dma_start3A_84] : memref<5x128xi32, #tpu.memory_space<vmem>> -> memref<1x128xi32, #tpu.memory_space<vmem>>
    %dma_start3A_86 = tpu.memref_squeeze %dma_start3A_85 : memref<1x128xi32, #tpu.memory_space<vmem>> -> memref<128xi32, #tpu.memory_space<vmem>>
    %dma_start3A_87 = arith.constant 0 : i32
    %dma_start3A_88 = arith.constant 0 : i32
    %dma_start3A_89 = tpu.memref_slice %arg2[%arg0, %dma_start3A_87, %dma_start3A_88] : memref<2x10000x64xf32, #tpu.memory_space<hbm>> -> memref<1x10000x64xf32, #tpu.memory_space<hbm>>
    %dma_start3A_90 = tpu.memref_squeeze %dma_start3A_89 : memref<1x10000x64xf32, #tpu.memory_space<hbm>> -> memref<10000x64xf32, #tpu.memory_space<hbm>>
    %dma_start3A_91 = arith.constant 0 : i32
    %dma_start3A_92 = arith.constant 0 : i32
    %dma_start3A_93 = tpu.memref_slice %dma_start3A_90[%dma_start3A_91, %dma_start3A_92] : memref<10000x64xf32, #tpu.memory_space<hbm>> -> memref<10000x64xf32, #tpu.memory_space<hbm>>
    tpu.enqueue_indirect_dma source(%dma_start3A_93 : memref<10000x64xf32, #tpu.memory_space<hbm>>) target(%arg11 : memref<128x64xf32, #tpu.memory_space<vmem>>) offsets(%dma_start3A_86 : memref<128xi32, #tpu.memory_space<vmem>>) semaphore(%arg22 : memref<!tpu.dma_semaphore, #tpu.memory_space<semaphore_mem>>)
    %dma_wait3A_94 = arith.constant 0 : i32
    %dma_wait3A_95 = arith.constant 1 : i32
    %dma_wait3A_96 = arith.constant 0 : i32
    %dma_wait3A_97 = tpu.memref_slice %arg9[%dma_wait3A_95, %dma_wait3A_96] : memref<5x128xi32, #tpu.memory_space<vmem>> -> memref<1x128xi32, #tpu.memory_space<vmem>>
    %dma_wait3A_98 = tpu.memref_squeeze %dma_wait3A_97 : memref<1x128xi32, #tpu.memory_space<vmem>> -> memref<128xi32, #tpu.memory_space<vmem>>
    %dma_wait3A_99 = arith.constant 0 : i32
    %dma_wait3A_100 = tpu.memref_slice %arg3[%arg1, %dma_wait3A_94, %dma_wait3A_99] : memref<16x160x128xi32, #tpu.memory_space<hbm>> -> memref<1x1x128xi32, #tpu.memory_space<hbm>>
    %dma_wait3A_101 = tpu.memref_squeeze %dma_wait3A_100 : memref<1x1x128xi32, #tpu.memory_space<hbm>> -> memref<128xi32, #tpu.memory_space<hbm>>
    %dma_wait3A_102 = arith.constant 0 : i32
    %dma_wait3A_103 = tpu.memref_slice %arg9[%dma_wait3A_95, %dma_wait3A_102] : memref<5x128xi32, #tpu.memory_space<vmem>> -> memref<1x128xi32, #tpu.memory_space<vmem>>
    %dma_wait3A_104 = tpu.memref_squeeze %dma_wait3A_103 : memref<1x128xi32, #tpu.memory_space<vmem>> -> memref<128xi32, #tpu.memory_space<vmem>>
    %dma_wait3A_105 = arith.constant 0 : i32
    %dma_wait3A_106 = tpu.memref_slice %arg3[%arg1, %dma_wait3A_94, %dma_wait3A_105] : memref<16x160x128xi32, #tpu.memory_space<hbm>> -> memref<1x1x128xi32, #tpu.memory_space<hbm>>
    %dma_wait3A_107 = tpu.memref_squeeze %dma_wait3A_106 : memref<1x1x128xi32, #tpu.memory_space<hbm>> -> memref<128xi32, #tpu.memory_space<hbm>>
    tpu.wait_dma2 semaphore(%arg18 : memref<!tpu.dma_semaphore, #tpu.memory_space<semaphore_mem>>) src(%dma_wait3A_107 : memref<128xi32, #tpu.memory_space<hbm>>) dst(%dma_wait3A_104 : memref<128xi32, #tpu.memory_space<vmem>>)
    %dma_start3A_108 = arith.constant 1 : i32
    %dma_start3A_109 = arith.constant 0 : i32
    %dma_start3A_110 = tpu.memref_slice %arg9[%dma_start3A_108, %dma_start3A_109] : memref<5x128xi32, #tpu.memory_space<vmem>> -> memref<1x128xi32, #tpu.memory_space<vmem>>
    %dma_start3A_111 = tpu.memref_squeeze %dma_start3A_110 : memref<1x128xi32, #tpu.memory_space<vmem>> -> memref<128xi32, #tpu.memory_space<vmem>>
    %dma_start3A_112 = arith.constant 0 : i32
    %dma_start3A_113 = arith.constant 0 : i32
    %dma_start3A_114 = tpu.memref_slice %arg2[%arg0, %dma_start3A_112, %dma_start3A_113] : memref<2x10000x64xf32, #tpu.memory_space<hbm>> -> memref<1x10000x64xf32, #tpu.memory_space<hbm>>
    %dma_start3A_115 = tpu.memref_squeeze %dma_start3A_114 : memref<1x10000x64xf32, #tpu.memory_space<hbm>> -> memref<10000x64xf32, #tpu.memory_space<hbm>>
    %dma_start3A_116 = arith.constant 0 : i32
    %dma_start3A_117 = arith.constant 0 : i32
    %dma_start3A_118 = tpu.memref_slice %dma_start3A_115[%dma_start3A_116, %dma_start3A_117] : memref<10000x64xf32, #tpu.memory_space<hbm>> -> memref<10000x64xf32, #tpu.memory_space<hbm>>
    tpu.enqueue_indirect_dma source(%dma_start3A_118 : memref<10000x64xf32, #tpu.memory_space<hbm>>) target(%arg12 : memref<128x64xf32, #tpu.memory_space<vmem>>) offsets(%dma_start3A_111 : memref<128xi32, #tpu.memory_space<vmem>>) semaphore(%arg23 : memref<!tpu.dma_semaphore, #tpu.memory_space<semaphore_mem>>)
    %scan3A = arith.constant 0 : i32
    %scan3A_119 = arith.constant 0 : i32
    %scan3A_120 = arith.constant 0 : i32
    %scan3A_121 = arith.constant 32 : i32
    %scan3A_122 = arith.addi %scan3A_120, %scan3A_121 : i32
    %scan3A_123 = arith.constant 1 : i32
    scf.for %scan3A_158 = %scan3A_120 to %scan3A_122 step %scan3A_123  : i32 {
      %mul3A_159 = arith.constant 5 : i32
      %mul3A_160 = arith.muli %scan3A_158, %mul3A_159 : i32
      %add3A = arith.constant 0 : i32
      %add3A_161 = arith.addi %mul3A_160, %add3A : i32
      %dma_wait3A_162 = arith.constant 0 : i32
      %dma_wait3A_163 = arith.constant 0 : i32
      %dma_wait3A_164 = tpu.memref_slice %arg2[%arg0, %dma_wait3A_162, %dma_wait3A_163] : memref<2x10000x64xf32, #tpu.memory_space<hbm>> -> memref<1x10000x64xf32, #tpu.memory_space<hbm>>
      %dma_wait3A_165 = tpu.memref_squeeze %dma_wait3A_164 : memref<1x10000x64xf32, #tpu.memory_space<hbm>> -> memref<10000x64xf32, #tpu.memory_space<hbm>>
      %dma_wait3A_166 = arith.constant 0 : i32
      %dma_wait3A_167 = arith.constant 0 : i32
      %dma_wait3A_168 = tpu.memref_slice %dma_wait3A_165[%dma_wait3A_166, %dma_wait3A_167] : memref<10000x64xf32, #tpu.memory_space<hbm>> -> memref<128x64xf32, #tpu.memory_space<hbm>>
      %dma_wait3A_169 = arith.constant 0 : i32
      %dma_wait3A_170 = arith.constant 0 : i32
      %dma_wait3A_171 = tpu.memref_slice %arg2[%arg0, %dma_wait3A_169, %dma_wait3A_170] : memref<2x10000x64xf32, #tpu.memory_space<hbm>> -> memref<1x10000x64xf32, #tpu.memory_space<hbm>>
      %dma_wait3A_172 = tpu.memref_squeeze %dma_wait3A_171 : memref<1x10000x64xf32, #tpu.memory_space<hbm>> -> memref<10000x64xf32, #tpu.memory_space<hbm>>
      %dma_wait3A_173 = arith.constant 0 : i32
      %dma_wait3A_174 = arith.constant 0 : i32
      %dma_wait3A_175 = tpu.memref_slice %dma_wait3A_172[%dma_wait3A_173, %dma_wait3A_174] : memref<10000x64xf32, #tpu.memory_space<hbm>> -> memref<128x64xf32, #tpu.memory_space<hbm>>
      tpu.wait_dma2 semaphore(%arg22 : memref<!tpu.dma_semaphore, #tpu.memory_space<semaphore_mem>>) src(%dma_wait3A_175 : memref<128x64xf32, #tpu.memory_space<hbm>>) dst(%arg11 : memref<128x64xf32, #tpu.memory_space<vmem>>)
      %add3A_176 = arith.constant 5 : i32
      %add3A_177 = arith.addi %add3A_161, %add3A_176 : i32
      %lt3A = arith.constant 160 : i32
      %lt3A_178 = arith.cmpi slt, %add3A_177, %lt3A : i32
      %convert_element_type3A = arith.extui %lt3A_178 : i1 to i32
      %cond3A = arith.constant 0 : i32
      %cond3A_179 = arith.cmpi ne, %convert_element_type3A, %cond3A : i32
      scf.if %cond3A_179 {
        %add3A_345 = arith.constant 5 : i32
        %add3A_346 = arith.addi %add3A_161, %add3A_345 : i32
        %dma_start3A_347 = arith.constant 0 : i32
        %dma_start3A_348 = arith.constant 0 : i32
        %dma_start3A_349 = tpu.memref_slice %arg9[%dma_start3A_347, %dma_start3A_348] : memref<5x128xi32, #tpu.memory_space<vmem>> -> memref<1x128xi32, #tpu.memory_space<vmem>>
        %dma_start3A_350 = tpu.memref_squeeze %dma_start3A_349 : memref<1x128xi32, #tpu.memory_space<vmem>> -> memref<128xi32, #tpu.memory_space<vmem>>
        %dma_start3A_351 = arith.constant 0 : i32
        %dma_start3A_352 = tpu.memref_slice %arg3[%arg1, %add3A_346, %dma_start3A_351] : memref<16x160x128xi32, #tpu.memory_space<hbm>> -> memref<1x1x128xi32, #tpu.memory_space<hbm>>
        %dma_start3A_353 = tpu.memref_squeeze %dma_start3A_352 : memref<1x1x128xi32, #tpu.memory_space<hbm>> -> memref<128xi32, #tpu.memory_space<hbm>>
        %dma_start3A_354 = arith.constant 0 : i32
        %dma_start3A_355 = tpu.memref_slice %arg9[%dma_start3A_347, %dma_start3A_354] : memref<5x128xi32, #tpu.memory_space<vmem>> -> memref<1x128xi32, #tpu.memory_space<vmem>>
        %dma_start3A_356 = tpu.memref_squeeze %dma_start3A_355 : memref<1x128xi32, #tpu.memory_space<vmem>> -> memref<128xi32, #tpu.memory_space<vmem>>
        %dma_start3A_357 = arith.constant 0 : i32
        %dma_start3A_358 = tpu.memref_slice %arg3[%arg1, %add3A_346, %dma_start3A_357] : memref<16x160x128xi32, #tpu.memory_space<hbm>> -> memref<1x1x128xi32, #tpu.memory_space<hbm>>
        %dma_start3A_359 = tpu.memref_squeeze %dma_start3A_358 : memref<1x1x128xi32, #tpu.memory_space<hbm>> -> memref<128xi32, #tpu.memory_space<hbm>>
        tpu.enqueue_dma source(%dma_start3A_359 : memref<128xi32, #tpu.memory_space<hbm>>) target(%dma_start3A_356 : memref<128xi32, #tpu.memory_space<vmem>>) target_semaphore(%arg17 : memref<!tpu.dma_semaphore, #tpu.memory_space<semaphore_mem>>)
      } else {
      }
      %dma_start3A_180 = arith.constant 0 : i32
      %dma_start3A_181 = tpu.memref_slice %arg10[%add3A_161, %dma_start3A_180] : memref<160x128xi32, #tpu.memory_space<vmem>> -> memref<1x128xi32, #tpu.memory_space<vmem>>
      %dma_start3A_182 = tpu.memref_squeeze %dma_start3A_181 : memref<1x128xi32, #tpu.memory_space<vmem>> -> memref<128xi32, #tpu.memory_space<vmem>>
      %dma_start3A_183 = arith.constant 0 : i32
      %dma_start3A_184 = arith.constant 0 : i32
      %dma_start3A_185 = tpu.memref_slice %arg16[%dma_start3A_183, %dma_start3A_184] : memref<10112x64xf32, #tpu.memory_space<vmem_shared>> -> memref<10112x64xf32, #tpu.memory_space<vmem_shared>>
      tpu.enqueue_indirect_dma source(%arg11 : memref<128x64xf32, #tpu.memory_space<vmem>>) target(%dma_start3A_185 : memref<10112x64xf32, #tpu.memory_space<vmem_shared>>) offsets(%dma_start3A_182 : memref<128xi32, #tpu.memory_space<vmem>>) semaphore(%arg27 : memref<!tpu.dma_semaphore, #tpu.memory_space<semaphore_mem>>) {add = true}
      %add3A_186 = arith.constant 2 : i32
      %add3A_187 = arith.addi %add3A_161, %add3A_186 : i32
      %lt3A_188 = arith.constant 160 : i32
      %lt3A_189 = arith.cmpi slt, %add3A_187, %lt3A_188 : i32
      %convert_element_type3A_190 = arith.extui %lt3A_189 : i1 to i32
      %cond3A_191 = arith.constant 0 : i32
      %cond3A_192 = arith.cmpi ne, %convert_element_type3A_190, %cond3A_191 : i32
      scf.if %cond3A_192 {
        %ge3A = arith.constant 2 : i32
        %ge3A_345 = arith.cmpi sge, %add3A_161, %ge3A : i32
        %convert_element_type3A_346 = arith.extui %ge3A_345 : i1 to i32
        %cond3A_347 = arith.constant 0 : i32
        %cond3A_348 = arith.cmpi ne, %convert_element_type3A_346, %cond3A_347 : i32
        scf.if %cond3A_348 {
          %dma_wait3A_373 = arith.constant 0 : i32
          %dma_wait3A_374 = arith.constant 0 : i32
          %dma_wait3A_375 = tpu.memref_slice %arg10[%dma_wait3A_373, %dma_wait3A_374] : memref<160x128xi32, #tpu.memory_space<vmem>> -> memref<1x128xi32, #tpu.memory_space<vmem>>
          %dma_wait3A_376 = tpu.memref_squeeze %dma_wait3A_375 : memref<1x128xi32, #tpu.memory_space<vmem>> -> memref<128xi32, #tpu.memory_space<vmem>>
          %dma_wait3A_377 = arith.constant 0 : i32
          %dma_wait3A_378 = arith.constant 0 : i32
          %dma_wait3A_379 = tpu.memref_slice %arg16[%dma_wait3A_377, %dma_wait3A_378] : memref<10112x64xf32, #tpu.memory_space<vmem_shared>> -> memref<10112x64xf32, #tpu.memory_space<vmem_shared>>
          tpu.wait_indirect_dma semaphore(%arg30 : memref<!tpu.dma_semaphore, #tpu.memory_space<semaphore_mem>>) src(%arg14 : memref<128x64xf32, #tpu.memory_space<vmem>>) dst(%dma_wait3A_379 : memref<10112x64xf32, #tpu.memory_space<vmem_shared>>)
        } else {
        }
        %dma_wait3A_349 = arith.constant 2 : i32
        %dma_wait3A_350 = arith.constant 0 : i32
        %dma_wait3A_351 = tpu.memref_slice %arg9[%dma_wait3A_349, %dma_wait3A_350] : memref<5x128xi32, #tpu.memory_space<vmem>> -> memref<1x128xi32, #tpu.memory_space<vmem>>
        %dma_wait3A_352 = tpu.memref_squeeze %dma_wait3A_351 : memref<1x128xi32, #tpu.memory_space<vmem>> -> memref<128xi32, #tpu.memory_space<vmem>>
        %dma_wait3A_353 = arith.constant 0 : i32
        %dma_wait3A_354 = tpu.memref_slice %arg3[%arg1, %scan3A_119, %dma_wait3A_353] : memref<16x160x128xi32, #tpu.memory_space<hbm>> -> memref<1x1x128xi32, #tpu.memory_space<hbm>>
        %dma_wait3A_355 = tpu.memref_squeeze %dma_wait3A_354 : memref<1x1x128xi32, #tpu.memory_space<hbm>> -> memref<128xi32, #tpu.memory_space<hbm>>
        %dma_wait3A_356 = arith.constant 0 : i32
        %dma_wait3A_357 = tpu.memref_slice %arg9[%dma_wait3A_349, %dma_wait3A_356] : memref<5x128xi32, #tpu.memory_space<vmem>> -> memref<1x128xi32, #tpu.memory_space<vmem>>
        %dma_wait3A_358 = tpu.memref_squeeze %dma_wait3A_357 : memref<1x128xi32, #tpu.memory_space<vmem>> -> memref<128xi32, #tpu.memory_space<vmem>>
        %dma_wait3A_359 = arith.constant 0 : i32
        %dma_wait3A_360 = tpu.memref_slice %arg3[%arg1, %scan3A_119, %dma_wait3A_359] : memref<16x160x128xi32, #tpu.memory_space<hbm>> -> memref<1x1x128xi32, #tpu.memory_space<hbm>>
        %dma_wait3A_361 = tpu.memref_squeeze %dma_wait3A_360 : memref<1x1x128xi32, #tpu.memory_space<hbm>> -> memref<128xi32, #tpu.memory_space<hbm>>
        tpu.wait_dma2 semaphore(%arg19 : memref<!tpu.dma_semaphore, #tpu.memory_space<semaphore_mem>>) src(%dma_wait3A_361 : memref<128xi32, #tpu.memory_space<hbm>>) dst(%dma_wait3A_358 : memref<128xi32, #tpu.memory_space<vmem>>)
        %dma_start3A_362 = arith.constant 2 : i32
        %dma_start3A_363 = arith.constant 0 : i32
        %dma_start3A_364 = tpu.memref_slice %arg9[%dma_start3A_362, %dma_start3A_363] : memref<5x128xi32, #tpu.memory_space<vmem>> -> memref<1x128xi32, #tpu.memory_space<vmem>>
        %dma_start3A_365 = tpu.memref_squeeze %dma_start3A_364 : memref<1x128xi32, #tpu.memory_space<vmem>> -> memref<128xi32, #tpu.memory_space<vmem>>
        %dma_start3A_366 = arith.constant 0 : i32
        %dma_start3A_367 = arith.constant 0 : i32
        %dma_start3A_368 = tpu.memref_slice %arg2[%arg0, %dma_start3A_366, %dma_start3A_367] : memref<2x10000x64xf32, #tpu.memory_space<hbm>> -> memref<1x10000x64xf32, #tpu.memory_space<hbm>>
        %dma_start3A_369 = tpu.memref_squeeze %dma_start3A_368 : memref<1x10000x64xf32, #tpu.memory_space<hbm>> -> memref<10000x64xf32, #tpu.memory_space<hbm>>
        %dma_start3A_370 = arith.constant 0 : i32
        %dma_start3A_371 = arith.constant 0 : i32
        %dma_start3A_372 = tpu.memref_slice %dma_start3A_369[%dma_start3A_370, %dma_start3A_371] : memref<10000x64xf32, #tpu.memory_space<hbm>> -> memref<10000x64xf32, #tpu.memory_space<hbm>>
        tpu.enqueue_indirect_dma source(%dma_start3A_372 : memref<10000x64xf32, #tpu.memory_space<hbm>>) target(%arg13 : memref<128x64xf32, #tpu.memory_space<vmem>>) offsets(%dma_start3A_365 : memref<128xi32, #tpu.memory_space<vmem>>) semaphore(%arg24 : memref<!tpu.dma_semaphore, #tpu.memory_space<semaphore_mem>>)
      } else {
      }
      %mul3A_193 = arith.constant 5 : i32
      %mul3A_194 = arith.muli %scan3A_158, %mul3A_193 : i32
      %add3A_195 = arith.constant 1 : i32
      %add3A_196 = arith.addi %mul3A_194, %add3A_195 : i32
      %dma_wait3A_197 = arith.constant 0 : i32
      %dma_wait3A_198 = arith.constant 0 : i32
      %dma_wait3A_199 = tpu.memref_slice %arg2[%arg0, %dma_wait3A_197, %dma_wait3A_198] : memref<2x10000x64xf32, #tpu.memory_space<hbm>> -> memref<1x10000x64xf32, #tpu.memory_space<hbm>>
      %dma_wait3A_200 = tpu.memref_squeeze %dma_wait3A_199 : memref<1x10000x64xf32, #tpu.memory_space<hbm>> -> memref<10000x64xf32, #tpu.memory_space<hbm>>
      %dma_wait3A_201 = arith.constant 0 : i32
      %dma_wait3A_202 = arith.constant 0 : i32
      %dma_wait3A_203 = tpu.memref_slice %dma_wait3A_200[%dma_wait3A_201, %dma_wait3A_202] : memref<10000x64xf32, #tpu.memory_space<hbm>> -> memref<128x64xf32, #tpu.memory_space<hbm>>
      %dma_wait3A_204 = arith.constant 0 : i32
      %dma_wait3A_205 = arith.constant 0 : i32
      %dma_wait3A_206 = tpu.memref_slice %arg2[%arg0, %dma_wait3A_204, %dma_wait3A_205] : memref<2x10000x64xf32, #tpu.memory_space<hbm>> -> memref<1x10000x64xf32, #tpu.memory_space<hbm>>
      %dma_wait3A_207 = tpu.memref_squeeze %dma_wait3A_206 : memref<1x10000x64xf32, #tpu.memory_space<hbm>> -> memref<10000x64xf32, #tpu.memory_space<hbm>>
      %dma_wait3A_208 = arith.constant 0 : i32
      %dma_wait3A_209 = arith.constant 0 : i32
      %dma_wait3A_210 = tpu.memref_slice %dma_wait3A_207[%dma_wait3A_208, %dma_wait3A_209] : memref<10000x64xf32, #tpu.memory_space<hbm>> -> memref<128x64xf32, #tpu.memory_space<hbm>>
      tpu.wait_dma2 semaphore(%arg23 : memref<!tpu.dma_semaphore, #tpu.memory_space<semaphore_mem>>) src(%dma_wait3A_210 : memref<128x64xf32, #tpu.memory_space<hbm>>) dst(%arg12 : memref<128x64xf32, #tpu.memory_space<vmem>>)
      %add3A_211 = arith.constant 5 : i32
      %add3A_212 = arith.addi %add3A_196, %add3A_211 : i32
      %lt3A_213 = arith.constant 160 : i32
      %lt3A_214 = arith.cmpi slt, %add3A_212, %lt3A_213 : i32
      %convert_element_type3A_215 = arith.extui %lt3A_214 : i1 to i32
      %cond3A_216 = arith.constant 0 : i32
      %cond3A_217 = arith.cmpi ne, %convert_element_type3A_215, %cond3A_216 : i32
      scf.if %cond3A_217 {
        %add3A_345 = arith.constant 5 : i32
        %add3A_346 = arith.addi %add3A_196, %add3A_345 : i32
        %dma_start3A_347 = arith.constant 1 : i32
        %dma_start3A_348 = arith.constant 0 : i32
        %dma_start3A_349 = tpu.memref_slice %arg9[%dma_start3A_347, %dma_start3A_348] : memref<5x128xi32, #tpu.memory_space<vmem>> -> memref<1x128xi32, #tpu.memory_space<vmem>>
        %dma_start3A_350 = tpu.memref_squeeze %dma_start3A_349 : memref<1x128xi32, #tpu.memory_space<vmem>> -> memref<128xi32, #tpu.memory_space<vmem>>
        %dma_start3A_351 = arith.constant 0 : i32
        %dma_start3A_352 = tpu.memref_slice %arg3[%arg1, %add3A_346, %dma_start3A_351] : memref<16x160x128xi32, #tpu.memory_space<hbm>> -> memref<1x1x128xi32, #tpu.memory_space<hbm>>
        %dma_start3A_353 = tpu.memref_squeeze %dma_start3A_352 : memref<1x1x128xi32, #tpu.memory_space<hbm>> -> memref<128xi32, #tpu.memory_space<hbm>>
        %dma_start3A_354 = arith.constant 0 : i32
        %dma_start3A_355 = tpu.memref_slice %arg9[%dma_start3A_347, %dma_start3A_354] : memref<5x128xi32, #tpu.memory_space<vmem>> -> memref<1x128xi32, #tpu.memory_space<vmem>>
        %dma_start3A_356 = tpu.memref_squeeze %dma_start3A_355 : memref<1x128xi32, #tpu.memory_space<vmem>> -> memref<128xi32, #tpu.memory_space<vmem>>
        %dma_start3A_357 = arith.constant 0 : i32
        %dma_start3A_358 = tpu.memref_slice %arg3[%arg1, %add3A_346, %dma_start3A_357] : memref<16x160x128xi32, #tpu.memory_space<hbm>> -> memref<1x1x128xi32, #tpu.memory_space<hbm>>
        %dma_start3A_359 = tpu.memref_squeeze %dma_start3A_358 : memref<1x1x128xi32, #tpu.memory_space<hbm>> -> memref<128xi32, #tpu.memory_space<hbm>>
        tpu.enqueue_dma source(%dma_start3A_359 : memref<128xi32, #tpu.memory_space<hbm>>) target(%dma_start3A_356 : memref<128xi32, #tpu.memory_space<vmem>>) target_semaphore(%arg18 : memref<!tpu.dma_semaphore, #tpu.memory_space<semaphore_mem>>)
      } else {
      }
      %dma_start3A_218 = arith.constant 0 : i32
      %dma_start3A_219 = tpu.memref_slice %arg10[%add3A_196, %dma_start3A_218] : memref<160x128xi32, #tpu.memory_space<vmem>> -> memref<1x128xi32, #tpu.memory_space<vmem>>
      %dma_start3A_220 = tpu.memref_squeeze %dma_start3A_219 : memref<1x128xi32, #tpu.memory_space<vmem>> -> memref<128xi32, #tpu.memory_space<vmem>>
      %dma_start3A_221 = arith.constant 0 : i32
      %dma_start3A_222 = arith.constant 0 : i32
      %dma_start3A_223 = tpu.memref_slice %arg16[%dma_start3A_221, %dma_start3A_222] : memref<10112x64xf32, #tpu.memory_space<vmem_shared>> -> memref<10112x64xf32, #tpu.memory_space<vmem_shared>>
      tpu.enqueue_indirect_dma source(%arg12 : memref<128x64xf32, #tpu.memory_space<vmem>>) target(%dma_start3A_223 : memref<10112x64xf32, #tpu.memory_space<vmem_shared>>) offsets(%dma_start3A_220 : memref<128xi32, #tpu.memory_space<vmem>>) semaphore(%arg28 : memref<!tpu.dma_semaphore, #tpu.memory_space<semaphore_mem>>) {add = true}
      %add3A_224 = arith.constant 2 : i32
      %add3A_225 = arith.addi %add3A_196, %add3A_224 : i32
      %lt3A_226 = arith.constant 160 : i32
      %lt3A_227 = arith.cmpi slt, %add3A_225, %lt3A_226 : i32
      %convert_element_type3A_228 = arith.extui %lt3A_227 : i1 to i32
      %cond3A_229 = arith.constant 0 : i32
      %cond3A_230 = arith.cmpi ne, %convert_element_type3A_228, %cond3A_229 : i32
      scf.if %cond3A_230 {
        %ge3A = arith.constant 2 : i32
        %ge3A_345 = arith.cmpi sge, %add3A_196, %ge3A : i32
        %convert_element_type3A_346 = arith.extui %ge3A_345 : i1 to i32
        %cond3A_347 = arith.constant 0 : i32
        %cond3A_348 = arith.cmpi ne, %convert_element_type3A_346, %cond3A_347 : i32
        scf.if %cond3A_348 {
          %dma_wait3A_373 = arith.constant 0 : i32
          %dma_wait3A_374 = arith.constant 0 : i32
          %dma_wait3A_375 = tpu.memref_slice %arg10[%dma_wait3A_373, %dma_wait3A_374] : memref<160x128xi32, #tpu.memory_space<vmem>> -> memref<1x128xi32, #tpu.memory_space<vmem>>
          %dma_wait3A_376 = tpu.memref_squeeze %dma_wait3A_375 : memref<1x128xi32, #tpu.memory_space<vmem>> -> memref<128xi32, #tpu.memory_space<vmem>>
          %dma_wait3A_377 = arith.constant 0 : i32
          %dma_wait3A_378 = arith.constant 0 : i32
          %dma_wait3A_379 = tpu.memref_slice %arg16[%dma_wait3A_377, %dma_wait3A_378] : memref<10112x64xf32, #tpu.memory_space<vmem_shared>> -> memref<10112x64xf32, #tpu.memory_space<vmem_shared>>
          tpu.wait_indirect_dma semaphore(%arg31 : memref<!tpu.dma_semaphore, #tpu.memory_space<semaphore_mem>>) src(%arg15 : memref<128x64xf32, #tpu.memory_space<vmem>>) dst(%dma_wait3A_379 : memref<10112x64xf32, #tpu.memory_space<vmem_shared>>)
        } else {
        }
        %dma_wait3A_349 = arith.constant 3 : i32
        %dma_wait3A_350 = arith.constant 0 : i32
        %dma_wait3A_351 = tpu.memref_slice %arg9[%dma_wait3A_349, %dma_wait3A_350] : memref<5x128xi32, #tpu.memory_space<vmem>> -> memref<1x128xi32, #tpu.memory_space<vmem>>
        %dma_wait3A_352 = tpu.memref_squeeze %dma_wait3A_351 : memref<1x128xi32, #tpu.memory_space<vmem>> -> memref<128xi32, #tpu.memory_space<vmem>>
        %dma_wait3A_353 = arith.constant 0 : i32
        %dma_wait3A_354 = tpu.memref_slice %arg3[%arg1, %scan3A_119, %dma_wait3A_353] : memref<16x160x128xi32, #tpu.memory_space<hbm>> -> memref<1x1x128xi32, #tpu.memory_space<hbm>>
        %dma_wait3A_355 = tpu.memref_squeeze %dma_wait3A_354 : memref<1x1x128xi32, #tpu.memory_space<hbm>> -> memref<128xi32, #tpu.memory_space<hbm>>
        %dma_wait3A_356 = arith.constant 0 : i32
        %dma_wait3A_357 = tpu.memref_slice %arg9[%dma_wait3A_349, %dma_wait3A_356] : memref<5x128xi32, #tpu.memory_space<vmem>> -> memref<1x128xi32, #tpu.memory_space<vmem>>
        %dma_wait3A_358 = tpu.memref_squeeze %dma_wait3A_357 : memref<1x128xi32, #tpu.memory_space<vmem>> -> memref<128xi32, #tpu.memory_space<vmem>>
        %dma_wait3A_359 = arith.constant 0 : i32
        %dma_wait3A_360 = tpu.memref_slice %arg3[%arg1, %scan3A_119, %dma_wait3A_359] : memref<16x160x128xi32, #tpu.memory_space<hbm>> -> memref<1x1x128xi32, #tpu.memory_space<hbm>>
        %dma_wait3A_361 = tpu.memref_squeeze %dma_wait3A_360 : memref<1x1x128xi32, #tpu.memory_space<hbm>> -> memref<128xi32, #tpu.memory_space<hbm>>
        tpu.wait_dma2 semaphore(%arg20 : memref<!tpu.dma_semaphore, #tpu.memory_space<semaphore_mem>>) src(%dma_wait3A_361 : memref<128xi32, #tpu.memory_space<hbm>>) dst(%dma_wait3A_358 : memref<128xi32, #tpu.memory_space<vmem>>)
        %dma_start3A_362 = arith.constant 3 : i32
        %dma_start3A_363 = arith.constant 0 : i32
        %dma_start3A_364 = tpu.memref_slice %arg9[%dma_start3A_362, %dma_start3A_363] : memref<5x128xi32, #tpu.memory_space<vmem>> -> memref<1x128xi32, #tpu.memory_space<vmem>>
        %dma_start3A_365 = tpu.memref_squeeze %dma_start3A_364 : memref<1x128xi32, #tpu.memory_space<vmem>> -> memref<128xi32, #tpu.memory_space<vmem>>
        %dma_start3A_366 = arith.constant 0 : i32
        %dma_start3A_367 = arith.constant 0 : i32
        %dma_start3A_368 = tpu.memref_slice %arg2[%arg0, %dma_start3A_366, %dma_start3A_367] : memref<2x10000x64xf32, #tpu.memory_space<hbm>> -> memref<1x10000x64xf32, #tpu.memory_space<hbm>>
        %dma_start3A_369 = tpu.memref_squeeze %dma_start3A_368 : memref<1x10000x64xf32, #tpu.memory_space<hbm>> -> memref<10000x64xf32, #tpu.memory_space<hbm>>
        %dma_start3A_370 = arith.constant 0 : i32
        %dma_start3A_371 = arith.constant 0 : i32
        %dma_start3A_372 = tpu.memref_slice %dma_start3A_369[%dma_start3A_370, %dma_start3A_371] : memref<10000x64xf32, #tpu.memory_space<hbm>> -> memref<10000x64xf32, #tpu.memory_space<hbm>>
        tpu.enqueue_indirect_dma source(%dma_start3A_372 : memref<10000x64xf32, #tpu.memory_space<hbm>>) target(%arg14 : memref<128x64xf32, #tpu.memory_space<vmem>>) offsets(%dma_start3A_365 : memref<128xi32, #tpu.memory_space<vmem>>) semaphore(%arg25 : memref<!tpu.dma_semaphore, #tpu.memory_space<semaphore_mem>>)
      } else {
      }
      %mul3A_231 = arith.constant 5 : i32
      %mul3A_232 = arith.muli %scan3A_158, %mul3A_231 : i32
      %add3A_233 = arith.constant 2 : i32
      %add3A_234 = arith.addi %mul3A_232, %add3A_233 : i32
      %dma_wait3A_235 = arith.constant 0 : i32
      %dma_wait3A_236 = arith.constant 0 : i32
      %dma_wait3A_237 = tpu.memref_slice %arg2[%arg0, %dma_wait3A_235, %dma_wait3A_236] : memref<2x10000x64xf32, #tpu.memory_space<hbm>> -> memref<1x10000x64xf32, #tpu.memory_space<hbm>>
      %dma_wait3A_238 = tpu.memref_squeeze %dma_wait3A_237 : memref<1x10000x64xf32, #tpu.memory_space<hbm>> -> memref<10000x64xf32, #tpu.memory_space<hbm>>
      %dma_wait3A_239 = arith.constant 0 : i32
      %dma_wait3A_240 = arith.constant 0 : i32
      %dma_wait3A_241 = tpu.memref_slice %dma_wait3A_238[%dma_wait3A_239, %dma_wait3A_240] : memref<10000x64xf32, #tpu.memory_space<hbm>> -> memref<128x64xf32, #tpu.memory_space<hbm>>
      %dma_wait3A_242 = arith.constant 0 : i32
      %dma_wait3A_243 = arith.constant 0 : i32
      %dma_wait3A_244 = tpu.memref_slice %arg2[%arg0, %dma_wait3A_242, %dma_wait3A_243] : memref<2x10000x64xf32, #tpu.memory_space<hbm>> -> memref<1x10000x64xf32, #tpu.memory_space<hbm>>
      %dma_wait3A_245 = tpu.memref_squeeze %dma_wait3A_244 : memref<1x10000x64xf32, #tpu.memory_space<hbm>> -> memref<10000x64xf32, #tpu.memory_space<hbm>>
      %dma_wait3A_246 = arith.constant 0 : i32
      %dma_wait3A_247 = arith.constant 0 : i32
      %dma_wait3A_248 = tpu.memref_slice %dma_wait3A_245[%dma_wait3A_246, %dma_wait3A_247] : memref<10000x64xf32, #tpu.memory_space<hbm>> -> memref<128x64xf32, #tpu.memory_space<hbm>>
      tpu.wait_dma2 semaphore(%arg24 : memref<!tpu.dma_semaphore, #tpu.memory_space<semaphore_mem>>) src(%dma_wait3A_248 : memref<128x64xf32, #tpu.memory_space<hbm>>) dst(%arg13 : memref<128x64xf32, #tpu.memory_space<vmem>>)
      %add3A_249 = arith.constant 5 : i32
      %add3A_250 = arith.addi %add3A_234, %add3A_249 : i32
      %lt3A_251 = arith.constant 160 : i32
      %lt3A_252 = arith.cmpi slt, %add3A_250, %lt3A_251 : i32
      %convert_element_type3A_253 = arith.extui %lt3A_252 : i1 to i32
      %cond3A_254 = arith.constant 0 : i32
      %cond3A_255 = arith.cmpi ne, %convert_element_type3A_253, %cond3A_254 : i32
      scf.if %cond3A_255 {
        %add3A_345 = arith.constant 5 : i32
        %add3A_346 = arith.addi %add3A_234, %add3A_345 : i32
        %dma_start3A_347 = arith.constant 2 : i32
        %dma_start3A_348 = arith.constant 0 : i32
        %dma_start3A_349 = tpu.memref_slice %arg9[%dma_start3A_347, %dma_start3A_348] : memref<5x128xi32, #tpu.memory_space<vmem>> -> memref<1x128xi32, #tpu.memory_space<vmem>>
        %dma_start3A_350 = tpu.memref_squeeze %dma_start3A_349 : memref<1x128xi32, #tpu.memory_space<vmem>> -> memref<128xi32, #tpu.memory_space<vmem>>
        %dma_start3A_351 = arith.constant 0 : i32
        %dma_start3A_352 = tpu.memref_slice %arg3[%arg1, %add3A_346, %dma_start3A_351] : memref<16x160x128xi32, #tpu.memory_space<hbm>> -> memref<1x1x128xi32, #tpu.memory_space<hbm>>
        %dma_start3A_353 = tpu.memref_squeeze %dma_start3A_352 : memref<1x1x128xi32, #tpu.memory_space<hbm>> -> memref<128xi32, #tpu.memory_space<hbm>>
        %dma_start3A_354 = arith.constant 0 : i32
        %dma_start3A_355 = tpu.memref_slice %arg9[%dma_start3A_347, %dma_start3A_354] : memref<5x128xi32, #tpu.memory_space<vmem>> -> memref<1x128xi32, #tpu.memory_space<vmem>>
        %dma_start3A_356 = tpu.memref_squeeze %dma_start3A_355 : memref<1x128xi32, #tpu.memory_space<vmem>> -> memref<128xi32, #tpu.memory_space<vmem>>
        %dma_start3A_357 = arith.constant 0 : i32
        %dma_start3A_358 = tpu.memref_slice %arg3[%arg1, %add3A_346, %dma_start3A_357] : memref<16x160x128xi32, #tpu.memory_space<hbm>> -> memref<1x1x128xi32, #tpu.memory_space<hbm>>
        %dma_start3A_359 = tpu.memref_squeeze %dma_start3A_358 : memref<1x1x128xi32, #tpu.memory_space<hbm>> -> memref<128xi32, #tpu.memory_space<hbm>>
        tpu.enqueue_dma source(%dma_start3A_359 : memref<128xi32, #tpu.memory_space<hbm>>) target(%dma_start3A_356 : memref<128xi32, #tpu.memory_space<vmem>>) target_semaphore(%arg19 : memref<!tpu.dma_semaphore, #tpu.memory_space<semaphore_mem>>)
      } else {
      }
      %dma_start3A_256 = arith.constant 0 : i32
      %dma_start3A_257 = tpu.memref_slice %arg10[%add3A_234, %dma_start3A_256] : memref<160x128xi32, #tpu.memory_space<vmem>> -> memref<1x128xi32, #tpu.memory_space<vmem>>
      %dma_start3A_258 = tpu.memref_squeeze %dma_start3A_257 : memref<1x128xi32, #tpu.memory_space<vmem>> -> memref<128xi32, #tpu.memory_space<vmem>>
      %dma_start3A_259 = arith.constant 0 : i32
      %dma_start3A_260 = arith.constant 0 : i32
      %dma_start3A_261 = tpu.memref_slice %arg16[%dma_start3A_259, %dma_start3A_260] : memref<10112x64xf32, #tpu.memory_space<vmem_shared>> -> memref<10112x64xf32, #tpu.memory_space<vmem_shared>>
      tpu.enqueue_indirect_dma source(%arg13 : memref<128x64xf32, #tpu.memory_space<vmem>>) target(%dma_start3A_261 : memref<10112x64xf32, #tpu.memory_space<vmem_shared>>) offsets(%dma_start3A_258 : memref<128xi32, #tpu.memory_space<vmem>>) semaphore(%arg29 : memref<!tpu.dma_semaphore, #tpu.memory_space<semaphore_mem>>) {add = true}
      %add3A_262 = arith.constant 2 : i32
      %add3A_263 = arith.addi %add3A_234, %add3A_262 : i32
      %lt3A_264 = arith.constant 160 : i32
      %lt3A_265 = arith.cmpi slt, %add3A_263, %lt3A_264 : i32
      %convert_element_type3A_266 = arith.extui %lt3A_265 : i1 to i32
      %cond3A_267 = arith.constant 0 : i32
      %cond3A_268 = arith.cmpi ne, %convert_element_type3A_266, %cond3A_267 : i32
      scf.if %cond3A_268 {
        %ge3A = arith.constant 2 : i32
        %ge3A_345 = arith.cmpi sge, %add3A_234, %ge3A : i32
        %convert_element_type3A_346 = arith.extui %ge3A_345 : i1 to i32
        %cond3A_347 = arith.constant 0 : i32
        %cond3A_348 = arith.cmpi ne, %convert_element_type3A_346, %cond3A_347 : i32
        scf.if %cond3A_348 {
          %dma_wait3A_373 = arith.constant 0 : i32
          %dma_wait3A_374 = arith.constant 0 : i32
          %dma_wait3A_375 = tpu.memref_slice %arg10[%dma_wait3A_373, %dma_wait3A_374] : memref<160x128xi32, #tpu.memory_space<vmem>> -> memref<1x128xi32, #tpu.memory_space<vmem>>
          %dma_wait3A_376 = tpu.memref_squeeze %dma_wait3A_375 : memref<1x128xi32, #tpu.memory_space<vmem>> -> memref<128xi32, #tpu.memory_space<vmem>>
          %dma_wait3A_377 = arith.constant 0 : i32
          %dma_wait3A_378 = arith.constant 0 : i32
          %dma_wait3A_379 = tpu.memref_slice %arg16[%dma_wait3A_377, %dma_wait3A_378] : memref<10112x64xf32, #tpu.memory_space<vmem_shared>> -> memref<10112x64xf32, #tpu.memory_space<vmem_shared>>
          tpu.wait_indirect_dma semaphore(%arg27 : memref<!tpu.dma_semaphore, #tpu.memory_space<semaphore_mem>>) src(%arg11 : memref<128x64xf32, #tpu.memory_space<vmem>>) dst(%dma_wait3A_379 : memref<10112x64xf32, #tpu.memory_space<vmem_shared>>)
        } else {
        }
        %dma_wait3A_349 = arith.constant 4 : i32
        %dma_wait3A_350 = arith.constant 0 : i32
        %dma_wait3A_351 = tpu.memref_slice %arg9[%dma_wait3A_349, %dma_wait3A_350] : memref<5x128xi32, #tpu.memory_space<vmem>> -> memref<1x128xi32, #tpu.memory_space<vmem>>
        %dma_wait3A_352 = tpu.memref_squeeze %dma_wait3A_351 : memref<1x128xi32, #tpu.memory_space<vmem>> -> memref<128xi32, #tpu.memory_space<vmem>>
        %dma_wait3A_353 = arith.constant 0 : i32
        %dma_wait3A_354 = tpu.memref_slice %arg3[%arg1, %scan3A_119, %dma_wait3A_353] : memref<16x160x128xi32, #tpu.memory_space<hbm>> -> memref<1x1x128xi32, #tpu.memory_space<hbm>>
        %dma_wait3A_355 = tpu.memref_squeeze %dma_wait3A_354 : memref<1x1x128xi32, #tpu.memory_space<hbm>> -> memref<128xi32, #tpu.memory_space<hbm>>
        %dma_wait3A_356 = arith.constant 0 : i32
        %dma_wait3A_357 = tpu.memref_slice %arg9[%dma_wait3A_349, %dma_wait3A_356] : memref<5x128xi32, #tpu.memory_space<vmem>> -> memref<1x128xi32, #tpu.memory_space<vmem>>
        %dma_wait3A_358 = tpu.memref_squeeze %dma_wait3A_357 : memref<1x128xi32, #tpu.memory_space<vmem>> -> memref<128xi32, #tpu.memory_space<vmem>>
        %dma_wait3A_359 = arith.constant 0 : i32
        %dma_wait3A_360 = tpu.memref_slice %arg3[%arg1, %scan3A_119, %dma_wait3A_359] : memref<16x160x128xi32, #tpu.memory_space<hbm>> -> memref<1x1x128xi32, #tpu.memory_space<hbm>>
        %dma_wait3A_361 = tpu.memref_squeeze %dma_wait3A_360 : memref<1x1x128xi32, #tpu.memory_space<hbm>> -> memref<128xi32, #tpu.memory_space<hbm>>
        tpu.wait_dma2 semaphore(%arg21 : memref<!tpu.dma_semaphore, #tpu.memory_space<semaphore_mem>>) src(%dma_wait3A_361 : memref<128xi32, #tpu.memory_space<hbm>>) dst(%dma_wait3A_358 : memref<128xi32, #tpu.memory_space<vmem>>)
        %dma_start3A_362 = arith.constant 4 : i32
        %dma_start3A_363 = arith.constant 0 : i32
        %dma_start3A_364 = tpu.memref_slice %arg9[%dma_start3A_362, %dma_start3A_363] : memref<5x128xi32, #tpu.memory_space<vmem>> -> memref<1x128xi32, #tpu.memory_space<vmem>>
        %dma_start3A_365 = tpu.memref_squeeze %dma_start3A_364 : memref<1x128xi32, #tpu.memory_space<vmem>> -> memref<128xi32, #tpu.memory_space<vmem>>
        %dma_start3A_366 = arith.constant 0 : i32
        %dma_start3A_367 = arith.constant 0 : i32
        %dma_start3A_368 = tpu.memref_slice %arg2[%arg0, %dma_start3A_366, %dma_start3A_367] : memref<2x10000x64xf32, #tpu.memory_space<hbm>> -> memref<1x10000x64xf32, #tpu.memory_space<hbm>>
        %dma_start3A_369 = tpu.memref_squeeze %dma_start3A_368 : memref<1x10000x64xf32, #tpu.memory_space<hbm>> -> memref<10000x64xf32, #tpu.memory_space<hbm>>
        %dma_start3A_370 = arith.constant 0 : i32
        %dma_start3A_371 = arith.constant 0 : i32
        %dma_start3A_372 = tpu.memref_slice %dma_start3A_369[%dma_start3A_370, %dma_start3A_371] : memref<10000x64xf32, #tpu.memory_space<hbm>> -> memref<10000x64xf32, #tpu.memory_space<hbm>>
        tpu.enqueue_indirect_dma source(%dma_start3A_372 : memref<10000x64xf32, #tpu.memory_space<hbm>>) target(%arg15 : memref<128x64xf32, #tpu.memory_space<vmem>>) offsets(%dma_start3A_365 : memref<128xi32, #tpu.memory_space<vmem>>) semaphore(%arg26 : memref<!tpu.dma_semaphore, #tpu.memory_space<semaphore_mem>>)
      } else {
      }
      %mul3A_269 = arith.constant 5 : i32
      %mul3A_270 = arith.muli %scan3A_158, %mul3A_269 : i32
      %add3A_271 = arith.constant 3 : i32
      %add3A_272 = arith.addi %mul3A_270, %add3A_271 : i32
      %dma_wait3A_273 = arith.constant 0 : i32
      %dma_wait3A_274 = arith.constant 0 : i32
      %dma_wait3A_275 = tpu.memref_slice %arg2[%arg0, %dma_wait3A_273, %dma_wait3A_274] : memref<2x10000x64xf32, #tpu.memory_space<hbm>> -> memref<1x10000x64xf32, #tpu.memory_space<hbm>>
      %dma_wait3A_276 = tpu.memref_squeeze %dma_wait3A_275 : memref<1x10000x64xf32, #tpu.memory_space<hbm>> -> memref<10000x64xf32, #tpu.memory_space<hbm>>
      %dma_wait3A_277 = arith.constant 0 : i32
      %dma_wait3A_278 = arith.constant 0 : i32
      %dma_wait3A_279 = tpu.memref_slice %dma_wait3A_276[%dma_wait3A_277, %dma_wait3A_278] : memref<10000x64xf32, #tpu.memory_space<hbm>> -> memref<128x64xf32, #tpu.memory_space<hbm>>
      %dma_wait3A_280 = arith.constant 0 : i32
      %dma_wait3A_281 = arith.constant 0 : i32
      %dma_wait3A_282 = tpu.memref_slice %arg2[%arg0, %dma_wait3A_280, %dma_wait3A_281] : memref<2x10000x64xf32, #tpu.memory_space<hbm>> -> memref<1x10000x64xf32, #tpu.memory_space<hbm>>
      %dma_wait3A_283 = tpu.memref_squeeze %dma_wait3A_282 : memref<1x10000x64xf32, #tpu.memory_space<hbm>> -> memref<10000x64xf32, #tpu.memory_space<hbm>>
      %dma_wait3A_284 = arith.constant 0 : i32
      %dma_wait3A_285 = arith.constant 0 : i32
      %dma_wait3A_286 = tpu.memref_slice %dma_wait3A_283[%dma_wait3A_284, %dma_wait3A_285] : memref<10000x64xf32, #tpu.memory_space<hbm>> -> memref<128x64xf32, #tpu.memory_space<hbm>>
      tpu.wait_dma2 semaphore(%arg25 : memref<!tpu.dma_semaphore, #tpu.memory_space<semaphore_mem>>) src(%dma_wait3A_286 : memref<128x64xf32, #tpu.memory_space<hbm>>) dst(%arg14 : memref<128x64xf32, #tpu.memory_space<vmem>>)
      %add3A_287 = arith.constant 5 : i32
      %add3A_288 = arith.addi %add3A_272, %add3A_287 : i32
      %lt3A_289 = arith.constant 160 : i32
      %lt3A_290 = arith.cmpi slt, %add3A_288, %lt3A_289 : i32
      %convert_element_type3A_291 = arith.extui %lt3A_290 : i1 to i32
      %cond3A_292 = arith.constant 0 : i32
      %cond3A_293 = arith.cmpi ne, %convert_element_type3A_291, %cond3A_292 : i32
      scf.if %cond3A_293 {
        %add3A_345 = arith.constant 5 : i32
        %add3A_346 = arith.addi %add3A_272, %add3A_345 : i32
        %dma_start3A_347 = arith.constant 3 : i32
        %dma_start3A_348 = arith.constant 0 : i32
        %dma_start3A_349 = tpu.memref_slice %arg9[%dma_start3A_347, %dma_start3A_348] : memref<5x128xi32, #tpu.memory_space<vmem>> -> memref<1x128xi32, #tpu.memory_space<vmem>>
        %dma_start3A_350 = tpu.memref_squeeze %dma_start3A_349 : memref<1x128xi32, #tpu.memory_space<vmem>> -> memref<128xi32, #tpu.memory_space<vmem>>
        %dma_start3A_351 = arith.constant 0 : i32
        %dma_start3A_352 = tpu.memref_slice %arg3[%arg1, %add3A_346, %dma_start3A_351] : memref<16x160x128xi32, #tpu.memory_space<hbm>> -> memref<1x1x128xi32, #tpu.memory_space<hbm>>
        %dma_start3A_353 = tpu.memref_squeeze %dma_start3A_352 : memref<1x1x128xi32, #tpu.memory_space<hbm>> -> memref<128xi32, #tpu.memory_space<hbm>>
        %dma_start3A_354 = arith.constant 0 : i32
        %dma_start3A_355 = tpu.memref_slice %arg9[%dma_start3A_347, %dma_start3A_354] : memref<5x128xi32, #tpu.memory_space<vmem>> -> memref<1x128xi32, #tpu.memory_space<vmem>>
        %dma_start3A_356 = tpu.memref_squeeze %dma_start3A_355 : memref<1x128xi32, #tpu.memory_space<vmem>> -> memref<128xi32, #tpu.memory_space<vmem>>
        %dma_start3A_357 = arith.constant 0 : i32
        %dma_start3A_358 = tpu.memref_slice %arg3[%arg1, %add3A_346, %dma_start3A_357] : memref<16x160x128xi32, #tpu.memory_space<hbm>> -> memref<1x1x128xi32, #tpu.memory_space<hbm>>
        %dma_start3A_359 = tpu.memref_squeeze %dma_start3A_358 : memref<1x1x128xi32, #tpu.memory_space<hbm>> -> memref<128xi32, #tpu.memory_space<hbm>>
        tpu.enqueue_dma source(%dma_start3A_359 : memref<128xi32, #tpu.memory_space<hbm>>) target(%dma_start3A_356 : memref<128xi32, #tpu.memory_space<vmem>>) target_semaphore(%arg20 : memref<!tpu.dma_semaphore, #tpu.memory_space<semaphore_mem>>)
      } else {
      }
      %dma_start3A_294 = arith.constant 0 : i32
      %dma_start3A_295 = tpu.memref_slice %arg10[%add3A_272, %dma_start3A_294] : memref<160x128xi32, #tpu.memory_space<vmem>> -> memref<1x128xi32, #tpu.memory_space<vmem>>
      %dma_start3A_296 = tpu.memref_squeeze %dma_start3A_295 : memref<1x128xi32, #tpu.memory_space<vmem>> -> memref<128xi32, #tpu.memory_space<vmem>>
      %dma_start3A_297 = arith.constant 0 : i32
      %dma_start3A_298 = arith.constant 0 : i32
      %dma_start3A_299 = tpu.memref_slice %arg16[%dma_start3A_297, %dma_start3A_298] : memref<10112x64xf32, #tpu.memory_space<vmem_shared>> -> memref<10112x64xf32, #tpu.memory_space<vmem_shared>>
      tpu.enqueue_indirect_dma source(%arg14 : memref<128x64xf32, #tpu.memory_space<vmem>>) target(%dma_start3A_299 : memref<10112x64xf32, #tpu.memory_space<vmem_shared>>) offsets(%dma_start3A_296 : memref<128xi32, #tpu.memory_space<vmem>>) semaphore(%arg30 : memref<!tpu.dma_semaphore, #tpu.memory_space<semaphore_mem>>) {add = true}
      %add3A_300 = arith.constant 2 : i32
      %add3A_301 = arith.addi %add3A_272, %add3A_300 : i32
      %lt3A_302 = arith.constant 160 : i32
      %lt3A_303 = arith.cmpi slt, %add3A_301, %lt3A_302 : i32
      %convert_element_type3A_304 = arith.extui %lt3A_303 : i1 to i32
      %cond3A_305 = arith.constant 0 : i32
      %cond3A_306 = arith.cmpi ne, %convert_element_type3A_304, %cond3A_305 : i32
      scf.if %cond3A_306 {
        %ge3A = arith.constant 2 : i32
        %ge3A_345 = arith.cmpi sge, %add3A_272, %ge3A : i32
        %convert_element_type3A_346 = arith.extui %ge3A_345 : i1 to i32
        %cond3A_347 = arith.constant 0 : i32
        %cond3A_348 = arith.cmpi ne, %convert_element_type3A_346, %cond3A_347 : i32
        scf.if %cond3A_348 {
          %dma_wait3A_373 = arith.constant 0 : i32
          %dma_wait3A_374 = arith.constant 0 : i32
          %dma_wait3A_375 = tpu.memref_slice %arg10[%dma_wait3A_373, %dma_wait3A_374] : memref<160x128xi32, #tpu.memory_space<vmem>> -> memref<1x128xi32, #tpu.memory_space<vmem>>
          %dma_wait3A_376 = tpu.memref_squeeze %dma_wait3A_375 : memref<1x128xi32, #tpu.memory_space<vmem>> -> memref<128xi32, #tpu.memory_space<vmem>>
          %dma_wait3A_377 = arith.constant 0 : i32
          %dma_wait3A_378 = arith.constant 0 : i32
          %dma_wait3A_379 = tpu.memref_slice %arg16[%dma_wait3A_377, %dma_wait3A_378] : memref<10112x64xf32, #tpu.memory_space<vmem_shared>> -> memref<10112x64xf32, #tpu.memory_space<vmem_shared>>
          tpu.wait_indirect_dma semaphore(%arg28 : memref<!tpu.dma_semaphore, #tpu.memory_space<semaphore_mem>>) src(%arg12 : memref<128x64xf32, #tpu.memory_space<vmem>>) dst(%dma_wait3A_379 : memref<10112x64xf32, #tpu.memory_space<vmem_shared>>)
        } else {
        }
        %dma_wait3A_349 = arith.constant 0 : i32
        %dma_wait3A_350 = arith.constant 0 : i32
        %dma_wait3A_351 = tpu.memref_slice %arg9[%dma_wait3A_349, %dma_wait3A_350] : memref<5x128xi32, #tpu.memory_space<vmem>> -> memref<1x128xi32, #tpu.memory_space<vmem>>
        %dma_wait3A_352 = tpu.memref_squeeze %dma_wait3A_351 : memref<1x128xi32, #tpu.memory_space<vmem>> -> memref<128xi32, #tpu.memory_space<vmem>>
        %dma_wait3A_353 = arith.constant 0 : i32
        %dma_wait3A_354 = tpu.memref_slice %arg3[%arg1, %scan3A_119, %dma_wait3A_353] : memref<16x160x128xi32, #tpu.memory_space<hbm>> -> memref<1x1x128xi32, #tpu.memory_space<hbm>>
        %dma_wait3A_355 = tpu.memref_squeeze %dma_wait3A_354 : memref<1x1x128xi32, #tpu.memory_space<hbm>> -> memref<128xi32, #tpu.memory_space<hbm>>
        %dma_wait3A_356 = arith.constant 0 : i32
        %dma_wait3A_357 = tpu.memref_slice %arg9[%dma_wait3A_349, %dma_wait3A_356] : memref<5x128xi32, #tpu.memory_space<vmem>> -> memref<1x128xi32, #tpu.memory_space<vmem>>
        %dma_wait3A_358 = tpu.memref_squeeze %dma_wait3A_357 : memref<1x128xi32, #tpu.memory_space<vmem>> -> memref<128xi32, #tpu.memory_space<vmem>>
        %dma_wait3A_359 = arith.constant 0 : i32
        %dma_wait3A_360 = tpu.memref_slice %arg3[%arg1, %scan3A_119, %dma_wait3A_359] : memref<16x160x128xi32, #tpu.memory_space<hbm>> -> memref<1x1x128xi32, #tpu.memory_space<hbm>>
        %dma_wait3A_361 = tpu.memref_squeeze %dma_wait3A_360 : memref<1x1x128xi32, #tpu.memory_space<hbm>> -> memref<128xi32, #tpu.memory_space<hbm>>
        tpu.wait_dma2 semaphore(%arg17 : memref<!tpu.dma_semaphore, #tpu.memory_space<semaphore_mem>>) src(%dma_wait3A_361 : memref<128xi32, #tpu.memory_space<hbm>>) dst(%dma_wait3A_358 : memref<128xi32, #tpu.memory_space<vmem>>)
        %dma_start3A_362 = arith.constant 0 : i32
        %dma_start3A_363 = arith.constant 0 : i32
        %dma_start3A_364 = tpu.memref_slice %arg9[%dma_start3A_362, %dma_start3A_363] : memref<5x128xi32, #tpu.memory_space<vmem>> -> memref<1x128xi32, #tpu.memory_space<vmem>>
        %dma_start3A_365 = tpu.memref_squeeze %dma_start3A_364 : memref<1x128xi32, #tpu.memory_space<vmem>> -> memref<128xi32, #tpu.memory_space<vmem>>
        %dma_start3A_366 = arith.constant 0 : i32
        %dma_start3A_367 = arith.constant 0 : i32
        %dma_start3A_368 = tpu.memref_slice %arg2[%arg0, %dma_start3A_366, %dma_start3A_367] : memref<2x10000x64xf32, #tpu.memory_space<hbm>> -> memref<1x10000x64xf32, #tpu.memory_space<hbm>>
        %dma_start3A_369 = tpu.memref_squeeze %dma_start3A_368 : memref<1x10000x64xf32, #tpu.memory_space<hbm>> -> memref<10000x64xf32, #tpu.memory_space<hbm>>
        %dma_start3A_370 = arith.constant 0 : i32
        %dma_start3A_371 = arith.constant 0 : i32
        %dma_start3A_372 = tpu.memref_slice %dma_start3A_369[%dma_start3A_370, %dma_start3A_371] : memref<10000x64xf32, #tpu.memory_space<hbm>> -> memref<10000x64xf32, #tpu.memory_space<hbm>>
        tpu.enqueue_indirect_dma source(%dma_start3A_372 : memref<10000x64xf32, #tpu.memory_space<hbm>>) target(%arg11 : memref<128x64xf32, #tpu.memory_space<vmem>>) offsets(%dma_start3A_365 : memref<128xi32, #tpu.memory_space<vmem>>) semaphore(%arg22 : memref<!tpu.dma_semaphore, #tpu.memory_space<semaphore_mem>>)
      } else {
      }
      %mul3A_307 = arith.constant 5 : i32
      %mul3A_308 = arith.muli %scan3A_158, %mul3A_307 : i32
      %add3A_309 = arith.constant 4 : i32
      %add3A_310 = arith.addi %mul3A_308, %add3A_309 : i32
      %dma_wait3A_311 = arith.constant 0 : i32
      %dma_wait3A_312 = arith.constant 0 : i32
      %dma_wait3A_313 = tpu.memref_slice %arg2[%arg0, %dma_wait3A_311, %dma_wait3A_312] : memref<2x10000x64xf32, #tpu.memory_space<hbm>> -> memref<1x10000x64xf32, #tpu.memory_space<hbm>>
      %dma_wait3A_314 = tpu.memref_squeeze %dma_wait3A_313 : memref<1x10000x64xf32, #tpu.memory_space<hbm>> -> memref<10000x64xf32, #tpu.memory_space<hbm>>
      %dma_wait3A_315 = arith.constant 0 : i32
      %dma_wait3A_316 = arith.constant 0 : i32
      %dma_wait3A_317 = tpu.memref_slice %dma_wait3A_314[%dma_wait3A_315, %dma_wait3A_316] : memref<10000x64xf32, #tpu.memory_space<hbm>> -> memref<128x64xf32, #tpu.memory_space<hbm>>
      %dma_wait3A_318 = arith.constant 0 : i32
      %dma_wait3A_319 = arith.constant 0 : i32
      %dma_wait3A_320 = tpu.memref_slice %arg2[%arg0, %dma_wait3A_318, %dma_wait3A_319] : memref<2x10000x64xf32, #tpu.memory_space<hbm>> -> memref<1x10000x64xf32, #tpu.memory_space<hbm>>
      %dma_wait3A_321 = tpu.memref_squeeze %dma_wait3A_320 : memref<1x10000x64xf32, #tpu.memory_space<hbm>> -> memref<10000x64xf32, #tpu.memory_space<hbm>>
      %dma_wait3A_322 = arith.constant 0 : i32
      %dma_wait3A_323 = arith.constant 0 : i32
      %dma_wait3A_324 = tpu.memref_slice %dma_wait3A_321[%dma_wait3A_322, %dma_wait3A_323] : memref<10000x64xf32, #tpu.memory_space<hbm>> -> memref<128x64xf32, #tpu.memory_space<hbm>>
      tpu.wait_dma2 semaphore(%arg26 : memref<!tpu.dma_semaphore, #tpu.memory_space<semaphore_mem>>) src(%dma_wait3A_324 : memref<128x64xf32, #tpu.memory_space<hbm>>) dst(%arg15 : memref<128x64xf32, #tpu.memory_space<vmem>>)
      %add3A_325 = arith.constant 5 : i32
      %add3A_326 = arith.addi %add3A_310, %add3A_325 : i32
      %lt3A_327 = arith.constant 160 : i32
      %lt3A_328 = arith.cmpi slt, %add3A_326, %lt3A_327 : i32
      %convert_element_type3A_329 = arith.extui %lt3A_328 : i1 to i32
      %cond3A_330 = arith.constant 0 : i32
      %cond3A_331 = arith.cmpi ne, %convert_element_type3A_329, %cond3A_330 : i32
      scf.if %cond3A_331 {
        %add3A_345 = arith.constant 5 : i32
        %add3A_346 = arith.addi %add3A_310, %add3A_345 : i32
        %dma_start3A_347 = arith.constant 4 : i32
        %dma_start3A_348 = arith.constant 0 : i32
        %dma_start3A_349 = tpu.memref_slice %arg9[%dma_start3A_347, %dma_start3A_348] : memref<5x128xi32, #tpu.memory_space<vmem>> -> memref<1x128xi32, #tpu.memory_space<vmem>>
        %dma_start3A_350 = tpu.memref_squeeze %dma_start3A_349 : memref<1x128xi32, #tpu.memory_space<vmem>> -> memref<128xi32, #tpu.memory_space<vmem>>
        %dma_start3A_351 = arith.constant 0 : i32
        %dma_start3A_352 = tpu.memref_slice %arg3[%arg1, %add3A_346, %dma_start3A_351] : memref<16x160x128xi32, #tpu.memory_space<hbm>> -> memref<1x1x128xi32, #tpu.memory_space<hbm>>
        %dma_start3A_353 = tpu.memref_squeeze %dma_start3A_352 : memref<1x1x128xi32, #tpu.memory_space<hbm>> -> memref<128xi32, #tpu.memory_space<hbm>>
        %dma_start3A_354 = arith.constant 0 : i32
        %dma_start3A_355 = tpu.memref_slice %arg9[%dma_start3A_347, %dma_start3A_354] : memref<5x128xi32, #tpu.memory_space<vmem>> -> memref<1x128xi32, #tpu.memory_space<vmem>>
        %dma_start3A_356 = tpu.memref_squeeze %dma_start3A_355 : memref<1x128xi32, #tpu.memory_space<vmem>> -> memref<128xi32, #tpu.memory_space<vmem>>
        %dma_start3A_357 = arith.constant 0 : i32
        %dma_start3A_358 = tpu.memref_slice %arg3[%arg1, %add3A_346, %dma_start3A_357] : memref<16x160x128xi32, #tpu.memory_space<hbm>> -> memref<1x1x128xi32, #tpu.memory_space<hbm>>
        %dma_start3A_359 = tpu.memref_squeeze %dma_start3A_358 : memref<1x1x128xi32, #tpu.memory_space<hbm>> -> memref<128xi32, #tpu.memory_space<hbm>>
        tpu.enqueue_dma source(%dma_start3A_359 : memref<128xi32, #tpu.memory_space<hbm>>) target(%dma_start3A_356 : memref<128xi32, #tpu.memory_space<vmem>>) target_semaphore(%arg21 : memref<!tpu.dma_semaphore, #tpu.memory_space<semaphore_mem>>)
      } else {
      }
      %dma_start3A_332 = arith.constant 0 : i32
      %dma_start3A_333 = tpu.memref_slice %arg10[%add3A_310, %dma_start3A_332] : memref<160x128xi32, #tpu.memory_space<vmem>> -> memref<1x128xi32, #tpu.memory_space<vmem>>
      %dma_start3A_334 = tpu.memref_squeeze %dma_start3A_333 : memref<1x128xi32, #tpu.memory_space<vmem>> -> memref<128xi32, #tpu.memory_space<vmem>>
      %dma_start3A_335 = arith.constant 0 : i32
      %dma_start3A_336 = arith.constant 0 : i32
      %dma_start3A_337 = tpu.memref_slice %arg16[%dma_start3A_335, %dma_start3A_336] : memref<10112x64xf32, #tpu.memory_space<vmem_shared>> -> memref<10112x64xf32, #tpu.memory_space<vmem_shared>>
      tpu.enqueue_indirect_dma source(%arg15 : memref<128x64xf32, #tpu.memory_space<vmem>>) target(%dma_start3A_337 : memref<10112x64xf32, #tpu.memory_space<vmem_shared>>) offsets(%dma_start3A_334 : memref<128xi32, #tpu.memory_space<vmem>>) semaphore(%arg31 : memref<!tpu.dma_semaphore, #tpu.memory_space<semaphore_mem>>) {add = true}
      %add3A_338 = arith.constant 2 : i32
      %add3A_339 = arith.addi %add3A_310, %add3A_338 : i32
      %lt3A_340 = arith.constant 160 : i32
      %lt3A_341 = arith.cmpi slt, %add3A_339, %lt3A_340 : i32
      %convert_element_type3A_342 = arith.extui %lt3A_341 : i1 to i32
      %cond3A_343 = arith.constant 0 : i32
      %cond3A_344 = arith.cmpi ne, %convert_element_type3A_342, %cond3A_343 : i32
      scf.if %cond3A_344 {
        %ge3A = arith.constant 2 : i32
        %ge3A_345 = arith.cmpi sge, %add3A_310, %ge3A : i32
        %convert_element_type3A_346 = arith.extui %ge3A_345 : i1 to i32
        %cond3A_347 = arith.constant 0 : i32
        %cond3A_348 = arith.cmpi ne, %convert_element_type3A_346, %cond3A_347 : i32
        scf.if %cond3A_348 {
          %dma_wait3A_373 = arith.constant 0 : i32
          %dma_wait3A_374 = arith.constant 0 : i32
          %dma_wait3A_375 = tpu.memref_slice %arg10[%dma_wait3A_373, %dma_wait3A_374] : memref<160x128xi32, #tpu.memory_space<vmem>> -> memref<1x128xi32, #tpu.memory_space<vmem>>
          %dma_wait3A_376 = tpu.memref_squeeze %dma_wait3A_375 : memref<1x128xi32, #tpu.memory_space<vmem>> -> memref<128xi32, #tpu.memory_space<vmem>>
          %dma_wait3A_377 = arith.constant 0 : i32
          %dma_wait3A_378 = arith.constant 0 : i32
          %dma_wait3A_379 = tpu.memref_slice %arg16[%dma_wait3A_377, %dma_wait3A_378] : memref<10112x64xf32, #tpu.memory_space<vmem_shared>> -> memref<10112x64xf32, #tpu.memory_space<vmem_shared>>
          tpu.wait_indirect_dma semaphore(%arg29 : memref<!tpu.dma_semaphore, #tpu.memory_space<semaphore_mem>>) src(%arg13 : memref<128x64xf32, #tpu.memory_space<vmem>>) dst(%dma_wait3A_379 : memref<10112x64xf32, #tpu.memory_space<vmem_shared>>)
        } else {
        }
        %dma_wait3A_349 = arith.constant 1 : i32
        %dma_wait3A_350 = arith.constant 0 : i32
        %dma_wait3A_351 = tpu.memref_slice %arg9[%dma_wait3A_349, %dma_wait3A_350] : memref<5x128xi32, #tpu.memory_space<vmem>> -> memref<1x128xi32, #tpu.memory_space<vmem>>
        %dma_wait3A_352 = tpu.memref_squeeze %dma_wait3A_351 : memref<1x128xi32, #tpu.memory_space<vmem>> -> memref<128xi32, #tpu.memory_space<vmem>>
        %dma_wait3A_353 = arith.constant 0 : i32
        %dma_wait3A_354 = tpu.memref_slice %arg3[%arg1, %scan3A_119, %dma_wait3A_353] : memref<16x160x128xi32, #tpu.memory_space<hbm>> -> memref<1x1x128xi32, #tpu.memory_space<hbm>>
        %dma_wait3A_355 = tpu.memref_squeeze %dma_wait3A_354 : memref<1x1x128xi32, #tpu.memory_space<hbm>> -> memref<128xi32, #tpu.memory_space<hbm>>
        %dma_wait3A_356 = arith.constant 0 : i32
        %dma_wait3A_357 = tpu.memref_slice %arg9[%dma_wait3A_349, %dma_wait3A_356] : memref<5x128xi32, #tpu.memory_space<vmem>> -> memref<1x128xi32, #tpu.memory_space<vmem>>
        %dma_wait3A_358 = tpu.memref_squeeze %dma_wait3A_357 : memref<1x128xi32, #tpu.memory_space<vmem>> -> memref<128xi32, #tpu.memory_space<vmem>>
        %dma_wait3A_359 = arith.constant 0 : i32
        %dma_wait3A_360 = tpu.memref_slice %arg3[%arg1, %scan3A_119, %dma_wait3A_359] : memref<16x160x128xi32, #tpu.memory_space<hbm>> -> memref<1x1x128xi32, #tpu.memory_space<hbm>>
        %dma_wait3A_361 = tpu.memref_squeeze %dma_wait3A_360 : memref<1x1x128xi32, #tpu.memory_space<hbm>> -> memref<128xi32, #tpu.memory_space<hbm>>
        tpu.wait_dma2 semaphore(%arg18 : memref<!tpu.dma_semaphore, #tpu.memory_space<semaphore_mem>>) src(%dma_wait3A_361 : memref<128xi32, #tpu.memory_space<hbm>>) dst(%dma_wait3A_358 : memref<128xi32, #tpu.memory_space<vmem>>)
        %dma_start3A_362 = arith.constant 1 : i32
        %dma_start3A_363 = arith.constant 0 : i32
        %dma_start3A_364 = tpu.memref_slice %arg9[%dma_start3A_362, %dma_start3A_363] : memref<5x128xi32, #tpu.memory_space<vmem>> -> memref<1x128xi32, #tpu.memory_space<vmem>>
        %dma_start3A_365 = tpu.memref_squeeze %dma_start3A_364 : memref<1x128xi32, #tpu.memory_space<vmem>> -> memref<128xi32, #tpu.memory_space<vmem>>
        %dma_start3A_366 = arith.constant 0 : i32
        %dma_start3A_367 = arith.constant 0 : i32
        %dma_start3A_368 = tpu.memref_slice %arg2[%arg0, %dma_start3A_366, %dma_start3A_367] : memref<2x10000x64xf32, #tpu.memory_space<hbm>> -> memref<1x10000x64xf32, #tpu.memory_space<hbm>>
        %dma_start3A_369 = tpu.memref_squeeze %dma_start3A_368 : memref<1x10000x64xf32, #tpu.memory_space<hbm>> -> memref<10000x64xf32, #tpu.memory_space<hbm>>
        %dma_start3A_370 = arith.constant 0 : i32
        %dma_start3A_371 = arith.constant 0 : i32
        %dma_start3A_372 = tpu.memref_slice %dma_start3A_369[%dma_start3A_370, %dma_start3A_371] : memref<10000x64xf32, #tpu.memory_space<hbm>> -> memref<10000x64xf32, #tpu.memory_space<hbm>>
        tpu.enqueue_indirect_dma source(%dma_start3A_372 : memref<10000x64xf32, #tpu.memory_space<hbm>>) target(%arg12 : memref<128x64xf32, #tpu.memory_space<vmem>>) offsets(%dma_start3A_365 : memref<128xi32, #tpu.memory_space<vmem>>) semaphore(%arg23 : memref<!tpu.dma_semaphore, #tpu.memory_space<semaphore_mem>>)
      } else {
      }
    }
    %scan3A_124 = arith.constant 32 : i32
    %dma_wait3A_125 = arith.constant 0 : i32
    %dma_wait3A_126 = arith.constant 0 : i32
    %dma_wait3A_127 = tpu.memref_slice %arg10[%dma_wait3A_125, %dma_wait3A_126] : memref<160x128xi32, #tpu.memory_space<vmem>> -> memref<1x128xi32, #tpu.memory_space<vmem>>
    %dma_wait3A_128 = tpu.memref_squeeze %dma_wait3A_127 : memref<1x128xi32, #tpu.memory_space<vmem>> -> memref<128xi32, #tpu.memory_space<vmem>>
    %dma_wait3A_129 = arith.constant 0 : i32
    %dma_wait3A_130 = arith.constant 0 : i32
    %dma_wait3A_131 = tpu.memref_slice %arg16[%dma_wait3A_129, %dma_wait3A_130] : memref<10112x64xf32, #tpu.memory_space<vmem_shared>> -> memref<10112x64xf32, #tpu.memory_space<vmem_shared>>
    tpu.wait_indirect_dma semaphore(%arg28 : memref<!tpu.dma_semaphore, #tpu.memory_space<semaphore_mem>>) src(%arg12 : memref<128x64xf32, #tpu.memory_space<vmem>>) dst(%dma_wait3A_131 : memref<10112x64xf32, #tpu.memory_space<vmem_shared>>)
    %dma_wait3A_132 = arith.constant 0 : i32
    %dma_wait3A_133 = arith.constant 0 : i32
    %dma_wait3A_134 = tpu.memref_slice %arg10[%dma_wait3A_132, %dma_wait3A_133] : memref<160x128xi32, #tpu.memory_space<vmem>> -> memref<1x128xi32, #tpu.memory_space<vmem>>
    %dma_wait3A_135 = tpu.memref_squeeze %dma_wait3A_134 : memref<1x128xi32, #tpu.memory_space<vmem>> -> memref<128xi32, #tpu.memory_space<vmem>>
    %dma_wait3A_136 = arith.constant 0 : i32
    %dma_wait3A_137 = arith.constant 0 : i32
    %dma_wait3A_138 = tpu.memref_slice %arg16[%dma_wait3A_136, %dma_wait3A_137] : memref<10112x64xf32, #tpu.memory_space<vmem_shared>> -> memref<10112x64xf32, #tpu.memory_space<vmem_shared>>
    tpu.wait_indirect_dma semaphore(%arg29 : memref<!tpu.dma_semaphore, #tpu.memory_space<semaphore_mem>>) src(%arg13 : memref<128x64xf32, #tpu.memory_space<vmem>>) dst(%dma_wait3A_138 : memref<10112x64xf32, #tpu.memory_space<vmem_shared>>)
    %dma_wait3A_139 = arith.constant 0 : i32
    %dma_wait3A_140 = arith.constant 0 : i32
    %dma_wait3A_141 = tpu.memref_slice %arg10[%dma_wait3A_139, %dma_wait3A_140] : memref<160x128xi32, #tpu.memory_space<vmem>> -> memref<1x128xi32, #tpu.memory_space<vmem>>
    %dma_wait3A_142 = tpu.memref_squeeze %dma_wait3A_141 : memref<1x128xi32, #tpu.memory_space<vmem>> -> memref<128xi32, #tpu.memory_space<vmem>>
    %dma_wait3A_143 = arith.constant 0 : i32
    %dma_wait3A_144 = arith.constant 0 : i32
    %dma_wait3A_145 = tpu.memref_slice %arg16[%dma_wait3A_143, %dma_wait3A_144] : memref<10112x64xf32, #tpu.memory_space<vmem_shared>> -> memref<10112x64xf32, #tpu.memory_space<vmem_shared>>
    tpu.wait_indirect_dma semaphore(%arg30 : memref<!tpu.dma_semaphore, #tpu.memory_space<semaphore_mem>>) src(%arg14 : memref<128x64xf32, #tpu.memory_space<vmem>>) dst(%dma_wait3A_145 : memref<10112x64xf32, #tpu.memory_space<vmem_shared>>)
    %dma_wait3A_146 = arith.constant 0 : i32
    %dma_wait3A_147 = arith.constant 0 : i32
    %dma_wait3A_148 = tpu.memref_slice %arg10[%dma_wait3A_146, %dma_wait3A_147] : memref<160x128xi32, #tpu.memory_space<vmem>> -> memref<1x128xi32, #tpu.memory_space<vmem>>
    %dma_wait3A_149 = tpu.memref_squeeze %dma_wait3A_148 : memref<1x128xi32, #tpu.memory_space<vmem>> -> memref<128xi32, #tpu.memory_space<vmem>>
    %dma_wait3A_150 = arith.constant 0 : i32
    %dma_wait3A_151 = arith.constant 0 : i32
    %dma_wait3A_152 = tpu.memref_slice %arg16[%dma_wait3A_150, %dma_wait3A_151] : memref<10112x64xf32, #tpu.memory_space<vmem_shared>> -> memref<10112x64xf32, #tpu.memory_space<vmem_shared>>
    tpu.wait_indirect_dma semaphore(%arg31 : memref<!tpu.dma_semaphore, #tpu.memory_space<semaphore_mem>>) src(%arg15 : memref<128x64xf32, #tpu.memory_space<vmem>>) dst(%dma_wait3A_152 : memref<10112x64xf32, #tpu.memory_space<vmem_shared>>)
    %barrier3A_153 = arith.constant 0 : index
    tpu.barrier barrier_id(%barrier3A_153)
    %mul3A_154 = arith.constant 632 : i32
    %mul3A_155 = arith.muli %arg1, %mul3A_154 : i32
    %mul3A_156 = arith.constant 632 : i32
    %mul3A_157 = arith.muli %arg1, %mul3A_156 : i32
    "tpu.region"() ({
      %run_scoped3A = tpu.sem_alloc : memref<!tpu.dma_semaphore, #tpu.memory_space<semaphore_mem>>
      %dma_start3A_158 = arith.constant 0 : i32
      %dma_start3A_159 = tpu.memref_slice %arg8[%arg0, %mul3A_157, %dma_start3A_158] : memref<2x10112x64xf32, #tpu.memory_space<hbm>> -> memref<1x632x64xf32, #tpu.memory_space<hbm>>
      %dma_start3A_160 = tpu.memref_squeeze %dma_start3A_159 : memref<1x632x64xf32, #tpu.memory_space<hbm>> -> memref<632x64xf32, #tpu.memory_space<hbm>>
      %dma_start3A_161 = arith.constant 0 : i32
      %dma_start3A_162 = tpu.memref_slice %arg16[%mul3A_155, %dma_start3A_161] : memref<10112x64xf32, #tpu.memory_space<vmem_shared>> -> memref<632x64xf32, #tpu.memory_space<vmem_shared>>
      tpu.enqueue_dma source(%dma_start3A_162 : memref<632x64xf32, #tpu.memory_space<vmem_shared>>) target(%dma_start3A_160 : memref<632x64xf32, #tpu.memory_space<hbm>>) target_semaphore(%run_scoped3A : memref<!tpu.dma_semaphore, #tpu.memory_space<semaphore_mem>>)
      %dma_wait3A_163 = arith.constant 0 : i32
      %dma_wait3A_164 = tpu.memref_slice %arg8[%arg0, %mul3A_157, %dma_wait3A_163] : memref<2x10112x64xf32, #tpu.memory_space<hbm>> -> memref<1x632x64xf32, #tpu.memory_space<hbm>>
      %dma_wait3A_165 = tpu.memref_squeeze %dma_wait3A_164 : memref<1x632x64xf32, #tpu.memory_space<hbm>> -> memref<632x64xf32, #tpu.memory_space<hbm>>
      %dma_wait3A_166 = arith.constant 0 : i32
      %dma_wait3A_167 = tpu.memref_slice %arg16[%mul3A_155, %dma_wait3A_166] : memref<10112x64xf32, #tpu.memory_space<vmem_shared>> -> memref<632x64xf32, #tpu.memory_space<vmem_shared>>
      tpu.wait_dma2 semaphore(%run_scoped3A : memref<!tpu.dma_semaphore, #tpu.memory_space<semaphore_mem>>) src(%dma_wait3A_167 : memref<632x64xf32, #tpu.memory_space<vmem_shared>>) dst(%dma_wait3A_165 : memref<632x64xf32, #tpu.memory_space<hbm>>)
      tpu.yield
    }) : () -> ()
    return
  }
}

module attributes {stable_mosaic.version = 14 : i64} {
  func.func @_tc1_body(%arg0: i32, %arg1: memref<10000x128xf32, #tpu.memory_space<vmem>>, %arg2: memref<2x10000x64xf32, #tpu.memory_space<vmem>>, %arg3: memref<2x10000x8xf32, #tpu.memory_space<vmem>>, %arg4: memref<128x128xf32, #tpu.memory_space<vmem>>, %arg5: memref<1x128xf32, #tpu.memory_space<vmem>>, %arg6: memref<10000x128xf32, #tpu.memory_space<vmem>>) attributes {dimension_semantics = [#tpu.dimension_semantics<arbitrary>], iteration_bounds = array<i64: 1>, scalar_prefetch = 0 : i64, scratch_operands = 0 : i64, tpu.core_type = #tpu.core_type<tc>, window_params = [{transform_indices = @transform_0, window_bounds = array<i64: 10000, 128>}, {transform_indices = @transform_1, window_bounds = array<i64: 2, 10000, 64>}, {transform_indices = @transform_2, window_bounds = array<i64: 2, 10000, 8>}, {pipeline_mode = #tpu.pipeline_mode<synchronous>, transform_indices = @transform_3, window_bounds = array<i64: 128, 128>}, {pipeline_mode = #tpu.pipeline_mode<synchronous>, transform_indices = @transform_4, window_bounds = array<i64: 1, 128>}, {transform_indices = @transform_5, window_bounds = array<i64: 10000, 128>}]} {
    %get3A = arith.constant 0 : index
    %get3A_0 = arith.constant 0 : index
    %get3A_1 = arith.constant 0 : index
    %get3A_2 = vector.load %arg3[%get3A, %get3A_0, %get3A_1] : memref<2x10000x8xf32, #tpu.memory_space<vmem>>, vector<1x10000x1xf32>
    %get3A_3 = vector.shape_cast %get3A_2 : vector<1x10000x1xf32> to vector<10000x1xf32>
    %get3A_4 = arith.constant 1 : index
    %get3A_5 = arith.constant 0 : index
    %get3A_6 = arith.constant 0 : index
    %get3A_7 = vector.load %arg3[%get3A_4, %get3A_5, %get3A_6] : memref<2x10000x8xf32, #tpu.memory_space<vmem>>, vector<1x10000x1xf32>
    %get3A_8 = vector.shape_cast %get3A_7 : vector<1x10000x1xf32> to vector<10000x1xf32>
    %add3A = arith.addf %get3A_3, %get3A_8 : vector<10000x1xf32>
    %max3A = arith.constant 1.000000e+00 : f32
    %max3A_9 = vector.broadcast %max3A : f32 to vector<10000x1xf32>
    %max3A_10 = arith.maximumf %add3A, %max3A_9 : vector<10000x1xf32>
    %get3A_11 = arith.constant 0 : index
    %get3A_12 = arith.constant 0 : index
    %get3A_13 = arith.constant 0 : index
    %get3A_14 = vector.load %arg2[%get3A_11, %get3A_12, %get3A_13] : memref<2x10000x64xf32, #tpu.memory_space<vmem>>, vector<1x10000x64xf32>
    %get3A_15 = vector.shape_cast %get3A_14 : vector<1x10000x64xf32> to vector<10000x64xf32>
    %get3A_16 = arith.constant 1 : index
    %get3A_17 = arith.constant 0 : index
    %get3A_18 = arith.constant 0 : index
    %get3A_19 = vector.load %arg2[%get3A_16, %get3A_17, %get3A_18] : memref<2x10000x64xf32, #tpu.memory_space<vmem>>, vector<1x10000x64xf32>
    %get3A_20 = vector.shape_cast %get3A_19 : vector<1x10000x64xf32> to vector<10000x64xf32>
    %concatenate3A = tpu.concatenate %get3A_15, %get3A_20 in 1 : vector<10000x64xf32>, vector<10000x64xf32> -> vector<10000x128xf32>
    %div3A = vector.broadcast %max3A_10 : vector<10000x1xf32> to vector<10000x128xf32>
    %div3A_21 = arith.divf %concatenate3A, %div3A : vector<10000x128xf32>
    %get3A_22 = arith.constant 0 : index
    %get3A_23 = arith.constant 0 : index
    %get3A_24 = vector.load %arg1[%get3A_22, %get3A_23] : memref<10000x128xf32, #tpu.memory_space<vmem>>, vector<10000x128xf32>
    %add3A_25 = arith.addf %get3A_24, %div3A_21 : vector<10000x128xf32>
    %get3A_26 = arith.constant 0 : index
    %get3A_27 = arith.constant 0 : index
    %get3A_28 = vector.load %arg4[%get3A_26, %get3A_27] : memref<128x128xf32, #tpu.memory_space<vmem>>, vector<128x128xf32>
    %dot_general3A = arith.constant dense<0.000000e+00> : vector<10000x128xf32>
    %dot_general3A_29 = tpu.matmul %add3A_25, %get3A_28, %dot_general3A {dimension_numbers = #tpu.dot_dimension_numbers<[1], [0], [0], [1], [0, 0, 1, 1], [], []>, transpose_lhs_hint = false} : vector<10000x128xf32>, vector<128x128xf32>, vector<10000x128xf32> -> vector<10000x128xf32>
    %get3A_30 = arith.constant 0 : index
    %get3A_31 = arith.constant 0 : index
    %get3A_32 = vector.load %arg5[%get3A_30, %get3A_31] : memref<1x128xf32, #tpu.memory_space<vmem>>, vector<1x128xf32>
    %add3A_33 = vector.broadcast %get3A_32 : vector<1x128xf32> to vector<10000x128xf32>
    %add3A_34 = arith.addf %dot_general3A_29, %add3A_33 : vector<10000x128xf32>
    %max3A_35 = arith.constant 0.000000e+00 : f32
    %max3A_36 = vector.broadcast %max3A_35 : f32 to vector<10000x128xf32>
    %max3A_37 = arith.maximumf %add3A_34, %max3A_36 : vector<10000x128xf32>
    %swap3A = arith.constant 0 : index
    %swap3A_38 = arith.constant 0 : index
    %swap3A_39 = vector.load %arg6[%swap3A, %swap3A_38] : memref<10000x128xf32, #tpu.memory_space<vmem>>, vector<10000x128xf32>
    tpu.vector_store %arg6[%swap3A, %swap3A_38], %max3A_37 {strides = array<i32>} : memref<10000x128xf32, #tpu.memory_space<vmem>>, vector<10000x128xf32>,
    return
  }
  func.func @transform_0(%arg0: i32) -> (i32, i32) {
    %c0_i32 = arith.constant 0 : i32
    %c0_i32_0 = arith.constant 0 : i32
    return %arg0, %c0_i32 : i32, i32
  }
  func.func @transform_1(%arg0: i32) -> (i32, i32, i32) {
    %c0_i32 = arith.constant 0 : i32
    %c0_i32_0 = arith.constant 0 : i32
    %c0_i32_1 = arith.constant 0 : i32
    return %c0_i32, %arg0, %c0_i32_0 : i32, i32, i32
  }
  func.func @transform_2(%arg0: i32) -> (i32, i32, i32) {
    %c0_i32 = arith.constant 0 : i32
    %c0_i32_0 = arith.constant 0 : i32
    %c0_i32_1 = arith.constant 0 : i32
    return %c0_i32, %arg0, %c0_i32_0 : i32, i32, i32
  }
  func.func @transform_3(%arg0: i32) -> (i32, i32) {
    %c0_i32 = arith.constant 0 : i32
    %c0_i32_0 = arith.constant 0 : i32
    %c0_i32_1 = arith.constant 0 : i32
    return %c0_i32, %c0_i32_0 : i32, i32
  }
  func.func @transform_4(%arg0: i32) -> (i32, i32) {
    %c0_i32 = arith.constant 0 : i32
    %c0_i32_0 = arith.constant 0 : i32
    %c0_i32_1 = arith.constant 0 : i32
    return %c0_i32, %c0_i32_0 : i32, i32
  }
  func.func @transform_5(%arg0: i32) -> (i32, i32) {
    %c0_i32 = arith.constant 0 : i32
    %c0_i32_0 = arith.constant 0 : i32
    return %arg0, %c0_i32 : i32, i32
  }
}

module attributes {stable_mosaic.version = 14 : i64} {
  func.func @_tc2_body(%arg0: i32, %arg1: memref<10000x128xf32, #tpu.memory_space<vmem>>, %arg2: memref<2x10000x64xf32, #tpu.memory_space<vmem>>, %arg3: memref<2x10000x8xf32, #tpu.memory_space<vmem>>, %arg4: memref<128x128xf32, #tpu.memory_space<vmem>>, %arg5: memref<1x128xf32, #tpu.memory_space<vmem>>, %arg6: memref<128x16xf32, #tpu.memory_space<vmem>>, %arg7: memref<1x16xf32, #tpu.memory_space<vmem>>, %arg8: memref<1x16xf32, #tpu.memory_space<vmem>>, %arg9: memref<1x128xf32, #tpu.memory_space<vmem>>) attributes {dimension_semantics = [#tpu.dimension_semantics<arbitrary>], iteration_bounds = array<i64: 1>, scalar_prefetch = 0 : i64, scratch_operands = 1 : i64, tpu.core_type = #tpu.core_type<tc>, window_params = [{transform_indices = @transform_0, window_bounds = array<i64: 10000, 128>}, {transform_indices = @transform_1, window_bounds = array<i64: 2, 10000, 64>}, {transform_indices = @transform_2, window_bounds = array<i64: 2, 10000, 8>}, {pipeline_mode = #tpu.pipeline_mode<synchronous>, transform_indices = @transform_3, window_bounds = array<i64: 128, 128>}, {pipeline_mode = #tpu.pipeline_mode<synchronous>, transform_indices = @transform_4, window_bounds = array<i64: 1, 128>}, {pipeline_mode = #tpu.pipeline_mode<synchronous>, transform_indices = @transform_5, window_bounds = array<i64: 128, 16>}, {pipeline_mode = #tpu.pipeline_mode<synchronous>, transform_indices = @transform_6, window_bounds = array<i64: 1, 16>}, {pipeline_mode = #tpu.pipeline_mode<synchronous>, transform_indices = @transform_7, window_bounds = array<i64: 1, 16>}]} {
    %get3A = arith.constant 0 : index
    %get3A_0 = arith.constant 0 : index
    %get3A_1 = arith.constant 0 : index
    %get3A_2 = vector.load %arg3[%get3A, %get3A_0, %get3A_1] : memref<2x10000x8xf32, #tpu.memory_space<vmem>>, vector<1x10000x1xf32>
    %get3A_3 = vector.shape_cast %get3A_2 : vector<1x10000x1xf32> to vector<10000x1xf32>
    %get3A_4 = arith.constant 1 : index
    %get3A_5 = arith.constant 0 : index
    %get3A_6 = arith.constant 0 : index
    %get3A_7 = vector.load %arg3[%get3A_4, %get3A_5, %get3A_6] : memref<2x10000x8xf32, #tpu.memory_space<vmem>>, vector<1x10000x1xf32>
    %get3A_8 = vector.shape_cast %get3A_7 : vector<1x10000x1xf32> to vector<10000x1xf32>
    %add3A = arith.addf %get3A_3, %get3A_8 : vector<10000x1xf32>
    %max3A = arith.constant 1.000000e+00 : f32
    %max3A_9 = vector.broadcast %max3A : f32 to vector<10000x1xf32>
    %max3A_10 = arith.maximumf %add3A, %max3A_9 : vector<10000x1xf32>
    %get3A_11 = arith.constant 0 : index
    %get3A_12 = arith.constant 0 : index
    %get3A_13 = vector.load %arg1[%get3A_11, %get3A_12] : memref<10000x128xf32, #tpu.memory_space<vmem>>, vector<10000x128xf32>
    %get3A_14 = arith.constant 0 : index
    %get3A_15 = arith.constant 0 : index
    %get3A_16 = arith.constant 0 : index
    %get3A_17 = vector.load %arg2[%get3A_14, %get3A_15, %get3A_16] : memref<2x10000x64xf32, #tpu.memory_space<vmem>>, vector<1x10000x64xf32>
    %get3A_18 = vector.shape_cast %get3A_17 : vector<1x10000x64xf32> to vector<10000x64xf32>
    %get3A_19 = arith.constant 1 : index
    %get3A_20 = arith.constant 0 : index
    %get3A_21 = arith.constant 0 : index
    %get3A_22 = vector.load %arg2[%get3A_19, %get3A_20, %get3A_21] : memref<2x10000x64xf32, #tpu.memory_space<vmem>>, vector<1x10000x64xf32>
    %get3A_23 = vector.shape_cast %get3A_22 : vector<1x10000x64xf32> to vector<10000x64xf32>
    %concatenate3A = tpu.concatenate %get3A_18, %get3A_23 in 1 : vector<10000x64xf32>, vector<10000x64xf32> -> vector<10000x128xf32>
    %div3A = vector.broadcast %max3A_10 : vector<10000x1xf32> to vector<10000x128xf32>
    %div3A_24 = arith.divf %concatenate3A, %div3A : vector<10000x128xf32>
    %add3A_25 = arith.addf %get3A_13, %div3A_24 : vector<10000x128xf32>
    %get3A_26 = arith.constant 0 : index
    %get3A_27 = arith.constant 0 : index
    %get3A_28 = vector.load %arg4[%get3A_26, %get3A_27] : memref<128x128xf32, #tpu.memory_space<vmem>>, vector<128x128xf32>
    %dot_general3A = arith.constant dense<0.000000e+00> : vector<10000x128xf32>
    %dot_general3A_29 = tpu.matmul %add3A_25, %get3A_28, %dot_general3A {dimension_numbers = #tpu.dot_dimension_numbers<[1], [0], [0], [1], [0, 0, 1, 1], [], []>, transpose_lhs_hint = false} : vector<10000x128xf32>, vector<128x128xf32>, vector<10000x128xf32> -> vector<10000x128xf32>
    %get3A_30 = arith.constant 0 : index
    %get3A_31 = arith.constant 0 : index
    %get3A_32 = vector.load %arg5[%get3A_30, %get3A_31] : memref<1x128xf32, #tpu.memory_space<vmem>>, vector<1x128xf32>
    %add3A_33 = vector.broadcast %get3A_32 : vector<1x128xf32> to vector<10000x128xf32>
    %add3A_34 = arith.addf %dot_general3A_29, %add3A_33 : vector<10000x128xf32>
    %reduce_max3A = arith.constant dense<0xFF800000> : vector<128xf32>
    %reduce_max3A_35 = vector.multi_reduction <maximumf>, %add3A_34, %reduce_max3A [0] : vector<10000x128xf32> to vector<128xf32>
    %broadcast_in_dim3A = vector.shape_cast %reduce_max3A_35 : vector<128xf32> to vector<1x128xf32>
    %eq3A = arith.constant 0 : i32
    %eq3A_36 = arith.cmpi eq, %arg0, %eq3A : i32
    %convert_element_type3A = arith.extui %eq3A_36 : i1 to i32
    %cond3A = arith.constant 0 : i32
    %cond3A_37 = arith.cmpi ne, %convert_element_type3A, %cond3A : i32
    scf.if %cond3A_37 {
      %swap3A = arith.constant 0 : index
      %swap3A_47 = arith.constant 0 : index
      %swap3A_48 = vector.load %arg9[%swap3A, %swap3A_47] : memref<1x128xf32, #tpu.memory_space<vmem>>, vector<1x128xf32>
      tpu.vector_store %arg9[%swap3A, %swap3A_47], %broadcast_in_dim3A {strides = array<i32>} : memref<1x128xf32, #tpu.memory_space<vmem>>, vector<1x128xf32>,
    } else {
    }
    %gt3A = arith.constant 0 : i32
    %gt3A_38 = arith.cmpi sgt, %arg0, %gt3A : i32
    %convert_element_type3A_39 = arith.extui %gt3A_38 : i1 to i32
    %cond3A_40 = arith.constant 0 : i32
    %cond3A_41 = arith.cmpi ne, %convert_element_type3A_39, %cond3A_40 : i32
    scf.if %cond3A_41 {
      %get3A_47 = arith.constant 0 : index
      %get3A_48 = arith.constant 0 : index
      %get3A_49 = vector.load %arg9[%get3A_47, %get3A_48] : memref<1x128xf32, #tpu.memory_space<vmem>>, vector<1x128xf32>
      %max3A_50 = arith.maximumf %get3A_49, %broadcast_in_dim3A : vector<1x128xf32>
      %swap3A = arith.constant 0 : index
      %swap3A_51 = arith.constant 0 : index
      %swap3A_52 = vector.load %arg9[%swap3A, %swap3A_51] : memref<1x128xf32, #tpu.memory_space<vmem>>, vector<1x128xf32>
      tpu.vector_store %arg9[%swap3A, %swap3A_51], %max3A_50 {strides = array<i32>} : memref<1x128xf32, #tpu.memory_space<vmem>>, vector<1x128xf32>,
    } else {
    }
    %eq3A_42 = arith.constant 0 : i32
    %eq3A_43 = arith.cmpi eq, %arg0, %eq3A_42 : i32
    %convert_element_type3A_44 = arith.extui %eq3A_43 : i1 to i32
    %cond3A_45 = arith.constant 0 : i32
    %cond3A_46 = arith.cmpi ne, %convert_element_type3A_44, %cond3A_45 : i32
    scf.if %cond3A_46 {
      %get3A_47 = arith.constant 0 : index
      %get3A_48 = arith.constant 0 : index
      %get3A_49 = vector.load %arg9[%get3A_47, %get3A_48] : memref<1x128xf32, #tpu.memory_space<vmem>>, vector<1x128xf32>
      %get3A_50 = arith.constant 0 : index
      %get3A_51 = arith.constant 0 : index
      %get3A_52 = vector.load %arg6[%get3A_50, %get3A_51] : memref<128x16xf32, #tpu.memory_space<vmem>>, vector<128x16xf32>
      %dot_general3A_53 = arith.constant dense<0.000000e+00> : vector<1x16xf32>
      %dot_general3A_54 = tpu.matmul %get3A_49, %get3A_52, %dot_general3A_53 {dimension_numbers = #tpu.dot_dimension_numbers<[1], [0], [0], [1], [0, 0, 1, 1], [], []>, transpose_lhs_hint = false} : vector<1x128xf32>, vector<128x16xf32>, vector<1x16xf32> -> vector<1x16xf32>
      %get3A_55 = arith.constant 0 : index
      %get3A_56 = arith.constant 0 : index
      %get3A_57 = vector.load %arg7[%get3A_55, %get3A_56] : memref<1x16xf32, #tpu.memory_space<vmem>>, vector<1x16xf32>
      %add3A_58 = arith.addf %dot_general3A_54, %get3A_57 : vector<1x16xf32>
      %swap3A = arith.constant 0 : index
      %swap3A_59 = arith.constant 0 : index
      %swap3A_60 = vector.load %arg8[%swap3A, %swap3A_59] : memref<1x16xf32, #tpu.memory_space<vmem>>, vector<1x16xf32>
      tpu.vector_store %arg8[%swap3A, %swap3A_59], %add3A_58 {strides = array<i32>} : memref<1x16xf32, #tpu.memory_space<vmem>>, vector<1x16xf32>,
    } else {
    }
    return
  }
  func.func @transform_0(%arg0: i32) -> (i32, i32) {
    %c0_i32 = arith.constant 0 : i32
    %c0_i32_0 = arith.constant 0 : i32
    return %arg0, %c0_i32 : i32, i32
  }
  func.func @transform_1(%arg0: i32) -> (i32, i32, i32) {
    %c0_i32 = arith.constant 0 : i32
    %c0_i32_0 = arith.constant 0 : i32
    %c0_i32_1 = arith.constant 0 : i32
    return %c0_i32, %arg0, %c0_i32_0 : i32, i32, i32
  }
  func.func @transform_2(%arg0: i32) -> (i32, i32, i32) {
    %c0_i32 = arith.constant 0 : i32
    %c0_i32_0 = arith.constant 0 : i32
    %c0_i32_1 = arith.constant 0 : i32
    return %c0_i32, %arg0, %c0_i32_0 : i32, i32, i32
  }
  func.func @transform_3(%arg0: i32) -> (i32, i32) {
    %c0_i32 = arith.constant 0 : i32
    %c0_i32_0 = arith.constant 0 : i32
    %c0_i32_1 = arith.constant 0 : i32
    return %c0_i32, %c0_i32_0 : i32, i32
  }
  func.func @transform_4(%arg0: i32) -> (i32, i32) {
    %c0_i32 = arith.constant 0 : i32
    %c0_i32_0 = arith.constant 0 : i32
    %c0_i32_1 = arith.constant 0 : i32
    return %c0_i32, %c0_i32_0 : i32, i32
  }
  func.func @transform_5(%arg0: i32) -> (i32, i32) {
    %c0_i32 = arith.constant 0 : i32
    %c0_i32_0 = arith.constant 0 : i32
    %c0_i32_1 = arith.constant 0 : i32
    return %c0_i32, %c0_i32_0 : i32, i32
  }
  func.func @transform_6(%arg0: i32) -> (i32, i32) {
    %c0_i32 = arith.constant 0 : i32
    %c0_i32_0 = arith.constant 0 : i32
    %c0_i32_1 = arith.constant 0 : i32
    return %c0_i32, %c0_i32_0 : i32, i32
  }
  func.func @transform_7(%arg0: i32) -> (i32, i32) {
    %c0_i32 = arith.constant 0 : i32
    %c0_i32_0 = arith.constant 0 : i32
    %c0_i32_1 = arith.constant 0 : i32
    return %c0_i32, %c0_i32_0 : i32, i32
  }
}

</mosaic_0001>

<sc_bundles>
// kernel: kernel.6.cloned.1.call-start
scs
__scs_entry_jumppad:
0x0: {  	(pc) =	sbr.rel $0x88, $3  }
0x1: {  	(tag) =	ssettag $0x0;
	lr =	simm.s32 $0x1  }
0x2: {  	[smem:$0x3F99] =	sst lr;
	_ =	strace $0xD0000000  }
0x3: {  	_ = 	snop  }
0x4: {  	_ = 	snop  }
0x5: {  	_ = 	snop  }
0x6: {  	_ = 	snop  }
0x7: {  	_ = 	snop  }
__scs_overlays_trampoline_lowered:
0x8: {  	[smem:$0x3FA8] =	sst s0  }
0x9: {  	[smem:$0x3FA9] =	sst s1  }
0xa: {  	[smem:$0x3FAA] =	sst s2  }
0xb: {  	[smem:$0x3FAB] =	sst s3  }
0xc: {  	[smem:$0x3FAC] =	sst s4  }
0xd: {  	[smem:$0x3FAD] =	sst s5  }
0xe: {  	[smem:$0x3FAE] =	sst s6  }
0xf: {  	[smem:$0x3FAF] =	sst s7  }
0x10: {  	[smem:$0x3FB0] =	sst s8  }
0x11: {  	[smem:$0x3FB1] =	sst s9;
	s0 =	simm.s32 @!p0 $0x0  }
0x12: {  	s1 =	sld [smem:$0x3F97];
	s0 =	simm.s32 @p0 $0x1  }
0x13: {  	[smem:$0x3FB2] =	sst s0;
	s0 =	simm.s32 @!p1 $0x0  }
0x14: {  	s2 =	sld [smem:$0x3F96];
	s0 =	simm.s32 @p1 $0x1  }
0x15: {  	[smem:$0x3FB3] =	sst s0;
	s0 =	simm.s32 @!p2 $0x0  }
0x16: {  	s3 =	sld [smem:$0x3FDB];
	s0 =	simm.s32 @p2 $0x1  }
0x17: {  	s4 =	simm.s32 $0x1BF5;
	[smem:$0x3FB5] =	sst s0  }
0x18: {  	s0 =	sld [smem:$0x3F98];
	_ =	swait.ge [sflag:s4], $0x0  }
0x19: {  	s7 =	sld [smem:$0x3F99]  }
0x1a: {  	s8 =	sadd.s32 $0xFFFFE003, lr  }
0x1b: {  	s9 =	sadd.s32 $0xFFFFFEF7, lr;
	s5 =	simm.s32 $0xFFFFFFFF;
	p2 =	slt.u32 s8, $0xFFFFF086  }
0x1c: {  	p1 =	slt.u32 s9, $0xF7A;
	s5 =	simm.s32 @!p2 $0x0  }
0x1d: {  	s5 =	simm.s32 @p1 $0x1;
	p0 =	seq.s32 s7, s2  }
0x1e: {  	s7 =	smul.u32 @!p0 $0xF7A, s2;
	p2 =	seq.s32 @!p0 s5, $0x0  }
0x1f: {  	s9 =	smul.u32 $0xF7A, s1;
	s8 =	simm.s32 @!p0 $0x1BF5;
	p2 =	por !p2, p0  }
0x20: {  	[sflag:s8] =	ssyncset.s32 @!p0 $0xFFFFF086;
	s6 =	sadd.s32 @!p0 s3, s7;
	s7 =	simm.s32 @!p0 $0x108  }
0x21: {  	s3 =	sadd.s32 s3, s9;
	s6 =	sadd.s32 @!p0 $0x88, s6;
	s7 =	simm.s32 @p2 $0x1082  }
0x22: {  	[simem:s7], [sflag:s8] =	dma.local @!p0 [hbm:s6], $0xF7A  }
0x23: {  	s9 =	sor.u32 $0xD0000000, s2;
	s6 =	simm.s32 $0x108;
	_ =	swait.ge @!p0 [sflag:s8], $0x0  }
0x24: {  	s3 =	sadd.s32 $0x88, s3;
	s6 =	simm.s32 @!p1 $0x1082;
	[sflag:s4] =	ssyncset.s32 $0xFFFFF086  }
0x25: {  	[simem:s6], [sflag:s4] =	dma.local [hbm:s3], $0xF7A  }
0x26: {  	[smem:$0x3F99] =	sst s1;
	(tag) =	ssettag s2;
	_ =	strace s9  }
0x27: {  	s1 =	sld [smem:$0x3FA9]  }
0x28: {  	s2 =	sld [smem:$0x3FAA]  }
0x29: {  	s4 =	sld [smem:$0x3FAC]  }
0x2a: {  	p0 =	seq.s32 s5, $0x0;
	s5 =	sld [smem:$0x3FAD]  }
0x2b: {  	s6 =	sld [smem:$0x3FAE]  }
0x2c: {  	s7 =	sld [smem:$0x3FAF]  }
0x2d: {  	s3 =	simm.s32 $0x108;
	s8 =	sld [smem:$0x3FB0]  }
0x2e: {  	s3 =	simm.s32 @!p0 $0x1082;
	s9 =	sld [smem:$0x3FB1]  }
0x2f: {  	lr =	sadd.s32 s0, s3;
	s0 =	sld [smem:$0x3FA8]  }
0x30: {  	s3 =	sld [smem:$0x3FAB]  }
0x31: {  	[smem:$0x3FB4] =	sst s10  }
0x32: {  	s10 =	sld [smem:$0x3FB2];
	_ =	sdelay $0x3  }
0x33: {  	p0 =	seq.s32 s10, $0x1;
	s10 =	sld [smem:$0x3FB4];
	_ =	sdelay $0x3  }
0x34: {  	[smem:$0x3FB4] =	sst s10  }
0x35: {  	s10 =	sld [smem:$0x3FB3];
	_ =	sdelay $0x3  }
0x36: {  	p1 =	seq.s32 s10, $0x1;
	s10 =	sld [smem:$0x3FB4];
	_ =	sdelay $0x3  }
0x37: {  	[smem:$0x3FB4] =	sst s10  }
0x38: {  	s10 =	sld [smem:$0x3FB5]  }
0x39: {  	_ = 	snop;
	(pc) =	sbr.ind lr, $3  }
0x3a: {  	_ = 	snop  }
0x3b: {  	_ = 	snop  }
0x3c: {  	p2 =	seq.s32 s10, $0x1;
	s10 =	sld [smem:$0x3FB4]  }
0x3d: {  	_ =	shalt  }
0x3e: {  	_ =	shalt  }
0x3f: {  	_ =	shalt  }
0x40: {  	_ =	shalt  }
0x41: {  	_ =	shalt  }
0x42: {  	_ =	shalt  }
0x43: {  	_ =	shalt  }
0x44: {  	_ =	shalt  }
0x45: {  	_ =	shalt  }
0x46: {  	_ =	shalt  }
0x47: {  	_ =	shalt  }
0x48: {  	_ =	shalt  }
0x49: {  	_ =	shalt  }
0x4a: {  	_ =	shalt  }
0x4b: {  	_ =	shalt  }
0x4c: {  	_ =	shalt  }
0x4d: {  	_ =	shalt  }
0x4e: {  	_ =	shalt  }
0x4f: {  	_ =	shalt  }
0x50: {  	_ =	shalt  }
0x51: {  	_ =	shalt  }
0x52: {  	_ =	shalt  }
0x53: {  	_ =	shalt  }
0x54: {  	_ =	shalt  }
0x55: {  	_ =	shalt  }
0x56: {  	_ =	shalt  }
0x57: {  	_ =	shalt  }
0x58: {  	_ =	shalt  }
0x59: {  	_ =	shalt  }
0x5a: {  	_ =	shalt  }
0x5b: {  	_ =	shalt  }
0x5c: {  	_ =	shalt  }
0x5d: {  	_ =	shalt  }
0x5e: {  	_ =	shalt  }
0x5f: {  	_ =	shalt  }
0x60: {  	_ =	shalt  }
0x61: {  	_ =	shalt  }
0x62: {  	_ =	shalt  }
0x63: {  	_ =	shalt  }
0x64: {  	_ =	shalt  }
0x65: {  	_ =	shalt  }
0x66: {  	_ =	shalt  }
0x67: {  	_ =	shalt  }
0x68: {  	_ =	shalt  }
0x69: {  	_ =	shalt  }
0x6a: {  	_ =	shalt  }
0x6b: {  	_ =	shalt  }
0x6c: {  	_ =	shalt  }
0x6d: {  	_ =	shalt  }
0x6e: {  	_ =	shalt  }
0x6f: {  	_ =	shalt  }
0x70: {  	_ =	shalt  }
0x71: {  	_ =	shalt  }
0x72: {  	_ =	shalt  }
0x73: {  	_ =	shalt  }
0x74: {  	_ =	shalt  }
0x75: {  	_ =	shalt  }
0x76: {  	_ =	shalt  }
0x77: {  	_ =	shalt  }
0x78: {  	_ =	shalt  }
0x79: {  	_ =	shalt  }
0x7a: {  	_ =	shalt  }
0x7b: {  	_ =	shalt  }
0x7c: {  	_ =	shalt  }
0x7d: {  	_ =	shalt  }
0x7e: {  	_ =	shalt  }
0x7f: {  	_ =	shalt  }
0x80: {  	_ =	shalt  }
0x81: {  	_ =	shalt  }
0x82: {  	_ =	shalt  }
0x83: {  	_ =	shalt  }
0x84: {  	_ =	shalt  }
0x85: {  	_ =	shalt  }
0x86: {  	_ =	shalt  }
0x87: {  	_ =	shalt  }
.Lfunc_end0:
.L_simem_size_0:
called_computation_lowered:
.L_overlay_start_0:
0x88: {  	s2 =	sld [smem:$0x3FD9]  }
0x89: {  	s3 =	sld [smem:$0x3FFE];
	_ =	sdelay $0x1  }
0x8a: {  	s1 =	srdreg.scid  }
0x8b: {  	s0 =	sand.u32 $0x1, s1  }
0x8c: {  	s16 =	sshll.u32 s0, $0xA;
	s2 =	sadd.s32 s3, s2  }
0x8d: {  	s2 =	sadd.s32 s2, s16  }
0x8e: {  	[smem:$0x3FC0] =	sst s2  }
0x8f: {  	_ = 	snop  }
0x90: {  	(tm) =	ssettm $0x1  }
0x91: {  	s17 =	sld [smem:$0x3FFB];
	_ =	sdelay $0x3  }
0x92: {  	_ =	strace s17  }
0x93: {  	s2 =	sld [smem:$0x3FFC];
	_ =	sdelay $0x3  }
0x94: {  	_ =	strace s2  }
0x95: {  	s2 =	sld [smem:$0x3FFD];
	_ =	sdelay $0x3  }
0x96: {  	_ =	strace s2  }
0x97: {  	_ =	strace $0x8FFFFFFF  }
0x98: {  	s18 =	sld [smem:$0x3FDB];
	_ =	sdelay $0x1  }
0x99: {  	s19 =	simm.s32 $_scs_section_size  }
0x9a: {  	s4 =	simm.s32 $_size__tile_overlayer_lowered;
	s5 =	simm.s32 $_tile_overlayer_lowered  }
0x9b: {  	s22 =	simm.s32 $0x1BFF;
	s21 =	sshll.u32 s5, $0x1;
	s2 =	sadd.s32 s19, s18  }
0x9c: {  	s6 =	simm.s32 $0x0;
	s20 =	sshll.u32 s4, $0x1;
	s4 =	sadd.s32 s21, s2  }
0x9d: {  	[timem:s6], [sflag:s22] =	dma.local [hbm:s4], s20  }
0x9e: {  	_ =	swait.ge [sflag:s22], s20  }
0x9f: {  	s3 =	ssub.s32 $0x0, s20;
	[sflag:s22] =	ssyncset.done $0x0  }
0xa0: {  	[sflag:s22] =	ssyncadd.s32 s3;
	_ =	sdelay $0x1  }
0xa1: {  	s23 =	simm.s32 $0x1B8B  }
0xa2: {  	_ =	swait.ge [sflag:s23], $0x1  }
0xa3: {  	[sflag:s23] =	ssyncset.done $0x0  }
0xa4: {  	s25 =	simm.s32 $0x1B8E;
	s24 =	sld [smem:$0x3FFE];
	[sflag:s23] =	ssyncadd.s32 $0xFFFFFFFF  }
0xa5: {  	s26 =	simm.s32 $execute0_lowered;
	[smem:$0x3FD2] =	sst s25  }
0xa6: {  	s4 =	sshll.u32 s26, $0x1;
	_ =	strace $0x80000046;
	[dreg:$0x1] =	wrdreg $0xFFFFFFFF  }
0xa7: {  	s28 =	simm.s32 $_size_execute0_lowered;
	s2 =	sadd.s32 s2, s4;
	[dreg:$0x0] =	wrdreg $0x0  }
0xa8: {  	s4 =	sshll.u32 s28, $0x1;
	[dreg:$0x2] =	wrdreg s2  }
0xa9: {  	[dreg:$0x3] =	wrdreg s4  }
0xaa: {  	[dreg:$0x4] =	wrdreg $0xC0  }
0xab: {  	_ =	task [dreg:s6], $0x5FFFF  }
0xac: {  	[dreg:$0x1] =	wrdreg $0xFFFFFFFF  }
0xad: {  	[dreg:$0x0] =	wrdreg $0x60  }
0xae: {  	[dreg:$0x2] =	wrdreg s24  }
0xaf: {  	[dreg:$0x3] =	wrdreg $0xF2800  }
0xb0: {  	[dreg:$0x4] =	wrdreg $0x194800  }
0xb1: {  	[dreg:$0x5] =	wrdreg $0x9  }
0xb2: {  	_ =	task.clear_ibuf [dreg:s6], $0x6FFFF;
	_ =	strace $0x90000046  }
0xb3: {  	s29 =	simm.s32 $0x9;
	_ =	strace $0x80000048  }
0xb4: {  	_ =	swait.ge [sflag:s29], $0x1  }
0xb5: {  	[sflag:s29] =	ssyncadd.s32 $0xFFFFFFFF  }
0xb6: {  	_ =	strace $0x90000048  }
0xb7: {  	_ =	sfence  }
0xb8: {  	s30 =	sld [smem:$0x0];
	_ =	sdelay $0x2  }
0xb9: {  	s31 =	sshll.u32 s1, $0xD;
	s1 =	sshrl.u32 s1, $0x2  }
0xba: {  	s3 =	sand.u32 $0x4000, s31;
	s1 =	sadd.s32 s1, s30  }
0xbb: {  	s0 =	sor.u32 s3, s0;
	s1 =	sshll.u32 s1, $0x11  }
0xbc: {  	s0 =	sor.u32 s1, s0  }
0xbd: {  	s0 =	sadd.s32 $0x8F2B, s0  }
0xbe: {  	[sflag:s0] =	ssyncadd.remote.s32 $0x1  }
0xbf: {  	_ =	sfence.sel $0xFFFF  }
0xc0: {  	[dreg:$0x0] =	wrdreg $0xFFFFFFFF;
	(pc) =	sbr.abs _section_cstart, $3  }
0xc1: {  	[dreg:$0x1] =	wrdreg $0xFFFFFFFF  }
0xc2: {  	_ =	task.clear_ibuf [dreg:s6], $0x2FFFF;
	_ =	strace $0x9FFFFFFF  }
0xc3: {  	(tm) =	ssettm $0x7FFFFFFF  }
tec
execute0_lowered:
.L_overlay_start_1:
0x0: {  	(tag) =	ssettag $0x1  }
0x1: {  	s0 =	rddreg [dreg:$0x0]  }
0x2: {  	s1 =	rddreg [dreg:$0x1];
	s2 =	srdreg.scid  }
0x3: {  	s4 =	rddreg [dreg:$0x2];
	s14 =	stileid.u32;
	s6 =	simm.s32 $0x0  }
0x4: {  	s29 =	simm.s32 $0x100;
	s31 =	simm.s32 $0x180;
	s3 =	smul.u32 $0x5000, s14  }
0x5: {  	s30 =	simm.s32 $0x200;
	s15 =	simm.s32 $0xD280;
	s16 =	smul.u32 $0x9E00, s14  }
0x6: {  	s5 =	sand.u32 $0x1, s2;
	[smem:$0x7FF] =	sst s6;
	s9 =	smul.u32 $0x13C0, s14  }
0x7: {  	s8 =	sadd.s32 $0x32600, s0;
	s11 =	sadd.s32 $0x3C600, s0;
	s25 =	smul.u32 $0xA00, s14  }
0x8: {  	s12 =	sadd.s32 $0x3DA00, s0;
	s18 =	sadd.s32 $0x3DE00, s0;
	s2 =	smul.u32 $0x13880, s5  }
0x9: {  	_ =	strace $0x80000047;
	s7 =	smul.u32 $0x9E000, s5;
	[dreg:$0x4] =	wrdreg s11  }
0xa: {  	s14 =	simm.s32 $0x5;
	s17 =	smul.u32 $0x13C00, s5;
	[dreg:$0x5] =	wrdreg s12  }
0xb: {  	[dreg:$0x6] =	wrdreg s18;
	s19 =	ssub.s32 $0x2, s5;
	s12 =	simm.s32 $0xB  }
0xc: {  	s3 =	sshrl.u32 s3, $0x3;
	s13 =	sshrl.u32 s19, $0x1;
	s6 =	sadd.s32 s16, s1  }
0xd: {  	s21 =	sadd.s32 s9, s4;
	s2 =	sadd.s32 s2, s0;
	s10 =	sadd.s32 s3, s0  }
0xe: {  	s7 =	sadd.s32 s16, s7;
	s11 =	sadd.s32 s9, s17;
	[dreg:$0x8] =	wrdreg s6  }
0xf: {  	s20 =	ssub.s32 s19, s13;
	[dreg:$0x9] =	wrdreg s21;
	s3 =	sadd.s32 s8, s3  }
0x10: {  	s13 =	simm.s32 $0x10;
	s17 =	simm.s32 $0x5280;
	s9 =	simm.s32 $0x4  }
0x11: {  	s16 =	simm.s32 $0x9;
	s10 =	sadd.s32 $0x28600, s10;
	[dreg:$0xa] =	wrdreg s3  }
0x12: {  	s7 =	sshrl.u32 s7, $0x3;
	s22 =	sadd.s32 $0x10, s3;
	[dreg:$0x7] =	wrdreg s10  }
0x13: {  	s11 =	sshrl.u32 s11, $0x3;
	s23 =	sadd.s32 $0x20, s3;
	[dreg:$0xb] =	wrdreg s22  }
0x14: {  	s24 =	sadd.s32 $0x30, s3;
	s3 =	sadd.s32 $0x40, s3;
	[dreg:$0xc] =	wrdreg s23  }
0x15: {  	s18 =	sadd.s32 $0x1400, s2;
	s28 =	smax.u32 s20, $0x1;
	[dreg:$0xd] =	wrdreg s24  }
0x16: {  	s2 =	simm.s32 $0x7280;
	s7 =	sadd.s32 s7, s0;
	[dreg:$0xe] =	wrdreg s3  }
0x17: {  	s0 =	sadd.s32 s11, s0;
	[dreg:$0x11] =	wrdreg s28;
	s22 =	sadd.s32 s25, s8  }
0x18: {  	s23 =	simm.s32 $0x6;
	s25 =	simm.s32 $0x3;
	s8 =	simm.s32 $0x7  }
0x19: {  	s10 =	simm.s32 $0xB280;
	s11 =	simm.s32 $0x8;
	s26 =	sadd.s32 $0x43000, s7  }
0x1a: {  	s3 =	simm.s32 $0x0;
	s0 =	sadd.s32 $0x3E000, s0;
	[dreg:$0xf] =	wrdreg s26  }
0x1b: {  	s7 =	simm.s32 $0x9280;
	[dreg:$0x10] =	wrdreg s0;
	s26 =	simm.s32 $0x80  }
.LBB2_1:
0x1c: {  	[dreg:$0x12] =	wrdreg s3  }
0x1d: {  	s3 =	simm.s32 $0x0;
	s0 =	rddreg [dreg:$0x7];
	s6 =	simm.s32 $0x280  }
0x1e: {  	[tilespmem:s6], [sflag:$0x10] =	stream.linear.gather [hbm4b:s0+s3], $0x5000, $0x38;
	[tilespmem:$0x1A840] =	vst v63  }
0x1f: {  	s20 =	stileid.u32;
	_ =	swait.ge [sflag:s13], $0x5000  }
0x20: {  	s0 =	sshll.u32 s20, $0x6;
	s21 =	rddreg [dreg:$0x8]  }
0x21: {  	[sflag:s13] =	ssyncset.done $0x0;
	s28 =	rddreg [dreg:$0x4];
	s24 =	sshrl.u32 s21, $0x3  }
0x22: {  	s19 =	sor.u32 $0x1C10, s0;
	[sflag:s13] =	ssyncadd.s32 $0xFFFFB000;
	[dreg:$0x14] =	wrdreg s24  }
0x23: {  	[spmem:s24], [sflag:s19] =	dma.local [hbm:s28], $0x13C0  }
0x24: {  	_ =	swait.ge [sflag:s13], $0x13C0  }
0x25: {  	[sflag:s13] =	ssyncset.done $0x0  }
0x26: {  	s20 =	simm.s32 $0x19080;
	s6 =	rddreg [dreg:$0x6];
	[sflag:s13] =	ssyncadd.s32 $0xFFFFEC40  }
0x27: {  	[tilespmem:s20], [sflag:$0x10] =	stream.linear.gather [hbm4b:s6+s3], $0x400, $0x38;
	[tilespmem:$0x1A840] =	vst v63  }
0x28: {  	_ =	swait.ge [sflag:s13], $0x400;
	[dreg:$0x13] =	wrdreg s19  }
0x29: {  	s21 =	rddreg [dreg:$0x9]  }
0x2a: {  	[sflag:s13] =	ssyncset.done $0x0;
	s28 =	rddreg [dreg:$0x5];
	s24 =	sshrl.u32 s21, $0x3  }
0x2b: {  	[sflag:s13] =	ssyncadd.s32 $0xFFFFFC00;
	[dreg:$0x15] =	wrdreg s24  }
0x2c: {  	[spmem:s24], [sflag:s19] =	dma.local [hbm:s28], $0x278  }
0x2d: {  	_ =	swait.ge [sflag:s13], $0x278  }
0x2e: {  	[sflag:s13] =	ssyncset.done $0x0  }
0x2f: {  	[sflag:s13] =	ssyncadd.s32 $0xFFFFFD88  }
0x30: {  	[bflag:$0x0] =	sbarrier.arrive $0xFFFF  }
0x31: {  	s19 =	rddreg [dreg:$0xa]  }
0x32: {  	[tilespmem:s3], [sflag:$0x1] =	stream.linear.gather [hbm4b:s19+s3], $0x80, $0x38;
	[tilespmem:$0x1A840] =	vst v63  }
0x33: {  	s20 =	rddreg [dreg:$0xb]  }
0x34: {  	[tilespmem:s26], [sflag:$0x2] =	stream.linear.gather [hbm4b:s20+s3], $0x80, $0x38;
	[tilespmem:$0x1A840] =	vst v63  }
0x35: {  	s21 =	rddreg [dreg:$0xc]  }
0x36: {  	[tilespmem:s29], [sflag:$0x3] =	stream.linear.gather [hbm4b:s21+s3], $0x80, $0x38;
	[tilespmem:$0x1A840] =	vst v63  }
0x37: {  	s24 =	rddreg [dreg:$0xd]  }
0x38: {  	[tilespmem:s31], [sflag:$0x4] =	stream.linear.gather [hbm4b:s24+s3], $0x80, $0x38;
	[tilespmem:$0x1A840] =	vst v63  }
0x39: {  	s28 =	rddreg [dreg:$0xe];
	s20 =	simm.s32 $0x1  }
0x3a: {  	[tilespmem:s30], [sflag:$0x5] =	stream.linear.gather [hbm4b:s28+s3], $0x80, $0x38;
	[tilespmem:$0x1A840] =	vst v63  }
0x3b: {  	_ =	swait.ge [sflag:s20], $0x80  }
0x3c: {  	[sflag:s20] =	ssyncset.done $0x0  }
0x3d: {  	s31 =	simm.s32 $0x2;
	[sflag:s20] =	ssyncadd.s32 $0xFFFFFF80  }
0x3e: {  	[tilespmem:s17], [sflag:$0x6] =	stream.indirect.gather [hbm4b:s18+s26], $0x40, s3, s26, $0xb8;
	[tilespmem:$0x1A840] =	vst v63  }
0x3f: {  	_ =	swait.ge [sflag:s31], $0x80  }
0x40: {  	[sflag:s31] =	ssyncset.done $0x0  }
0x41: {  	s6 =	simm.s32 $0x0;
	s21 =	simm.s32 $0x480;
	[sflag:s31] =	ssyncadd.s32 $0xFFFFFF80  }
0x42: {  	[tilespmem:s2], [sflag:$0x7] =	stream.indirect.gather [hbm4b:s18+s26], $0x40, s26, s26, $0xb8;
	[tilespmem:$0x1A840] =	vst v63  }
.LBB2_2:
0x43: {  	_ =	swait.ge [sflag:s23], $0x2000;
	p0 =	seq.s32 s6, $0x9B0;
	s24 =	sadd.s32 $0xFFFFFFFF, s20  }
0x44: {  	[sflag:s23] =	ssyncset.done $0x0;
	s3 =	sadd.s32 @!p0 s6, s22;
	s28 =	simm.s32 @!p0 $0x0  }
0x45: {  	s19 =	sand.u32 $0x1, s24;
	[sflag:s23] =	ssyncadd.s32 $0xFFFFE000;
	s0 =	sadd.s32 @!p0 $0x50, s3  }
0x46: {  	[tilespmem:s28], [sflag:$0x1] =	stream.linear.gather @!p0 [hbm4b:s0+s28], $0x80, $0x38;
	[tilespmem:$0x1A840] =	vst v63  }
0x47: {  	s13 =	sadd.s32 $0xFFFFFE00, s21;
	p1 =	sne.s32 s5, s19  }
0x48: {  	[spmem:s1] =	stream.indirect.scatter.add.f32 [tilespmem:s17], [sflag:$0xB], $0x40, s13, s26, $0xb8;
	[tilespmem:$0x1A840] =	vst v63  }
0x49: {  	s0 =	simm.s32 @!p1 $0x19080;
	s19 =	simm.s32 @!p1 $0x10;
	s17 =	simm.s32 @!p1 $0x80  }
0x4a: {  	[spmem:s4] =	stream.indirect.scatter.add.f32 @!p1 [tilespmem:s0], [sflag:$0x10], $0x8, s13, s17, $0xb8;
	[tilespmem:$0x1A840] =	vst v63  }
0x4b: {  	_ =	swait.ge @!p1 [sflag:s19], $0x400  }
0x4c: {  	p2 =	seq.s32 s6, $0x0;
	[sflag:s19] =	ssyncset.done @!p1 $0x0  }
0x4d: {  	s13 =	simm.s32 @!p2 $0xE;
	[sflag:s19] =	ssyncadd.s32 @!p1 $0xFFFFFC00  }
0x4e: {  	_ =	swait.ge @!p2 [sflag:s13], $0x2000  }
0x4f: {  	[sflag:s13] =	ssyncset.done @!p2 $0x0  }
0x50: {  	[sflag:s13] =	ssyncadd.s32 @!p2 $0xFFFFE000  }
0x51: {  	_ =	swait.ge [sflag:s25], $0x80  }
0x52: {  	[sflag:s25] =	ssyncset.done $0x0  }
0x53: {  	[sflag:s25] =	ssyncadd.s32 $0xFFFFFF80  }
0x54: {  	[tilespmem:s7], [sflag:$0x8] =	stream.indirect.gather [hbm4b:s18+s26], $0x40, s29, s26, $0xb8;
	[tilespmem:$0x1A840] =	vst v63  }
0x55: {  	_ =	swait.ge [sflag:s8], $0x2000  }
0x56: {  	s30 =	sand.u32 $0x1, s20;
	[sflag:s8] =	ssyncset.done $0x0  }
0x57: {  	s13 =	simm.s32 @!p0 $0x80;
	s29 =	sadd.s32 @!p0 $0x60, s3;
	[sflag:s8] =	ssyncadd.s32 $0xFFFFE000  }
0x58: {  	[tilespmem:s13], [sflag:$0x2] =	stream.linear.gather @!p0 [hbm4b:s29+s28], $0x80, $0x38;
	[tilespmem:$0x1A840] =	vst v63  }
0x59: {  	p3 =	sne.s32 s5, s30;
	s29 =	sadd.s32 $0xFFFFFE80, s21  }
0x5a: {  	[spmem:s1] =	stream.indirect.scatter.add.f32 [tilespmem:s2], [sflag:$0xC], $0x40, s29, s26, $0xb8;
	[tilespmem:$0x1A840] =	vst v63  }
0x5b: {  	s30 =	simm.s32 @!p3 $0x80;
	s31 =	simm.s32 @!p3 $0x19080  }
0x5c: {  	[spmem:s4] =	stream.indirect.scatter.add.f32 @!p3 [tilespmem:s31], [sflag:$0x10], $0x8, s29, s30, $0xb8;
	[tilespmem:$0x1A840] =	vst v63  }
0x5d: {  	s29 =	simm.s32 @!p3 $0x10  }
0x5e: {  	_ =	swait.ge @!p3 [sflag:s29], $0x400  }
0x5f: {  	[sflag:s29] =	ssyncset.done @!p3 $0x0  }
0x60: {  	[sflag:s29] =	ssyncadd.s32 @!p3 $0xFFFFFC00;
	s29 =	simm.s32 @!p2 $0xF  }
0x61: {  	_ =	swait.ge @!p2 [sflag:s29], $0x2000  }
0x62: {  	[sflag:s29] =	ssyncset.done @!p2 $0x0  }
0x63: {  	[sflag:s29] =	ssyncadd.s32 @!p2 $0xFFFFE000  }
0x64: {  	_ =	swait.ge [sflag:s9], $0x80  }
0x65: {  	[sflag:s9] =	ssyncset.done $0x0  }
0x66: {  	s31 =	simm.s32 $0x180;
	[sflag:s9] =	ssyncadd.s32 $0xFFFFFF80  }
0x67: {  	[tilespmem:s10], [sflag:$0x9] =	stream.indirect.gather [hbm4b:s18+s26], $0x40, s31, s26, $0xb8;
	[tilespmem:$0x1A840] =	vst v63  }
0x68: {  	_ =	swait.ge [sflag:s11], $0x2000  }
0x69: {  	[sflag:s11] =	ssyncset.done $0x0  }
0x6a: {  	s30 =	simm.s32 @!p0 $0x100;
	s29 =	sadd.s32 @!p0 $0x70, s3;
	[sflag:s11] =	ssyncadd.s32 $0xFFFFE000  }
0x6b: {  	[tilespmem:s30], [sflag:$0x3] =	stream.linear.gather @!p0 [hbm4b:s29+s28], $0x80, $0x38;
	[tilespmem:$0x1A840] =	vst v63  }
0x6c: {  	s29 =	sadd.s32 $0xFFFFFF00, s21  }
0x6d: {  	[spmem:s1] =	stream.indirect.scatter.add.f32 [tilespmem:s7], [sflag:$0xD], $0x40, s29, s26, $0xb8;
	[tilespmem:$0x1A840] =	vst v63  }
0x6e: {  	_ = 	snop  }
0x6f: {  	[spmem:s4] =	stream.indirect.scatter.add.f32 @!p1 [tilespmem:s0], [sflag:$0x10], $0x8, s29, s17, $0xb8;
	[tilespmem:$0x1A840] =	vst v63  }
0x70: {  	_ =	swait.ge @!p1 [sflag:s19], $0x400  }
0x71: {  	[sflag:s19] =	ssyncset.done @!p1 $0x0  }
0x72: {  	[sflag:s19] =	ssyncadd.s32 @!p1 $0xFFFFFC00  }
0x73: {  	_ =	swait.ge [sflag:s12], $0x2000  }
0x74: {  	[sflag:s12] =	ssyncset.done $0x0  }
0x75: {  	[sflag:s12] =	ssyncadd.s32 $0xFFFFE000  }
0x76: {  	_ =	swait.ge [sflag:s14], $0x80  }
0x77: {  	[sflag:s14] =	ssyncset.done $0x0  }
0x78: {  	s30 =	simm.s32 $0x200;
	[sflag:s14] =	ssyncadd.s32 $0xFFFFFF80  }
0x79: {  	[tilespmem:s15], [sflag:$0xA] =	stream.indirect.gather [hbm4b:s18+s26], $0x40, s30, s26, $0xb8;
	[tilespmem:$0x1A840] =	vst v63  }
0x7a: {  	_ =	swait.ge [sflag:s16], $0x2000  }
0x7b: {  	[sflag:s16] =	ssyncset.done $0x0  }
0x7c: {  	s3 =	sadd.s32 @!p0 $0x80, s3;
	s29 =	simm.s32 @!p0 $0x180;
	[sflag:s16] =	ssyncadd.s32 $0xFFFFE000  }
0x7d: {  	[tilespmem:s29], [sflag:$0x4] =	stream.linear.gather @!p0 [hbm4b:s3+s28], $0x80, $0x38;
	[tilespmem:$0x1A840] =	vst v63  }
0x7e: {  	s28 =	srdreg.scid  }
0x7f: {  	s3 =	sadd.s32 $0xFFFFFF80, s21;
	s24 =	sxor.u32 s28, s24  }
0x80: {  	[spmem:s1] =	stream.indirect.scatter.add.f32 [tilespmem:s10], [sflag:$0xE], $0x40, s3, s26, $0xb8;
	[tilespmem:$0x1A840] =	vst v63  }
0x81: {  	s24 =	sand.u32 $0x1, s24  }
0x82: {  	p3 =	seq.s32 s24, $0x0  }
0x83: {  	s24 =	simm.s32 @!p3 $0x80;
	s28 =	simm.s32 @!p3 $0x19080  }
0x84: {  	[spmem:s4] =	stream.indirect.scatter.add.f32 @!p3 [tilespmem:s28], [sflag:$0x10], $0x8, s3, s24, $0xb8;
	[tilespmem:$0x1A840] =	vst v63  }
0x85: {  	s3 =	simm.s32 @!p3 $0x10  }
0x86: {  	_ =	swait.ge @!p3 [sflag:s3], $0x400  }
0x87: {  	p2 =	sne.s32 s6, $0x9B0;
	[sflag:s3] =	ssyncset.done @!p3 $0x0  }
0x88: {  	[sflag:s3] =	ssyncadd.s32 @!p3 $0xFFFFFC00;
	s3 =	simm.s32 @p2 $0xC  }
0x89: {  	_ =	swait.ge @p2 [sflag:s3], $0x2000  }
0x8a: {  	[sflag:s3] =	ssyncset.done @p2 $0x0  }
0x8b: {  	[sflag:s3] =	ssyncadd.s32 @p2 $0xFFFFE000;
	s3 =	simm.s32 @p2 $0x1  }
0x8c: {  	_ =	swait.ge @p2 [sflag:s3], $0x80  }
0x8d: {  	s24 =	simm.s32 @p2 $0x0;
	[sflag:s3] =	ssyncset.done @p2 $0x0  }
0x8e: {  	s28 =	simm.s32 @p2 $0x5280;
	[sflag:s3] =	ssyncadd.s32 @p2 $0xFFFFFF80;
	s3 =	simm.s32 @p2 $0x80  }
0x8f: {  	[tilespmem:s28], [sflag:$0x6] =	stream.indirect.gather @p2 [hbm4b:s18+s3], $0x40, s24, s3, $0xb8;
	[tilespmem:$0x1A840] =	vst v63  }
0x90: {  	s3 =	simm.s32 @p2 $0xA  }
0x91: {  	_ =	swait.ge @p2 [sflag:s3], $0x2000  }
0x92: {  	s28 =	sadd.s32 @p2 s6, s22;
	[sflag:s3] =	ssyncset.done @p2 $0x0  }
0x93: {  	[sflag:s3] =	ssyncadd.s32 @p2 $0xFFFFE000;
	s3 =	sadd.s32 @p2 $0x90, s28;
	s28 =	simm.s32 @p2 $0x200  }
0x94: {  	[tilespmem:s28], [sflag:$0x5] =	stream.linear.gather @p2 [hbm4b:s3+s24], $0x80, $0x38;
	[tilespmem:$0x1A840] =	vst v63  }
0x95: {  	s3 =	simm.s32 @!p2 $0xA  }
0x96: {  	_ =	swait.ge @!p2 [sflag:s3], $0x2000  }
0x97: {  	[sflag:s3] =	ssyncset.done @!p2 $0x0  }
0x98: {  	[sflag:s3] =	ssyncadd.s32 @!p2 $0xFFFFE000  }
0x99: {  	[spmem:s1] =	stream.indirect.scatter.add.f32 [tilespmem:s15], [sflag:$0xF], $0x40, s21, s26, $0xb8;
	[tilespmem:$0x1A840] =	vst v63  }
0x9a: {  	_ = 	snop  }
0x9b: {  	[spmem:s4] =	stream.indirect.scatter.add.f32 @!p1 [tilespmem:s0], [sflag:$0x10], $0x8, s21, s17, $0xb8;
	[tilespmem:$0x1A840] =	vst v63  }
0x9c: {  	_ =	swait.ge @!p1 [sflag:s19], $0x400  }
0x9d: {  	[sflag:s19] =	ssyncset.done @!p1 $0x0  }
0x9e: {  	s6 =	sadd.s32 @!p0 $0x50, s6;
	s0 =	simm.s32 @!p0 $0xD;
	[sflag:s19] =	ssyncadd.s32 @!p1 $0xFFFFFC00  }
0x9f: {  	p1 =	sne.s32 @!p0 s6, $0xA00;
	_ =	swait.ge @!p0 [sflag:s0], $0x2000  }
0xa0: {  	p1 =	por p0, !p1;
	[sflag:s0] =	ssyncset.done @!p0 $0x0  }
.Ltmp0:
0xa1: {  	[sflag:s0] =	ssyncadd.s32 @!p0 $0xFFFFE000;
	s0 =	simm.s32 @!p0 $0x2;
	(pc) =	sbr.rel @!p1 .LBB2_2-.Ltmp0, $4  }
0xa2: {  	s20 =	sadd.s32 @!p0 $0x1, s20;
	_ =	swait.ge @!p0 [sflag:s0], $0x80  }
0xa3: {  	s29 =	simm.s32 $0x100;
	s17 =	simm.s32 $0x5280;
	[sflag:s0] =	ssyncset.done @!p0 $0x0  }
0xa4: {  	s21 =	sadd.s32 @!p0 $0x280, s21;
	[sflag:s0] =	ssyncadd.s32 @!p0 $0xFFFFFF80;
	s0 =	simm.s32 @!p0 $0x7280  }
0xa5: {  	[tilespmem:s0], [sflag:$0x7] =	stream.indirect.gather @!p0 [hbm4b:s18+s13], $0x40, s13, s13, $0xb8;
	[tilespmem:$0x1A840] =	vst v63  }
0xa6: {  	s0 =	simm.s32 $0xC  }
0xa7: {  	_ =	swait.ge [sflag:s0], $0x2000  }
0xa8: {  	[sflag:s0] =	ssyncset.done $0x0  }
0xa9: {  	s3 =	simm.s32 $0xD;
	[sflag:s0] =	ssyncadd.s32 $0xFFFFE000  }
0xaa: {  	_ =	swait.ge [sflag:s3], $0x2000  }
0xab: {  	[sflag:s3] =	ssyncset.done $0x0  }
0xac: {  	s6 =	simm.s32 $0xE;
	[sflag:s3] =	ssyncadd.s32 $0xFFFFE000  }
0xad: {  	_ =	swait.ge [sflag:s6], $0x2000  }
0xae: {  	[sflag:s6] =	ssyncset.done $0x0  }
0xaf: {  	s13 =	simm.s32 $0xF;
	[sflag:s6] =	ssyncadd.s32 $0xFFFFE000  }
0xb0: {  	_ =	swait.ge [sflag:s13], $0x2000  }
0xb1: {  	[sflag:s13] =	ssyncset.done $0x0  }
0xb2: {  	[sflag:s13] =	ssyncadd.s32 $0xFFFFE000  }
0xb3: {  	[bflag:$0x0] =	sbarrier.arrive $0xFFFF  }
0xb4: {  	s19 =	rddreg [dreg:$0xf]  }
0xb5: {  	s3 =	rddreg [dreg:$0x13]  }
0xb6: {  	s13 =	simm.s32 $0x10;
	s6 =	rddreg [dreg:$0x14]  }
0xb7: {  	[hbm:s19], [sflag:s3] =	dma.local [spmem:s6], $0x13C0  }
0xb8: {  	_ =	swait.ge [sflag:s13], $0x13C0  }
0xb9: {  	[sflag:s13] =	ssyncset.done $0x0;
	s20 =	rddreg [dreg:$0x10]  }
0xba: {  	s21 =	rddreg [dreg:$0x15];
	[sflag:s13] =	ssyncadd.s32 $0xFFFFEC40  }
0xbb: {  	[hbm:s20], [sflag:s3] =	dma.local [spmem:s21], $0x278  }
0xbc: {  	_ =	swait.ge [sflag:s13], $0x278  }
0xbd: {  	s24 =	rddreg [dreg:$0x12]  }
0xbe: {  	s28 =	rddreg [dreg:$0x11];
	s3 =	sadd.s32 $0x1, s24  }
0xbf: {  	p0 =	sne.s32 s3, s28  }
.Ltmp1:
0xc0: {  	_ = 	snop;
	(pc) =	sbr.rel @p0 .LBB2_1-.Ltmp1, $3  }
0xc1: {  	_ =	sdelay $0x1  }
0xc2: {  	[sflag:s13] =	ssyncset.done $0x0  }
0xc3: {  	[sflag:s13] =	ssyncadd.s32 $0xFFFFFD88  }
0xc4: {  	_ =	sfence.sel $0x180000  }
0xc5: {  	[bflag:$0x0] =	sbarrier.arrive $0xFFFF  }
0xc6: {  	_ =	strace $0x90000047  }
0xc7: {  	s0 =	stileid.u32;
	[bflag:$0x2] =	sbarrier.arrive $0xFFFF  }
0xc8: {  	p0 =	sne.s32 s0, $0x0;
	s0 =	rddreg [dreg:$0x3]  }
0xc9: {  	s0 =	sadd.s32 @!p0 $0x100000, s0  }
0xca: {  	[sflag:s0] =	ssyncadd.tile.s32 @!p0 $0x1;
	_ =	shalt  }
.Lfunc_end2:
_tile_overlayer_lowered:
.L_overlay_start_2:
0xcb: {  	(tag) =	ssettag $0x2  }
0xcc: {  	s0 =	rddreg [dreg:$0x0];
	s2 =	stileid.u32  }
0xcd: {  	s1 =	rddreg [dreg:$0x1];
	p0 =	sne.s32 s2, $0x0  }
0xce: {  	s3 =	rddreg [dreg:$0x2];
	[bflag:$0x3] =	sbarrier.arrive $0xFFFF;
	s2 =	simm.s32 @!p0 $0x1C10  }
0xcf: {  	[timem:s3], [sflag:s2] =	dma.local @!p0 [hbm:s0], s1  }
0xd0: {  	s0 =	simm.s32 @!p0 $0x10  }
0xd1: {  	_ =	swait.ge @!p0 [sflag:s0], s1  }
0xd2: {  	s1 =	ssub.s32 @!p0 $0x0, s1;
	[sflag:s0] =	ssyncset.done @!p0 $0x0  }
0xd3: {  	[sflag:s0] =	ssyncadd.s32 @!p0 s1  }
0xd4: {  	[bflag:$0x3] =	sbarrier.arrive $0xFFFF  }
0xd5: {  	_ =	shalt  }

// kernel: kernel.9.cloned.1.call-start
scs
__scs_entry_jumppad:
0x0: {  	(pc) =	sbr.rel $0x88, $3  }
0x1: {  	(tag) =	ssettag $0x0;
	lr =	simm.s32 $0x1  }
0x2: {  	[smem:$0x3F99] =	sst lr;
	_ =	strace $0xD0000000  }
0x3: {  	_ = 	snop  }
0x4: {  	_ = 	snop  }
0x5: {  	_ = 	snop  }
0x6: {  	_ = 	snop  }
0x7: {  	_ = 	snop  }
__scs_overlays_trampoline_lowered:
0x8: {  	[smem:$0x3FA8] =	sst s0  }
0x9: {  	[smem:$0x3FA9] =	sst s1  }
0xa: {  	[smem:$0x3FAA] =	sst s2  }
0xb: {  	[smem:$0x3FAB] =	sst s3  }
0xc: {  	[smem:$0x3FAC] =	sst s4  }
0xd: {  	[smem:$0x3FAD] =	sst s5  }
0xe: {  	[smem:$0x3FAE] =	sst s6  }
0xf: {  	[smem:$0x3FAF] =	sst s7  }
0x10: {  	[smem:$0x3FB0] =	sst s8  }
0x11: {  	[smem:$0x3FB1] =	sst s9;
	s0 =	simm.s32 @!p0 $0x0  }
0x12: {  	s1 =	sld [smem:$0x3F97];
	s0 =	simm.s32 @p0 $0x1  }
0x13: {  	[smem:$0x3FB2] =	sst s0;
	s0 =	simm.s32 @!p1 $0x0  }
0x14: {  	s2 =	sld [smem:$0x3F96];
	s0 =	simm.s32 @p1 $0x1  }
0x15: {  	[smem:$0x3FB3] =	sst s0;
	s0 =	simm.s32 @!p2 $0x0  }
0x16: {  	s3 =	sld [smem:$0x3FDB];
	s0 =	simm.s32 @p2 $0x1  }
0x17: {  	s4 =	simm.s32 $0x1BF5;
	[smem:$0x3FB5] =	sst s0  }
0x18: {  	s0 =	sld [smem:$0x3F98];
	_ =	swait.ge [sflag:s4], $0x0  }
0x19: {  	s7 =	sld [smem:$0x3F99]  }
0x1a: {  	s8 =	sadd.s32 $0xFFFFE003, lr  }
0x1b: {  	s9 =	sadd.s32 $0xFFFFFEF7, lr;
	s5 =	simm.s32 $0xFFFFFFFF;
	p2 =	slt.u32 s8, $0xFFFFF086  }
0x1c: {  	p1 =	slt.u32 s9, $0xF7A;
	s5 =	simm.s32 @!p2 $0x0  }
0x1d: {  	s5 =	simm.s32 @p1 $0x1;
	p0 =	seq.s32 s7, s2  }
0x1e: {  	s7 =	smul.u32 @!p0 $0xF7A, s2;
	p2 =	seq.s32 @!p0 s5, $0x0  }
0x1f: {  	s9 =	smul.u32 $0xF7A, s1;
	s8 =	simm.s32 @!p0 $0x1BF5;
	p2 =	por !p2, p0  }
0x20: {  	[sflag:s8] =	ssyncset.s32 @!p0 $0xFFFFF086;
	s6 =	sadd.s32 @!p0 s3, s7;
	s7 =	simm.s32 @!p0 $0x108  }
0x21: {  	s3 =	sadd.s32 s3, s9;
	s6 =	sadd.s32 @!p0 $0x88, s6;
	s7 =	simm.s32 @p2 $0x1082  }
0x22: {  	[simem:s7], [sflag:s8] =	dma.local @!p0 [hbm:s6], $0xF7A  }
0x23: {  	s9 =	sor.u32 $0xD0000000, s2;
	s6 =	simm.s32 $0x108;
	_ =	swait.ge @!p0 [sflag:s8], $0x0  }
0x24: {  	s3 =	sadd.s32 $0x88, s3;
	s6 =	simm.s32 @!p1 $0x1082;
	[sflag:s4] =	ssyncset.s32 $0xFFFFF086  }
0x25: {  	[simem:s6], [sflag:s4] =	dma.local [hbm:s3], $0xF7A  }
0x26: {  	[smem:$0x3F99] =	sst s1;
	(tag) =	ssettag s2;
	_ =	strace s9  }
0x27: {  	s1 =	sld [smem:$0x3FA9]  }
0x28: {  	s2 =	sld [smem:$0x3FAA]  }
0x29: {  	s4 =	sld [smem:$0x3FAC]  }
0x2a: {  	p0 =	seq.s32 s5, $0x0;
	s5 =	sld [smem:$0x3FAD]  }
0x2b: {  	s6 =	sld [smem:$0x3FAE]  }
0x2c: {  	s7 =	sld [smem:$0x3FAF]  }
0x2d: {  	s3 =	simm.s32 $0x108;
	s8 =	sld [smem:$0x3FB0]  }
0x2e: {  	s3 =	simm.s32 @!p0 $0x1082;
	s9 =	sld [smem:$0x3FB1]  }
0x2f: {  	lr =	sadd.s32 s0, s3;
	s0 =	sld [smem:$0x3FA8]  }
0x30: {  	s3 =	sld [smem:$0x3FAB]  }
0x31: {  	[smem:$0x3FB4] =	sst s10  }
0x32: {  	s10 =	sld [smem:$0x3FB2];
	_ =	sdelay $0x3  }
0x33: {  	p0 =	seq.s32 s10, $0x1;
	s10 =	sld [smem:$0x3FB4];
	_ =	sdelay $0x3  }
0x34: {  	[smem:$0x3FB4] =	sst s10  }
0x35: {  	s10 =	sld [smem:$0x3FB3];
	_ =	sdelay $0x3  }
0x36: {  	p1 =	seq.s32 s10, $0x1;
	s10 =	sld [smem:$0x3FB4];
	_ =	sdelay $0x3  }
0x37: {  	[smem:$0x3FB4] =	sst s10  }
0x38: {  	s10 =	sld [smem:$0x3FB5]  }
0x39: {  	_ = 	snop;
	(pc) =	sbr.ind lr, $3  }
0x3a: {  	_ = 	snop  }
0x3b: {  	_ = 	snop  }
0x3c: {  	p2 =	seq.s32 s10, $0x1;
	s10 =	sld [smem:$0x3FB4]  }
0x3d: {  	_ =	shalt  }
0x3e: {  	_ =	shalt  }
0x3f: {  	_ =	shalt  }
0x40: {  	_ =	shalt  }
0x41: {  	_ =	shalt  }
0x42: {  	_ =	shalt  }
0x43: {  	_ =	shalt  }
0x44: {  	_ =	shalt  }
0x45: {  	_ =	shalt  }
0x46: {  	_ =	shalt  }
0x47: {  	_ =	shalt  }
0x48: {  	_ =	shalt  }
0x49: {  	_ =	shalt  }
0x4a: {  	_ =	shalt  }
0x4b: {  	_ =	shalt  }
0x4c: {  	_ =	shalt  }
0x4d: {  	_ =	shalt  }
0x4e: {  	_ =	shalt  }
0x4f: {  	_ =	shalt  }
0x50: {  	_ =	shalt  }
0x51: {  	_ =	shalt  }
0x52: {  	_ =	shalt  }
0x53: {  	_ =	shalt  }
0x54: {  	_ =	shalt  }
0x55: {  	_ =	shalt  }
0x56: {  	_ =	shalt  }
0x57: {  	_ =	shalt  }
0x58: {  	_ =	shalt  }
0x59: {  	_ =	shalt  }
0x5a: {  	_ =	shalt  }
0x5b: {  	_ =	shalt  }
0x5c: {  	_ =	shalt  }
0x5d: {  	_ =	shalt  }
0x5e: {  	_ =	shalt  }
0x5f: {  	_ =	shalt  }
0x60: {  	_ =	shalt  }
0x61: {  	_ =	shalt  }
0x62: {  	_ =	shalt  }
0x63: {  	_ =	shalt  }
0x64: {  	_ =	shalt  }
0x65: {  	_ =	shalt  }
0x66: {  	_ =	shalt  }
0x67: {  	_ =	shalt  }
0x68: {  	_ =	shalt  }
0x69: {  	_ =	shalt  }
0x6a: {  	_ =	shalt  }
0x6b: {  	_ =	shalt  }
0x6c: {  	_ =	shalt  }
0x6d: {  	_ =	shalt  }
0x6e: {  	_ =	shalt  }
0x6f: {  	_ =	shalt  }
0x70: {  	_ =	shalt  }
0x71: {  	_ =	shalt  }
0x72: {  	_ =	shalt  }
0x73: {  	_ =	shalt  }
0x74: {  	_ =	shalt  }
0x75: {  	_ =	shalt  }
0x76: {  	_ =	shalt  }
0x77: {  	_ =	shalt  }
0x78: {  	_ =	shalt  }
0x79: {  	_ =	shalt  }
0x7a: {  	_ =	shalt  }
0x7b: {  	_ =	shalt  }
0x7c: {  	_ =	shalt  }
0x7d: {  	_ =	shalt  }
0x7e: {  	_ =	shalt  }
0x7f: {  	_ =	shalt  }
0x80: {  	_ =	shalt  }
0x81: {  	_ =	shalt  }
0x82: {  	_ =	shalt  }
0x83: {  	_ =	shalt  }
0x84: {  	_ =	shalt  }
0x85: {  	_ =	shalt  }
0x86: {  	_ =	shalt  }
0x87: {  	_ =	shalt  }
.Lfunc_end0:
.L_simem_size_0:
called_computation.1_lowered:
.L_overlay_start_0:
0x88: {  	s2 =	sld [smem:$0x3FD9]  }
0x89: {  	s3 =	sld [smem:$0x3FFE];
	_ =	sdelay $0x1  }
0x8a: {  	s1 =	srdreg.scid  }
0x8b: {  	s0 =	sand.u32 $0x1, s1  }
0x8c: {  	s16 =	sshll.u32 s0, $0xA;
	s2 =	sadd.s32 s3, s2  }
0x8d: {  	s2 =	sadd.s32 s2, s16  }
0x8e: {  	[smem:$0x3FC0] =	sst s2  }
0x8f: {  	_ = 	snop  }
0x90: {  	(tm) =	ssettm $0x1  }
0x91: {  	s17 =	sld [smem:$0x3FFB];
	_ =	sdelay $0x3  }
0x92: {  	_ =	strace s17  }
0x93: {  	s2 =	sld [smem:$0x3FFC];
	_ =	sdelay $0x3  }
0x94: {  	_ =	strace s2  }
0x95: {  	s2 =	sld [smem:$0x3FFD];
	_ =	sdelay $0x3  }
0x96: {  	_ =	strace s2  }
0x97: {  	_ =	strace $0x8FFFFFFF  }
0x98: {  	s18 =	sld [smem:$0x3FDB];
	_ =	sdelay $0x1  }
0x99: {  	s19 =	simm.s32 $_scs_section_size  }
0x9a: {  	s4 =	simm.s32 $_size__tile_overlayer_lowered;
	s5 =	simm.s32 $_tile_overlayer_lowered  }
0x9b: {  	s22 =	simm.s32 $0x1BFF;
	s21 =	sshll.u32 s5, $0x1;
	s2 =	sadd.s32 s19, s18  }
0x9c: {  	s6 =	simm.s32 $0x0;
	s20 =	sshll.u32 s4, $0x1;
	s4 =	sadd.s32 s21, s2  }
0x9d: {  	[timem:s6], [sflag:s22] =	dma.local [hbm:s4], s20  }
0x9e: {  	_ =	swait.ge [sflag:s22], s20  }
0x9f: {  	s3 =	ssub.s32 $0x0, s20;
	[sflag:s22] =	ssyncset.done $0x0  }
0xa0: {  	[sflag:s22] =	ssyncadd.s32 s3;
	_ =	sdelay $0x1  }
0xa1: {  	s23 =	simm.s32 $0x1B8B  }
0xa2: {  	_ =	swait.ge [sflag:s23], $0x1  }
0xa3: {  	[sflag:s23] =	ssyncset.done $0x0  }
0xa4: {  	s25 =	simm.s32 $0x1B8E;
	s24 =	sld [smem:$0x3FFE];
	[sflag:s23] =	ssyncadd.s32 $0xFFFFFFFF  }
0xa5: {  	s26 =	simm.s32 $execute0_lowered;
	[smem:$0x3FD2] =	sst s25  }
0xa6: {  	s4 =	sshll.u32 s26, $0x1;
	_ =	strace $0x80000049;
	[dreg:$0x1] =	wrdreg $0xFFFFFFFF  }
0xa7: {  	s28 =	simm.s32 $_size_execute0_lowered;
	s2 =	sadd.s32 s2, s4;
	[dreg:$0x0] =	wrdreg $0x0  }
0xa8: {  	s4 =	sshll.u32 s28, $0x1;
	[dreg:$0x2] =	wrdreg s2  }
0xa9: {  	[dreg:$0x3] =	wrdreg s4  }
0xaa: {  	[dreg:$0x4] =	wrdreg $0xC0  }
0xab: {  	_ =	task [dreg:s6], $0x5FFFF  }
0xac: {  	[dreg:$0x1] =	wrdreg $0xFFFFFFFF  }
0xad: {  	[dreg:$0x0] =	wrdreg $0x60  }
0xae: {  	[dreg:$0x2] =	wrdreg s24  }
0xaf: {  	[dreg:$0x3] =	wrdreg $0xF2800  }
0xb0: {  	[dreg:$0x4] =	wrdreg $0x9  }
0xb1: {  	_ =	task.clear_ibuf [dreg:s6], $0x5FFFF;
	_ =	strace $0x90000049  }
0xb2: {  	s29 =	simm.s32 $0x9;
	_ =	strace $0x8000004B  }
0xb3: {  	_ =	swait.ge [sflag:s29], $0x1  }
0xb4: {  	[sflag:s29] =	ssyncadd.s32 $0xFFFFFFFF  }
0xb5: {  	_ =	strace $0x9000004B  }
0xb6: {  	_ =	sfence  }
0xb7: {  	s30 =	sld [smem:$0x0];
	_ =	sdelay $0x2  }
0xb8: {  	s31 =	sshll.u32 s1, $0xD;
	s1 =	sshrl.u32 s1, $0x2  }
0xb9: {  	s3 =	sand.u32 $0x4000, s31;
	s1 =	sadd.s32 s1, s30  }
0xba: {  	s0 =	sor.u32 s3, s0;
	s1 =	sshll.u32 s1, $0x11  }
0xbb: {  	s0 =	sor.u32 s1, s0  }
0xbc: {  	s0 =	sadd.s32 $0x8F2B, s0  }
0xbd: {  	[sflag:s0] =	ssyncadd.remote.s32 $0x1  }
0xbe: {  	_ =	sfence.sel $0xFFFF  }
0xbf: {  	[dreg:$0x0] =	wrdreg $0xFFFFFFFF;
	(pc) =	sbr.abs _section_cstart, $3  }
0xc0: {  	[dreg:$0x1] =	wrdreg $0xFFFFFFFF  }
0xc1: {  	_ =	task.clear_ibuf [dreg:s6], $0x2FFFF;
	_ =	strace $0x9FFFFFFF  }
0xc2: {  	(tm) =	ssettm $0x7FFFFFFF  }
0xc3: {  	_ =	shalt  }
tec
execute0_lowered:
.L_overlay_start_1:
0x0: {  	(tag) =	ssettag $0x1  }
0x1: {  	s0 =	srdreg.scid;
	s1 =	rddreg [dreg:$0x0]  }
0x2: {  	s10 =	stileid.u32;
	s2 =	rddreg [dreg:$0x1];
	s3 =	simm.s32 $0x0  }
0x3: {  	s16 =	simm.s32 $0x10;
	s28 =	simm.s32 $0xE;
	s29 =	simm.s32 $0x3  }
0x4: {  	s30 =	simm.s32 $0x9280;
	s31 =	simm.s32 $0x7;
	s5 =	smul.u32 $0x5000, s10  }
0x5: {  	s12 =	simm.s32 $0xC;
	s13 =	simm.s32 $0xD;
	s6 =	smul.u32 $0x9E00, s10  }
0x6: {  	s0 =	sand.u32 $0x1, s0;
	[smem:$0x7FF] =	sst s3;
	s25 =	smul.u32 $0xA00, s10  }
0x7: {  	s8 =	sadd.s32 $0x32600, s1;
	s11 =	sadd.s32 $0x3C600, s1;
	s4 =	smul.u32 $0x13880, s0  }
0x8: {  	s26 =	sshll.u32 s10, $0x6;
	s10 =	simm.s32 $0xA;
	s7 =	smul.u32 $0x9E000, s0  }
0x9: {  	_ =	strace $0x8000004A;
	s0 =	ssub.s32 $0x2, s0;
	[dreg:$0x3] =	wrdreg s11  }
0xa: {  	s5 =	sshrl.u32 s5, $0x3;
	s17 =	sshrl.u32 s0, $0x1;
	s20 =	sadd.s32 s6, s2  }
0xb: {  	s14 =	sadd.s32 s25, s8;
	s25 =	simm.s32 $0x7280;
	s4 =	sadd.s32 s4, s1  }
0xc: {  	s7 =	sadd.s32 s6, s7;
	s9 =	sadd.s32 s5, s1;
	s0 =	ssub.s32 s0, s17  }
0xd: {  	s19 =	sadd.s32 s8, s5;
	s17 =	sor.u32 $0x1C10, s26;
	s15 =	sshrl.u32 s20, $0x3  }
0xe: {  	s20 =	simm.s32 $0x200;
	s26 =	simm.s32 $0x6;
	[dreg:$0x5] =	wrdreg s19  }
0xf: {  	s5 =	simm.s32 $0xB;
	s8 =	simm.s32 $0xD280;
	[dreg:$0xc] =	wrdreg s17  }
0x10: {  	s7 =	sshrl.u32 s7, $0x3;
	s18 =	sadd.s32 $0x28600, s9;
	[dreg:$0xd] =	wrdreg s15  }
0x11: {  	s21 =	sadd.s32 $0x10, s19;
	s22 =	sadd.s32 $0x20, s19;
	[dreg:$0x4] =	wrdreg s18  }
0x12: {  	s23 =	sadd.s32 $0x30, s19;
	s24 =	sadd.s32 $0x40, s19;
	[dreg:$0x6] =	wrdreg s21  }
0x13: {  	s11 =	sadd.s32 $0x1400, s4;
	s0 =	smax.u32 s0, $0x1;
	[dreg:$0x7] =	wrdreg s22  }
0x14: {  	s4 =	simm.s32 $0x8;
	s9 =	simm.s32 $0x9;
	[dreg:$0x8] =	wrdreg s23  }
.Ltmp0:
0x15: {  	s19 =	simm.s32 $0x0;
	[dreg:$0x9] =	wrdreg s24;
	(pc) =	sbr.rel .LBB2_1-.Ltmp0, $4  }
0x16: {  	s1 =	sadd.s32 s7, s1;
	[dreg:$0xb] =	wrdreg s0;
	s18 =	simm.s32 $0x80  }
0x17: {  	s21 =	simm.s32 $0x180;
	s22 =	simm.s32 $0x1;
	s23 =	simm.s32 $0x5280  }
0x18: {  	s24 =	simm.s32 $0x2;
	s0 =	simm.s32 $0xB280;
	s1 =	sadd.s32 $0x3E000, s1  }
0x19: {  	s7 =	simm.s32 $0x5;
	[dreg:$0xa] =	wrdreg s1;
	s1 =	simm.s32 $0x4  }
.LBB2_9:
0x1a: {  	[spmem:s2] =	stream.indirect.scatter.add.f32 [tilespmem:s0], [sflag:$0xE], $0x40, s6, s18, $0xb8;
	[tilespmem:$0x19080] =	vst v63  }
0x1b: {  	_ =	swait.ge [sflag:s10], $0x2000  }
0x1c: {  	[sflag:s10] =	ssyncset.done $0x0  }
0x1d: {  	s16 =	sadd.s32 $0x200, s16;
	[sflag:s10] =	ssyncadd.s32 $0xFFFFE000  }
0x1e: {  	[spmem:s2] =	stream.indirect.scatter.add.f32 [tilespmem:s8], [sflag:$0xF], $0x40, s16, s18, $0xb8;
	[tilespmem:$0x19080] =	vst v63  }
0x1f: {  	_ =	swait.ge [sflag:s12], $0x2000  }
0x20: {  	[sflag:s12] =	ssyncset.done $0x0  }
0x21: {  	[sflag:s12] =	ssyncadd.s32 $0xFFFFE000  }
0x22: {  	_ =	swait.ge [sflag:s13], $0x2000  }
0x23: {  	[sflag:s13] =	ssyncset.done $0x0  }
0x24: {  	[sflag:s13] =	ssyncadd.s32 $0xFFFFE000  }
0x25: {  	_ =	swait.ge [sflag:s28], $0x2000  }
0x26: {  	[sflag:s28] =	ssyncset.done $0x0  }
0x27: {  	s17 =	simm.s32 $0xF;
	[sflag:s28] =	ssyncadd.s32 $0xFFFFE000  }
0x28: {  	_ =	swait.ge [sflag:s17], $0x2000  }
0x29: {  	[sflag:s17] =	ssyncset.done $0x0  }
0x2a: {  	[sflag:s17] =	ssyncadd.s32 $0xFFFFE000  }
0x2b: {  	[bflag:$0x0] =	sbarrier.arrive $0xFFFF  }
0x2c: {  	s19 =	rddreg [dreg:$0xa]  }
0x2d: {  	s17 =	rddreg [dreg:$0xc]  }
0x2e: {  	s16 =	simm.s32 $0x10;
	s15 =	rddreg [dreg:$0xd]  }
0x2f: {  	[hbm:s19], [sflag:s17] =	dma.local [spmem:s15], $0x13C0  }
0x30: {  	_ =	swait.ge [sflag:s16], $0x13C0  }
0x31: {  	s19 =	rddreg [dreg:$0xe]  }
0x32: {  	s6 =	rddreg [dreg:$0xb];
	s19 =	sadd.s32 $0x1, s19  }
0x33: {  	p0 =	sne.s32 s19, s6  }
.Ltmp1:
0x34: {  	_ = 	snop;
	(pc) =	sbr.rel @!p0 .LBB2_10-.Ltmp1, $3  }
0x35: {  	_ =	sdelay $0x1  }
0x36: {  	[sflag:s16] =	ssyncset.done $0x0  }
0x37: {  	[sflag:s16] =	ssyncadd.s32 $0xFFFFEC40  }
.LBB2_1:
0x38: {  	[dreg:$0xe] =	wrdreg s19  }
0x39: {  	s19 =	smov.u32 s15;
	s15 =	simm.s32 $0x280;
	s6 =	rddreg [dreg:$0x4]  }
0x3a: {  	[tilespmem:s15], [sflag:$0x10] =	stream.linear.gather [hbm4b:s6+s3], $0x5000, $0x38;
	[tilespmem:$0x19080] =	vst v63  }
0x3b: {  	_ =	swait.ge [sflag:s16], $0x5000  }
0x3c: {  	[sflag:s16] =	ssyncset.done $0x0  }
0x3d: {  	s6 =	rddreg [dreg:$0x3];
	[sflag:s16] =	ssyncadd.s32 $0xFFFFB000  }
0x3e: {  	[spmem:s19], [sflag:s17] =	dma.local [hbm:s6], $0x13C0  }
0x3f: {  	_ =	swait.ge [sflag:s16], $0x13C0  }
0x40: {  	[sflag:s16] =	ssyncset.done $0x0  }
0x41: {  	[sflag:s16] =	ssyncadd.s32 $0xFFFFEC40  }
0x42: {  	[bflag:$0x0] =	sbarrier.arrive $0xFFFF  }
0x43: {  	s17 =	rddreg [dreg:$0x5]  }
0x44: {  	[tilespmem:s3], [sflag:$0x1] =	stream.linear.gather [hbm4b:s17+s3], $0x80, $0x38;
	[tilespmem:$0x19080] =	vst v63  }
0x45: {  	s19 =	rddreg [dreg:$0x6]  }
0x46: {  	[tilespmem:s18], [sflag:$0x2] =	stream.linear.gather [hbm4b:s19+s3], $0x80, $0x38;
	[tilespmem:$0x19080] =	vst v63  }
0x47: {  	s16 =	rddreg [dreg:$0x7];
	s17 =	simm.s32 $0x100  }
0x48: {  	[tilespmem:s17], [sflag:$0x3] =	stream.linear.gather [hbm4b:s16+s3], $0x80, $0x38;
	[tilespmem:$0x19080] =	vst v63  }
0x49: {  	s19 =	rddreg [dreg:$0x8]  }
0x4a: {  	[tilespmem:s21], [sflag:$0x4] =	stream.linear.gather [hbm4b:s19+s3], $0x80, $0x38;
	[tilespmem:$0x19080] =	vst v63  }
0x4b: {  	s21 =	rddreg [dreg:$0x9]  }
0x4c: {  	[tilespmem:s20], [sflag:$0x5] =	stream.linear.gather [hbm4b:s21+s3], $0x80, $0x38;
	[tilespmem:$0x19080] =	vst v63  }
0x4d: {  	_ =	swait.ge [sflag:s22], $0x80  }
0x4e: {  	[sflag:s22] =	ssyncset.done $0x0  }
0x4f: {  	[sflag:s22] =	ssyncadd.s32 $0xFFFFFF80  }
0x50: {  	[tilespmem:s23], [sflag:$0x6] =	stream.indirect.gather [hbm4b:s11+s18], $0x40, s3, s18, $0xb8;
	[tilespmem:$0x19080] =	vst v63  }
0x51: {  	_ =	swait.ge [sflag:s24], $0x80  }
0x52: {  	[sflag:s24] =	ssyncset.done $0x0  }
0x53: {  	s17 =	simm.s32 $0x0;
	[sflag:s24] =	ssyncadd.s32 $0xFFFFFF80  }
0x54: {  	[tilespmem:s25], [sflag:$0x7] =	stream.indirect.gather [hbm4b:s11+s18], $0x40, s18, s18, $0xb8;
	[tilespmem:$0x19080] =	vst v63  }
.LBB2_2:
0x55: {  	p0 =	sne.s32 s17, $0x9B0  }
.Ltmp2:
0x56: {  	_ = 	snop;
	(pc) =	sbr.rel @p0 .LBB2_5-.Ltmp2, $4  }
0x57: {  	_ = 	snop  }
0x58: {  	_ =	swait.ge [sflag:s26], $0x2000  }
0x59: {  	[sflag:s26] =	ssyncset.done $0x0  }
0x5a: {  	[sflag:s26] =	ssyncadd.s32 $0xFFFFE000  }
.Ltmp3:
0x5b: {  	(pc) =	sbr.rel .LBB2_4-.Ltmp3, $3  }
0x5c: {  	_ =	sdelay $0x1  }
0x5d: {  	s16 =	simm.s32 $0x5000  }
0x5e: {  	[spmem:s2] =	stream.indirect.scatter.add.f32 [tilespmem:s23], [sflag:$0xB], $0x40, s16, s18, $0xb8;
	[tilespmem:$0x19080] =	vst v63  }
.LBB2_5:
0x5f: {  	p0 =	seq.s32 s17, $0x0  }
.Ltmp4:
0x60: {  	s6 =	sadd.s32 s17, s14;
	(pc) =	sbr.rel @p0 .LBB2_6-.Ltmp4, $4  }
0x61: {  	s6 =	sadd.s32 $0x50, s6  }
0x62: {  	[tilespmem:s3], [sflag:$0x1] =	stream.linear.gather [hbm4b:s6+s3], $0x80, $0x38;
	[tilespmem:$0x19080] =	vst v63  }
0x63: {  	s16 =	smov.u32 s15  }
0x64: {  	[spmem:s2] =	stream.indirect.scatter.add.f32 [tilespmem:s23], [sflag:$0xB], $0x40, s15, s18, $0xb8;
	[tilespmem:$0x19080] =	vst v63  }
.LBB2_4:
0x65: {  	_ =	swait.ge [sflag:s28], $0x2000  }
0x66: {  	[sflag:s28] =	ssyncset.done $0x0  }
0x67: {  	p1 =	por $0x0, $0x0;
	[sflag:s28] =	ssyncadd.s32 $0xFFFFE000  }
.LBB2_7:
0x68: {  	_ =	swait.ge [sflag:s29], $0x80  }
0x69: {  	[sflag:s29] =	ssyncset.done $0x0  }
0x6a: {  	s6 =	simm.s32 $0x100;
	[sflag:s29] =	ssyncadd.s32 $0xFFFFFF80  }
0x6b: {  	[tilespmem:s30], [sflag:$0x8] =	stream.indirect.gather [hbm4b:s11+s18], $0x40, s6, s18, $0xb8;
	[tilespmem:$0x19080] =	vst v63  }
0x6c: {  	p0 =	seq.s32 s17, $0x9B0;
	_ =	swait.ge [sflag:s31], $0x2000  }
0x6d: {  	s20 =	simm.s32 @!p0 $0x0;
	s6 =	sadd.s32 @!p0 s17, s14;
	[sflag:s31] =	ssyncset.done $0x0  }
0x6e: {  	s21 =	simm.s32 @!p0 $0x80;
	s19 =	sadd.s32 @!p0 $0x60, s6;
	[sflag:s31] =	ssyncadd.s32 $0xFFFFE000  }
0x6f: {  	[tilespmem:s21], [sflag:$0x2] =	stream.linear.gather @!p0 [hbm4b:s19+s20], $0x80, $0x38;
	[tilespmem:$0x19080] =	vst v63  }
0x70: {  	s21 =	sadd.s32 $0x80, s16;
	s19 =	simm.s32 @!p1 $0xF  }
0x71: {  	[spmem:s2] =	stream.indirect.scatter.add.f32 [tilespmem:s25], [sflag:$0xC], $0x40, s21, s18, $0xb8;
	[tilespmem:$0x19080] =	vst v63  }
0x72: {  	_ =	swait.ge @!p1 [sflag:s19], $0x2000  }
0x73: {  	[sflag:s19] =	ssyncset.done @!p1 $0x0  }
0x74: {  	[sflag:s19] =	ssyncadd.s32 @!p1 $0xFFFFE000  }
0x75: {  	_ =	swait.ge [sflag:s1], $0x80  }
0x76: {  	[sflag:s1] =	ssyncset.done $0x0  }
0x77: {  	s21 =	simm.s32 $0x180;
	[sflag:s1] =	ssyncadd.s32 $0xFFFFFF80  }
0x78: {  	[tilespmem:s0], [sflag:$0x9] =	stream.indirect.gather [hbm4b:s11+s18], $0x40, s21, s18, $0xb8;
	[tilespmem:$0x19080] =	vst v63  }
0x79: {  	_ =	swait.ge [sflag:s4], $0x2000  }
0x7a: {  	[sflag:s4] =	ssyncset.done $0x0  }
0x7b: {  	s6 =	sadd.s32 @!p0 $0x70, s6;
	s19 =	simm.s32 @!p0 $0x100;
	[sflag:s4] =	ssyncadd.s32 $0xFFFFE000  }
0x7c: {  	[tilespmem:s19], [sflag:$0x3] =	stream.linear.gather @!p0 [hbm4b:s6+s20], $0x80, $0x38;
	[tilespmem:$0x19080] =	vst v63  }
0x7d: {  	s20 =	sadd.s32 $0x100, s16  }
0x7e: {  	[spmem:s2] =	stream.indirect.scatter.add.f32 [tilespmem:s30], [sflag:$0xD], $0x40, s20, s18, $0xb8;
	[tilespmem:$0x19080] =	vst v63  }
0x7f: {  	_ =	swait.ge [sflag:s5], $0x2000  }
0x80: {  	[sflag:s5] =	ssyncset.done $0x0  }
0x81: {  	[sflag:s5] =	ssyncadd.s32 $0xFFFFE000  }
0x82: {  	_ =	swait.ge [sflag:s7], $0x80  }
0x83: {  	[sflag:s7] =	ssyncset.done $0x0  }
.Ltmp5:
0x84: {  	s20 =	simm.s32 $0x200;
	[sflag:s7] =	ssyncadd.s32 $0xFFFFFF80;
	(pc) =	sbr.rel @p0 .LBB2_9-.Ltmp5, $4  }
0x85: {  	[tilespmem:s8], [sflag:$0xA] =	stream.indirect.gather [hbm4b:s11+s18], $0x40, s20, s18, $0xb8;
	[tilespmem:$0x19080] =	vst v63  }
0x86: {  	_ =	swait.ge [sflag:s9], $0x2000  }
0x87: {  	[sflag:s9] =	ssyncset.done $0x0  }
0x88: {  	s6 =	sadd.s32 $0x180, s16;
	[sflag:s9] =	ssyncadd.s32 $0xFFFFE000  }
0x89: {  	s19 =	sadd.s32 s17, s14  }
0x8a: {  	s20 =	sadd.s32 $0x80, s19  }
0x8b: {  	[tilespmem:s21], [sflag:$0x4] =	stream.linear.gather [hbm4b:s20+s3], $0x80, $0x38;
	[tilespmem:$0x19080] =	vst v63  }
0x8c: {  	_ = 	snop  }
0x8d: {  	[spmem:s2] =	stream.indirect.scatter.add.f32 [tilespmem:s0], [sflag:$0xE], $0x40, s6, s18, $0xb8;
	[tilespmem:$0x19080] =	vst v63  }
0x8e: {  	_ =	swait.ge [sflag:s12], $0x2000  }
0x8f: {  	[sflag:s12] =	ssyncset.done $0x0  }
0x90: {  	[sflag:s12] =	ssyncadd.s32 $0xFFFFE000  }
0x91: {  	_ =	swait.ge [sflag:s22], $0x80  }
0x92: {  	[sflag:s22] =	ssyncset.done $0x0  }
0x93: {  	[sflag:s22] =	ssyncadd.s32 $0xFFFFFF80  }
0x94: {  	[tilespmem:s23], [sflag:$0x6] =	stream.indirect.gather [hbm4b:s11+s18], $0x40, s3, s18, $0xb8;
	[tilespmem:$0x19080] =	vst v63  }
0x95: {  	_ =	swait.ge [sflag:s10], $0x2000  }
0x96: {  	[sflag:s10] =	ssyncset.done $0x0  }
0x97: {  	s19 =	sadd.s32 $0x90, s19;
	s21 =	simm.s32 $0x200;
	[sflag:s10] =	ssyncadd.s32 $0xFFFFE000  }
0x98: {  	[tilespmem:s21], [sflag:$0x5] =	stream.linear.gather [hbm4b:s19+s3], $0x80, $0x38;
	[tilespmem:$0x19080] =	vst v63  }
0x99: {  	s21 =	sadd.s32 $0x200, s16  }
0x9a: {  	[spmem:s2] =	stream.indirect.scatter.add.f32 [tilespmem:s8], [sflag:$0xF], $0x40, s21, s18, $0xb8;
	[tilespmem:$0x19080] =	vst v63  }
0x9b: {  	_ =	swait.ge [sflag:s13], $0x2000  }
0x9c: {  	[sflag:s13] =	ssyncset.done $0x0  }
.Ltmp6:
0x9d: {  	[sflag:s13] =	ssyncadd.s32 $0xFFFFE000;
	(pc) =	sbr.rel .LBB2_2-.Ltmp6, $4  }
0x9e: {  	_ =	swait.ge [sflag:s24], $0x80  }
0x9f: {  	[sflag:s24] =	ssyncset.done $0x0  }
0xa0: {  	s17 =	sadd.s32 $0x50, s17;
	s15 =	sadd.s32 $0x280, s15;
	[sflag:s24] =	ssyncadd.s32 $0xFFFFFF80  }
0xa1: {  	[tilespmem:s25], [sflag:$0x7] =	stream.indirect.gather [hbm4b:s11+s18], $0x40, s18, s18, $0xb8;
	[tilespmem:$0x19080] =	vst v63  }
.LBB2_6:
.Ltmp7:
0xa2: {  	(pc) =	sbr.rel .LBB2_7-.Ltmp7, $2  }
0xa3: {  	_ =	sdelay $0x2  }
0xa4: {  	p1 =	por $0x1, $0x1;
	s16 =	smov.u32 s15  }
.LBB2_10:
0xa5: {  	_ =	sfence.sel $0x180000  }
0xa6: {  	[bflag:$0x0] =	sbarrier.arrive $0xFFFF  }
0xa7: {  	_ =	strace $0x9000004A  }
0xa8: {  	s0 =	stileid.u32;
	[bflag:$0x2] =	sbarrier.arrive $0xFFFF  }
0xa9: {  	p0 =	sne.s32 s0, $0x0;
	s0 =	rddreg [dreg:$0x2]  }
0xaa: {  	s0 =	sadd.s32 @!p0 $0x100000, s0  }
0xab: {  	[sflag:s0] =	ssyncadd.tile.s32 @!p0 $0x1;
	_ =	shalt  }
.Lfunc_end2:
_tile_overlayer_lowered:
.L_overlay_start_2:
0xac: {  	(tag) =	ssettag $0x2  }
0xad: {  	s0 =	rddreg [dreg:$0x0];
	s2 =	stileid.u32  }
0xae: {  	s1 =	rddreg [dreg:$0x1];
	p0 =	sne.s32 s2, $0x0  }
0xaf: {  	s3 =	rddreg [dreg:$0x2];
	[bflag:$0x3] =	sbarrier.arrive $0xFFFF;
	s2 =	simm.s32 @!p0 $0x1C10  }
0xb0: {  	[timem:s3], [sflag:s2] =	dma.local @!p0 [hbm:s0], s1  }
0xb1: {  	s0 =	simm.s32 @!p0 $0x10  }
0xb2: {  	_ =	swait.ge @!p0 [sflag:s0], s1  }
0xb3: {  	s1 =	ssub.s32 @!p0 $0x0, s1;
	[sflag:s0] =	ssyncset.done @!p0 $0x0  }
0xb4: {  	[sflag:s0] =	ssyncadd.s32 @!p0 s1  }
0xb5: {  	[bflag:$0x3] =	sbarrier.arrive $0xFFFF  }
0xb6: {  	_ =	shalt  }

</sc_bundles>
